<compile_context>
chip_gen: v7x
topology: tpu7x:2x2x1
jax: 0.10.2.dev20260603
libtpu: 0.0.44.dev20260713+nightly
codegen_flags: <defaults>
</compile_context>

<pallas_src>
import functools

import jax
import jax.numpy as jnp
from jax import lax
from jax.experimental import pallas as pl
from jax.experimental.pallas import tpu as pltpu
from jax.experimental.pallas import tpu_sc as plsc

D = 32
NC, NS = 2, 16
NW = NC * NS
BW = 128
L = 16


def _make_gather(T, B, V):
    assert B == NW * BW
    mesh = plsc.VectorSubcoreMesh(core_axis_name="c", subcore_axis_name="s")

    @functools.partial(
        pl.kernel,
        out_type=jax.ShapeDtypeStruct((T, D, B), jnp.float32),
        mesh=mesh,
        scratch_types=[
            pltpu.VMEM((T, BW), jnp.int32),
            pltpu.VMEM((BW, D), jnp.float32),
            pltpu.VMEM((BW, D), jnp.float32),
            pltpu.VMEM((D, BW), jnp.float32),
            pltpu.VMEM((D, BW), jnp.float32),
            pltpu.SemaphoreType.DMA,
            pltpu.SemaphoreType.DMA,
            pltpu.SemaphoreType.DMA,
            pltpu.SemaphoreType.DMA,
        ],
        compiler_params=pltpu.CompilerParams(
            use_tc_tiling_on_sc=False, needs_layout_passes=False),
    )
    def gather(table_hbm, xt_hbm, q_hbm, idx_v, rows_v0, rows_v1,
               qt_v0, qt_v1, sem_i, sem_g, sem_o0, sem_o1):
        rows_v = (rows_v0, rows_v1)
        qt_v = (qt_v0, qt_v1)
        wid = lax.axis_index("s") * NC + lax.axis_index("c")
        b0 = wid * BW
        sem_o = (sem_o0, sem_o1)

        pltpu.sync_copy(xt_hbm.at[:, pl.ds(b0, BW)], idx_v)

        bvecs = [lax.iota(jnp.int32, L) + (g * L) for g in range(BW // L)]

        def fire(t, s):
            return pltpu.async_copy(
                table_hbm.at[idx_v.at[t]], rows_v[s], sem_g)

        def transpose(s):
            src = rows_v[s]
            dst = qt_v[s]

            @plsc.parallel_loop(0, D, unroll=4)
            def _(c):
                cvec = lax.broadcast(c, (L,))
                for g in range(BW // L):
                    vals = plsc.load_gather(src, [bvecs[g], cvec])
                    dst[c, pl.ds(g * L, L)] = vals

        def store_q(t, s):
            pltpu.async_copy(
                qt_v[s], q_hbm.at[t].at[:, pl.ds(b0, BW)], sem_o[s])

        def wait_store(s):
            pltpu.make_async_copy(
                qt_v[s], q_hbm.at[0].at[:, pl.ds(b0, BW)], sem_o[s]).wait()

        cp0 = fire(0, 0)
        cp1 = fire(1, 1)

        for s, cp in ((0, cp0), (1, cp1)):
            cp.wait()
            transpose(s)
            fire(s + 2, s)
            store_q(s, s)

        @pl.loop(2, T - 2, step=2)
        def _(t0):
            for s in (0, 1):
                t = t0 + s
                pltpu.make_async_copy(
                    table_hbm.at[idx_v.at[0]], rows_v[s], sem_g).wait()
                transpose(s)
                fire(t + 2, s)
                wait_store(s)
                store_q(t, s)

        for s in (0, 1):
            t = T - 2 + s
            pltpu.make_async_copy(
                table_hbm.at[idx_v.at[0]], rows_v[s], sem_g).wait()
            transpose(s)
            wait_store(s)
            store_q(t, s)

        wait_store(0)
        wait_store(1)

    return gather


def kernel(X, table):
    Bb, T = X.shape
    V, d = table.shape
    Xt = X.T.astype(jnp.int32)
    Q = _make_gather(T, Bb, V)(table, Xt)
    return Q.transpose(2, 0, 1)

# --- scband reference (transcript-rebuilt; emitter-appended) ---
"""Pipeline reference for scband-token-embeddings-33655363731868 (READ-ONLY COPY).

The authoritative reference and input builder live on the scoring server;
editing this copy changes nothing except your own understanding.
"""

import jax, jax.numpy as jnp
import numpy as np

VOCAB = 1000000
EMB = 32

def setup_inputs(seed: int = 0) -> dict:
    key = jax.random.key(seed)
    k1, k2 = jax.random.split(key)
    X = jax.random.randint(k1, (4096, 200), 0, VOCAB, dtype=jnp.int64)
    table = jax.random.normal(k2, (VOCAB, EMB), dtype=jnp.float32)
    return {"X": X, "table": table}

def reference(X, table):
    # nn.Embedding forward: gather rows of the table by index
    return jnp.take(table, X, axis=0)

if __name__ == "__main__":
    import jax
    _d = setup_inputs()
    print(jax.jit(kernel)(*tuple(_d.values())))

</pallas_src>

<mosaic_0001>
#map = affine_map<(d0, d1) -> (0, 0)>
#map1 = affine_map<(d0, d1) -> (0, 0, 0)>
module attributes {stable_mosaic.version = 14 : i64} {
  func.func @gather(%arg0: i32, %arg1: i32, %arg2: memref<1000000x32xf32, #tpu.memory_space<hbm>>, %arg3: memref<200x4096xi32, #tpu.memory_space<hbm>>, %arg4: memref<200x32x4096xf32, #tpu.memory_space<hbm>>, %arg5: memref<200x128xi32, #tpu.memory_space<vmem>>, %arg6: memref<128x32xf32, #tpu.memory_space<vmem>>, %arg7: memref<128x32xf32, #tpu.memory_space<vmem>>, %arg8: memref<32x128xf32, #tpu.memory_space<vmem>>, %arg9: memref<32x128xf32, #tpu.memory_space<vmem>>, %arg10: memref<!tpu.dma_semaphore, #tpu.memory_space<semaphore_mem>>, %arg11: memref<!tpu.dma_semaphore, #tpu.memory_space<semaphore_mem>>, %arg12: memref<!tpu.dma_semaphore, #tpu.memory_space<semaphore_mem>>, %arg13: memref<!tpu.dma_semaphore, #tpu.memory_space<semaphore_mem>>) attributes {dimension_semantics = [#tpu.dimension_semantics<core_parallel>, #tpu.dimension_semantics<subcore_parallel>], iteration_bounds = array<i64: 2, 16>, scalar_prefetch = 0 : i64, scratch_operands = 9 : i64, tpu.core_type = #tpu.core_type<sc_vector_subcore>, window_params = [{transform_indices = #map}, {transform_indices = #map}, {transform_indices = #map1}]} {
    %mul3A = arith.constant 2 : i32
    %mul3A_0 = arith.muli %arg1, %mul3A : i32
    %add3A = arith.addi %mul3A_0, %arg0 : i32
    %mul3A_1 = arith.constant 128 : i32
    %mul3A_2 = arith.muli %add3A, %mul3A_1 : i32
    "tpu.region"() ({
      %run_scoped3A = tpu.sem_alloc : memref<!tpu.dma_semaphore, #tpu.memory_space<semaphore_mem>>
      %dma_start3A_207 = arith.constant 0 : i32
      %dma_start3A_208 = tpu.memref_slice %arg3[%dma_start3A_207, %mul3A_2] : memref<200x4096xi32, #tpu.memory_space<hbm>> -> memref<200x128xi32, #tpu.memory_space<hbm>>
      %dma_start3A_209 = arith.constant 0 : i32
      %dma_start3A_210 = tpu.memref_slice %arg3[%dma_start3A_209, %mul3A_2] : memref<200x4096xi32, #tpu.memory_space<hbm>> -> memref<200x128xi32, #tpu.memory_space<hbm>>
      tpu.enqueue_dma source(%dma_start3A_210 : memref<200x128xi32, #tpu.memory_space<hbm>>) target(%arg5 : memref<200x128xi32, #tpu.memory_space<vmem>>) target_semaphore(%run_scoped3A : memref<!tpu.dma_semaphore, #tpu.memory_space<semaphore_mem>>)
      %dma_wait3A_211 = arith.constant 0 : i32
      %dma_wait3A_212 = tpu.memref_slice %arg3[%dma_wait3A_211, %mul3A_2] : memref<200x4096xi32, #tpu.memory_space<hbm>> -> memref<200x128xi32, #tpu.memory_space<hbm>>
      %dma_wait3A_213 = arith.constant 0 : i32
      %dma_wait3A_214 = tpu.memref_slice %arg3[%dma_wait3A_213, %mul3A_2] : memref<200x4096xi32, #tpu.memory_space<hbm>> -> memref<200x128xi32, #tpu.memory_space<hbm>>
      tpu.wait_dma2 semaphore(%run_scoped3A : memref<!tpu.dma_semaphore, #tpu.memory_space<semaphore_mem>>) src(%dma_wait3A_214 : memref<200x128xi32, #tpu.memory_space<hbm>>) dst(%arg5 : memref<200x128xi32, #tpu.memory_space<vmem>>)
      tpu.yield
    }) : () -> ()
    %iota3A = tpu.iota {dimensions = array<i32: 0>} : vector<16xi32>
    %add3A_3 = arith.constant 0 : i32
    %add3A_4 = vector.broadcast %add3A_3 : i32 to vector<16xi32>
    %add3A_5 = arith.addi %iota3A, %add3A_4 : vector<16xi32>
    %iota3A_6 = tpu.iota {dimensions = array<i32: 0>} : vector<16xi32>
    %add3A_7 = arith.constant 16 : i32
    %add3A_8 = vector.broadcast %add3A_7 : i32 to vector<16xi32>
    %add3A_9 = arith.addi %iota3A_6, %add3A_8 : vector<16xi32>
    %iota3A_10 = tpu.iota {dimensions = array<i32: 0>} : vector<16xi32>
    %add3A_11 = arith.constant 32 : i32
    %add3A_12 = vector.broadcast %add3A_11 : i32 to vector<16xi32>
    %add3A_13 = arith.addi %iota3A_10, %add3A_12 : vector<16xi32>
    %iota3A_14 = tpu.iota {dimensions = array<i32: 0>} : vector<16xi32>
    %add3A_15 = arith.constant 48 : i32
    %add3A_16 = vector.broadcast %add3A_15 : i32 to vector<16xi32>
    %add3A_17 = arith.addi %iota3A_14, %add3A_16 : vector<16xi32>
    %iota3A_18 = tpu.iota {dimensions = array<i32: 0>} : vector<16xi32>
    %add3A_19 = arith.constant 64 : i32
    %add3A_20 = vector.broadcast %add3A_19 : i32 to vector<16xi32>
    %add3A_21 = arith.addi %iota3A_18, %add3A_20 : vector<16xi32>
    %iota3A_22 = tpu.iota {dimensions = array<i32: 0>} : vector<16xi32>
    %add3A_23 = arith.constant 80 : i32
    %add3A_24 = vector.broadcast %add3A_23 : i32 to vector<16xi32>
    %add3A_25 = arith.addi %iota3A_22, %add3A_24 : vector<16xi32>
    %iota3A_26 = tpu.iota {dimensions = array<i32: 0>} : vector<16xi32>
    %add3A_27 = arith.constant 96 : i32
    %add3A_28 = vector.broadcast %add3A_27 : i32 to vector<16xi32>
    %add3A_29 = arith.addi %iota3A_26, %add3A_28 : vector<16xi32>
    %iota3A_30 = tpu.iota {dimensions = array<i32: 0>} : vector<16xi32>
    %add3A_31 = arith.constant 112 : i32
    %add3A_32 = vector.broadcast %add3A_31 : i32 to vector<16xi32>
    %add3A_33 = arith.addi %iota3A_30, %add3A_32 : vector<16xi32>
    %dma_start3A = arith.constant 0 : i32
    %dma_start3A_34 = arith.constant 0 : i32
    %dma_start3A_35 = tpu.memref_slice %arg5[%dma_start3A, %dma_start3A_34] : memref<200x128xi32, #tpu.memory_space<vmem>> -> memref<1x128xi32, #tpu.memory_space<vmem>>
    %dma_start3A_36 = tpu.memref_squeeze %dma_start3A_35 : memref<1x128xi32, #tpu.memory_space<vmem>> -> memref<128xi32, #tpu.memory_space<vmem>>
    %dma_start3A_37 = arith.constant 0 : i32
    %dma_start3A_38 = arith.constant 0 : i32
    %dma_start3A_39 = tpu.memref_slice %arg2[%dma_start3A_37, %dma_start3A_38] : memref<1000000x32xf32, #tpu.memory_space<hbm>> -> memref<1000000x32xf32, #tpu.memory_space<hbm>>
    tpu.enqueue_indirect_dma source(%dma_start3A_39 : memref<1000000x32xf32, #tpu.memory_space<hbm>>) target(%arg6 : memref<128x32xf32, #tpu.memory_space<vmem>>) offsets(%dma_start3A_36 : memref<128xi32, #tpu.memory_space<vmem>>) semaphore(%arg11 : memref<!tpu.dma_semaphore, #tpu.memory_space<semaphore_mem>>)
    %dma_start3A_40 = arith.constant 1 : i32
    %dma_start3A_41 = arith.constant 0 : i32
    %dma_start3A_42 = tpu.memref_slice %arg5[%dma_start3A_40, %dma_start3A_41] : memref<200x128xi32, #tpu.memory_space<vmem>> -> memref<1x128xi32, #tpu.memory_space<vmem>>
    %dma_start3A_43 = tpu.memref_squeeze %dma_start3A_42 : memref<1x128xi32, #tpu.memory_space<vmem>> -> memref<128xi32, #tpu.memory_space<vmem>>
    %dma_start3A_44 = arith.constant 0 : i32
    %dma_start3A_45 = arith.constant 0 : i32
    %dma_start3A_46 = tpu.memref_slice %arg2[%dma_start3A_44, %dma_start3A_45] : memref<1000000x32xf32, #tpu.memory_space<hbm>> -> memref<1000000x32xf32, #tpu.memory_space<hbm>>
    tpu.enqueue_indirect_dma source(%dma_start3A_46 : memref<1000000x32xf32, #tpu.memory_space<hbm>>) target(%arg7 : memref<128x32xf32, #tpu.memory_space<vmem>>) offsets(%dma_start3A_43 : memref<128xi32, #tpu.memory_space<vmem>>) semaphore(%arg11 : memref<!tpu.dma_semaphore, #tpu.memory_space<semaphore_mem>>)
    %dma_wait3A = arith.constant 0 : i32
    %dma_wait3A_47 = arith.constant 0 : i32
    %dma_wait3A_48 = tpu.memref_slice %arg5[%dma_wait3A, %dma_wait3A_47] : memref<200x128xi32, #tpu.memory_space<vmem>> -> memref<1x128xi32, #tpu.memory_space<vmem>>
    %dma_wait3A_49 = tpu.memref_squeeze %dma_wait3A_48 : memref<1x128xi32, #tpu.memory_space<vmem>> -> memref<128xi32, #tpu.memory_space<vmem>>
    %dma_wait3A_50 = arith.constant 0 : i32
    %dma_wait3A_51 = arith.constant 0 : i32
    %dma_wait3A_52 = tpu.memref_slice %arg2[%dma_wait3A_50, %dma_wait3A_51] : memref<1000000x32xf32, #tpu.memory_space<hbm>> -> memref<1000000x32xf32, #tpu.memory_space<hbm>>
    tpu.wait_indirect_dma semaphore(%arg11 : memref<!tpu.dma_semaphore, #tpu.memory_space<semaphore_mem>>) src(%dma_wait3A_52 : memref<1000000x32xf32, #tpu.memory_space<hbm>>) dst(%arg6 : memref<128x32xf32, #tpu.memory_space<vmem>>)
    %parallel_loop3A = arith.constant 0 : i32
    %parallel_loop3A_53 = arith.constant 32 : i32
    %parallel_loop3A_54 = arith.constant 1 : i32
    scf.for %parallel_loop3A_207 = %parallel_loop3A to %parallel_loop3A_53 step %parallel_loop3A_54  : i32 {
      %parallel_loop3A_208 = vector.broadcast %parallel_loop3A_207 : i32 to vector<16xi32>
      %parallel_loop3A_209 = tpu.vector_load_idx %arg6[%add3A_5, %parallel_loop3A_208] : memref<128x32xf32, #tpu.memory_space<vmem>>[vector<16xi32>, vector<16xi32>], vector<16xf32>,
      %parallel_loop3A_210 = arith.index_cast %parallel_loop3A_207 : i32 to index
      %parallel_loop3A_211 = arith.constant 0 : index
      %parallel_loop3A_212 = tpu.vector_load %arg8[%parallel_loop3A_210, %parallel_loop3A_211] {strides = array<i32>} : memref<32x128xf32, #tpu.memory_space<vmem>>, vector<16xf32>,
      tpu.vector_store %arg8[%parallel_loop3A_210, %parallel_loop3A_211], %parallel_loop3A_209 {strides = array<i32>} : memref<32x128xf32, #tpu.memory_space<vmem>>, vector<16xf32>,
      %parallel_loop3A_213 = tpu.vector_load_idx %arg6[%add3A_9, %parallel_loop3A_208] : memref<128x32xf32, #tpu.memory_space<vmem>>[vector<16xi32>, vector<16xi32>], vector<16xf32>,
      %parallel_loop3A_214 = arith.index_cast %parallel_loop3A_207 : i32 to index
      %parallel_loop3A_215 = arith.constant 16 : index
      %parallel_loop3A_216 = tpu.vector_load %arg8[%parallel_loop3A_214, %parallel_loop3A_215] {strides = array<i32>} : memref<32x128xf32, #tpu.memory_space<vmem>>, vector<16xf32>,
      tpu.vector_store %arg8[%parallel_loop3A_214, %parallel_loop3A_215], %parallel_loop3A_213 {strides = array<i32>} : memref<32x128xf32, #tpu.memory_space<vmem>>, vector<16xf32>,
      %parallel_loop3A_217 = tpu.vector_load_idx %arg6[%add3A_13, %parallel_loop3A_208] : memref<128x32xf32, #tpu.memory_space<vmem>>[vector<16xi32>, vector<16xi32>], vector<16xf32>,
      %parallel_loop3A_218 = arith.index_cast %parallel_loop3A_207 : i32 to index
      %parallel_loop3A_219 = arith.constant 32 : index
      %parallel_loop3A_220 = tpu.vector_load %arg8[%parallel_loop3A_218, %parallel_loop3A_219] {strides = array<i32>} : memref<32x128xf32, #tpu.memory_space<vmem>>, vector<16xf32>,
      tpu.vector_store %arg8[%parallel_loop3A_218, %parallel_loop3A_219], %parallel_loop3A_217 {strides = array<i32>} : memref<32x128xf32, #tpu.memory_space<vmem>>, vector<16xf32>,
      %parallel_loop3A_221 = tpu.vector_load_idx %arg6[%add3A_17, %parallel_loop3A_208] : memref<128x32xf32, #tpu.memory_space<vmem>>[vector<16xi32>, vector<16xi32>], vector<16xf32>,
      %parallel_loop3A_222 = arith.index_cast %parallel_loop3A_207 : i32 to index
      %parallel_loop3A_223 = arith.constant 48 : index
      %parallel_loop3A_224 = tpu.vector_load %arg8[%parallel_loop3A_222, %parallel_loop3A_223] {strides = array<i32>} : memref<32x128xf32, #tpu.memory_space<vmem>>, vector<16xf32>,
      tpu.vector_store %arg8[%parallel_loop3A_222, %parallel_loop3A_223], %parallel_loop3A_221 {strides = array<i32>} : memref<32x128xf32, #tpu.memory_space<vmem>>, vector<16xf32>,
      %parallel_loop3A_225 = tpu.vector_load_idx %arg6[%add3A_21, %parallel_loop3A_208] : memref<128x32xf32, #tpu.memory_space<vmem>>[vector<16xi32>, vector<16xi32>], vector<16xf32>,
      %parallel_loop3A_226 = arith.index_cast %parallel_loop3A_207 : i32 to index
      %parallel_loop3A_227 = arith.constant 64 : index
      %parallel_loop3A_228 = tpu.vector_load %arg8[%parallel_loop3A_226, %parallel_loop3A_227] {strides = array<i32>} : memref<32x128xf32, #tpu.memory_space<vmem>>, vector<16xf32>,
      tpu.vector_store %arg8[%parallel_loop3A_226, %parallel_loop3A_227], %parallel_loop3A_225 {strides = array<i32>} : memref<32x128xf32, #tpu.memory_space<vmem>>, vector<16xf32>,
      %parallel_loop3A_229 = tpu.vector_load_idx %arg6[%add3A_25, %parallel_loop3A_208] : memref<128x32xf32, #tpu.memory_space<vmem>>[vector<16xi32>, vector<16xi32>], vector<16xf32>,
      %parallel_loop3A_230 = arith.index_cast %parallel_loop3A_207 : i32 to index
      %parallel_loop3A_231 = arith.constant 80 : index
      %parallel_loop3A_232 = tpu.vector_load %arg8[%parallel_loop3A_230, %parallel_loop3A_231] {strides = array<i32>} : memref<32x128xf32, #tpu.memory_space<vmem>>, vector<16xf32>,
      tpu.vector_store %arg8[%parallel_loop3A_230, %parallel_loop3A_231], %parallel_loop3A_229 {strides = array<i32>} : memref<32x128xf32, #tpu.memory_space<vmem>>, vector<16xf32>,
      %parallel_loop3A_233 = tpu.vector_load_idx %arg6[%add3A_29, %parallel_loop3A_208] : memref<128x32xf32, #tpu.memory_space<vmem>>[vector<16xi32>, vector<16xi32>], vector<16xf32>,
      %parallel_loop3A_234 = arith.index_cast %parallel_loop3A_207 : i32 to index
      %parallel_loop3A_235 = arith.constant 96 : index
      %parallel_loop3A_236 = tpu.vector_load %arg8[%parallel_loop3A_234, %parallel_loop3A_235] {strides = array<i32>} : memref<32x128xf32, #tpu.memory_space<vmem>>, vector<16xf32>,
      tpu.vector_store %arg8[%parallel_loop3A_234, %parallel_loop3A_235], %parallel_loop3A_233 {strides = array<i32>} : memref<32x128xf32, #tpu.memory_space<vmem>>, vector<16xf32>,
      %parallel_loop3A_237 = tpu.vector_load_idx %arg6[%add3A_33, %parallel_loop3A_208] : memref<128x32xf32, #tpu.memory_space<vmem>>[vector<16xi32>, vector<16xi32>], vector<16xf32>,
      %parallel_loop3A_238 = arith.index_cast %parallel_loop3A_207 : i32 to index
      %parallel_loop3A_239 = arith.constant 112 : index
      %parallel_loop3A_240 = tpu.vector_load %arg8[%parallel_loop3A_238, %parallel_loop3A_239] {strides = array<i32>} : memref<32x128xf32, #tpu.memory_space<vmem>>, vector<16xf32>,
      tpu.vector_store %arg8[%parallel_loop3A_238, %parallel_loop3A_239], %parallel_loop3A_237 {strides = array<i32>} : memref<32x128xf32, #tpu.memory_space<vmem>>, vector<16xf32>,
    } {sc.loop_unroll_factor = 4 : i64, sc.parallel_access}
    %dma_start3A_55 = arith.constant 2 : i32
    %dma_start3A_56 = arith.constant 0 : i32
    %dma_start3A_57 = tpu.memref_slice %arg5[%dma_start3A_55, %dma_start3A_56] : memref<200x128xi32, #tpu.memory_space<vmem>> -> memref<1x128xi32, #tpu.memory_space<vmem>>
    %dma_start3A_58 = tpu.memref_squeeze %dma_start3A_57 : memref<1x128xi32, #tpu.memory_space<vmem>> -> memref<128xi32, #tpu.memory_space<vmem>>
    %dma_start3A_59 = arith.constant 0 : i32
    %dma_start3A_60 = arith.constant 0 : i32
    %dma_start3A_61 = tpu.memref_slice %arg2[%dma_start3A_59, %dma_start3A_60] : memref<1000000x32xf32, #tpu.memory_space<hbm>> -> memref<1000000x32xf32, #tpu.memory_space<hbm>>
    tpu.enqueue_indirect_dma source(%dma_start3A_61 : memref<1000000x32xf32, #tpu.memory_space<hbm>>) target(%arg6 : memref<128x32xf32, #tpu.memory_space<vmem>>) offsets(%dma_start3A_58 : memref<128xi32, #tpu.memory_space<vmem>>) semaphore(%arg11 : memref<!tpu.dma_semaphore, #tpu.memory_space<semaphore_mem>>)
    %dma_start3A_62 = arith.constant 0 : i32
    %dma_start3A_63 = arith.constant 0 : i32
    %dma_start3A_64 = arith.constant 0 : i32
    %dma_start3A_65 = tpu.memref_slice %arg4[%dma_start3A_62, %dma_start3A_63, %dma_start3A_64] : memref<200x32x4096xf32, #tpu.memory_space<hbm>> -> memref<1x32x4096xf32, #tpu.memory_space<hbm>>
    %dma_start3A_66 = tpu.memref_squeeze %dma_start3A_65 : memref<1x32x4096xf32, #tpu.memory_space<hbm>> -> memref<32x4096xf32, #tpu.memory_space<hbm>>
    %dma_start3A_67 = arith.constant 0 : i32
    %dma_start3A_68 = tpu.memref_slice %dma_start3A_66[%dma_start3A_67, %mul3A_2] : memref<32x4096xf32, #tpu.memory_space<hbm>> -> memref<32x128xf32, #tpu.memory_space<hbm>>
    %dma_start3A_69 = arith.constant 0 : i32
    %dma_start3A_70 = arith.constant 0 : i32
    %dma_start3A_71 = tpu.memref_slice %arg4[%dma_start3A_62, %dma_start3A_69, %dma_start3A_70] : memref<200x32x4096xf32, #tpu.memory_space<hbm>> -> memref<1x32x4096xf32, #tpu.memory_space<hbm>>
    %dma_start3A_72 = tpu.memref_squeeze %dma_start3A_71 : memref<1x32x4096xf32, #tpu.memory_space<hbm>> -> memref<32x4096xf32, #tpu.memory_space<hbm>>
    %dma_start3A_73 = arith.constant 0 : i32
    %dma_start3A_74 = tpu.memref_slice %dma_start3A_72[%dma_start3A_73, %mul3A_2] : memref<32x4096xf32, #tpu.memory_space<hbm>> -> memref<32x128xf32, #tpu.memory_space<hbm>>
    tpu.enqueue_dma source(%arg8 : memref<32x128xf32, #tpu.memory_space<vmem>>) target(%dma_start3A_74 : memref<32x128xf32, #tpu.memory_space<hbm>>) target_semaphore(%arg12 : memref<!tpu.dma_semaphore, #tpu.memory_space<semaphore_mem>>)
    %dma_wait3A_75 = arith.constant 1 : i32
    %dma_wait3A_76 = arith.constant 0 : i32
    %dma_wait3A_77 = tpu.memref_slice %arg5[%dma_wait3A_75, %dma_wait3A_76] : memref<200x128xi32, #tpu.memory_space<vmem>> -> memref<1x128xi32, #tpu.memory_space<vmem>>
    %dma_wait3A_78 = tpu.memref_squeeze %dma_wait3A_77 : memref<1x128xi32, #tpu.memory_space<vmem>> -> memref<128xi32, #tpu.memory_space<vmem>>
    %dma_wait3A_79 = arith.constant 0 : i32
    %dma_wait3A_80 = arith.constant 0 : i32
    %dma_wait3A_81 = tpu.memref_slice %arg2[%dma_wait3A_79, %dma_wait3A_80] : memref<1000000x32xf32, #tpu.memory_space<hbm>> -> memref<1000000x32xf32, #tpu.memory_space<hbm>>
    tpu.wait_indirect_dma semaphore(%arg11 : memref<!tpu.dma_semaphore, #tpu.memory_space<semaphore_mem>>) src(%dma_wait3A_81 : memref<1000000x32xf32, #tpu.memory_space<hbm>>) dst(%arg7 : memref<128x32xf32, #tpu.memory_space<vmem>>)
    %parallel_loop3A_82 = arith.constant 0 : i32
    %parallel_loop3A_83 = arith.constant 32 : i32
    %parallel_loop3A_84 = arith.constant 1 : i32
    scf.for %parallel_loop3A_207 = %parallel_loop3A_82 to %parallel_loop3A_83 step %parallel_loop3A_84  : i32 {
      %parallel_loop3A_208 = vector.broadcast %parallel_loop3A_207 : i32 to vector<16xi32>
      %parallel_loop3A_209 = tpu.vector_load_idx %arg7[%add3A_5, %parallel_loop3A_208] : memref<128x32xf32, #tpu.memory_space<vmem>>[vector<16xi32>, vector<16xi32>], vector<16xf32>,
      %parallel_loop3A_210 = arith.index_cast %parallel_loop3A_207 : i32 to index
      %parallel_loop3A_211 = arith.constant 0 : index
      %parallel_loop3A_212 = tpu.vector_load %arg9[%parallel_loop3A_210, %parallel_loop3A_211] {strides = array<i32>} : memref<32x128xf32, #tpu.memory_space<vmem>>, vector<16xf32>,
      tpu.vector_store %arg9[%parallel_loop3A_210, %parallel_loop3A_211], %parallel_loop3A_209 {strides = array<i32>} : memref<32x128xf32, #tpu.memory_space<vmem>>, vector<16xf32>,
      %parallel_loop3A_213 = tpu.vector_load_idx %arg7[%add3A_9, %parallel_loop3A_208] : memref<128x32xf32, #tpu.memory_space<vmem>>[vector<16xi32>, vector<16xi32>], vector<16xf32>,
      %parallel_loop3A_214 = arith.index_cast %parallel_loop3A_207 : i32 to index
      %parallel_loop3A_215 = arith.constant 16 : index
      %parallel_loop3A_216 = tpu.vector_load %arg9[%parallel_loop3A_214, %parallel_loop3A_215] {strides = array<i32>} : memref<32x128xf32, #tpu.memory_space<vmem>>, vector<16xf32>,
      tpu.vector_store %arg9[%parallel_loop3A_214, %parallel_loop3A_215], %parallel_loop3A_213 {strides = array<i32>} : memref<32x128xf32, #tpu.memory_space<vmem>>, vector<16xf32>,
      %parallel_loop3A_217 = tpu.vector_load_idx %arg7[%add3A_13, %parallel_loop3A_208] : memref<128x32xf32, #tpu.memory_space<vmem>>[vector<16xi32>, vector<16xi32>], vector<16xf32>,
      %parallel_loop3A_218 = arith.index_cast %parallel_loop3A_207 : i32 to index
      %parallel_loop3A_219 = arith.constant 32 : index
      %parallel_loop3A_220 = tpu.vector_load %arg9[%parallel_loop3A_218, %parallel_loop3A_219] {strides = array<i32>} : memref<32x128xf32, #tpu.memory_space<vmem>>, vector<16xf32>,
      tpu.vector_store %arg9[%parallel_loop3A_218, %parallel_loop3A_219], %parallel_loop3A_217 {strides = array<i32>} : memref<32x128xf32, #tpu.memory_space<vmem>>, vector<16xf32>,
      %parallel_loop3A_221 = tpu.vector_load_idx %arg7[%add3A_17, %parallel_loop3A_208] : memref<128x32xf32, #tpu.memory_space<vmem>>[vector<16xi32>, vector<16xi32>], vector<16xf32>,
      %parallel_loop3A_222 = arith.index_cast %parallel_loop3A_207 : i32 to index
      %parallel_loop3A_223 = arith.constant 48 : index
      %parallel_loop3A_224 = tpu.vector_load %arg9[%parallel_loop3A_222, %parallel_loop3A_223] {strides = array<i32>} : memref<32x128xf32, #tpu.memory_space<vmem>>, vector<16xf32>,
      tpu.vector_store %arg9[%parallel_loop3A_222, %parallel_loop3A_223], %parallel_loop3A_221 {strides = array<i32>} : memref<32x128xf32, #tpu.memory_space<vmem>>, vector<16xf32>,
      %parallel_loop3A_225 = tpu.vector_load_idx %arg7[%add3A_21, %parallel_loop3A_208] : memref<128x32xf32, #tpu.memory_space<vmem>>[vector<16xi32>, vector<16xi32>], vector<16xf32>,
      %parallel_loop3A_226 = arith.index_cast %parallel_loop3A_207 : i32 to index
      %parallel_loop3A_227 = arith.constant 64 : index
      %parallel_loop3A_228 = tpu.vector_load %arg9[%parallel_loop3A_226, %parallel_loop3A_227] {strides = array<i32>} : memref<32x128xf32, #tpu.memory_space<vmem>>, vector<16xf32>,
      tpu.vector_store %arg9[%parallel_loop3A_226, %parallel_loop3A_227], %parallel_loop3A_225 {strides = array<i32>} : memref<32x128xf32, #tpu.memory_space<vmem>>, vector<16xf32>,
      %parallel_loop3A_229 = tpu.vector_load_idx %arg7[%add3A_25, %parallel_loop3A_208] : memref<128x32xf32, #tpu.memory_space<vmem>>[vector<16xi32>, vector<16xi32>], vector<16xf32>,
      %parallel_loop3A_230 = arith.index_cast %parallel_loop3A_207 : i32 to index
      %parallel_loop3A_231 = arith.constant 80 : index
      %parallel_loop3A_232 = tpu.vector_load %arg9[%parallel_loop3A_230, %parallel_loop3A_231] {strides = array<i32>} : memref<32x128xf32, #tpu.memory_space<vmem>>, vector<16xf32>,
      tpu.vector_store %arg9[%parallel_loop3A_230, %parallel_loop3A_231], %parallel_loop3A_229 {strides = array<i32>} : memref<32x128xf32, #tpu.memory_space<vmem>>, vector<16xf32>,
      %parallel_loop3A_233 = tpu.vector_load_idx %arg7[%add3A_29, %parallel_loop3A_208] : memref<128x32xf32, #tpu.memory_space<vmem>>[vector<16xi32>, vector<16xi32>], vector<16xf32>,
      %parallel_loop3A_234 = arith.index_cast %parallel_loop3A_207 : i32 to index
      %parallel_loop3A_235 = arith.constant 96 : index
      %parallel_loop3A_236 = tpu.vector_load %arg9[%parallel_loop3A_234, %parallel_loop3A_235] {strides = array<i32>} : memref<32x128xf32, #tpu.memory_space<vmem>>, vector<16xf32>,
      tpu.vector_store %arg9[%parallel_loop3A_234, %parallel_loop3A_235], %parallel_loop3A_233 {strides = array<i32>} : memref<32x128xf32, #tpu.memory_space<vmem>>, vector<16xf32>,
      %parallel_loop3A_237 = tpu.vector_load_idx %arg7[%add3A_33, %parallel_loop3A_208] : memref<128x32xf32, #tpu.memory_space<vmem>>[vector<16xi32>, vector<16xi32>], vector<16xf32>,
      %parallel_loop3A_238 = arith.index_cast %parallel_loop3A_207 : i32 to index
      %parallel_loop3A_239 = arith.constant 112 : index
      %parallel_loop3A_240 = tpu.vector_load %arg9[%parallel_loop3A_238, %parallel_loop3A_239] {strides = array<i32>} : memref<32x128xf32, #tpu.memory_space<vmem>>, vector<16xf32>,
      tpu.vector_store %arg9[%parallel_loop3A_238, %parallel_loop3A_239], %parallel_loop3A_237 {strides = array<i32>} : memref<32x128xf32, #tpu.memory_space<vmem>>, vector<16xf32>,
    } {sc.loop_unroll_factor = 4 : i64, sc.parallel_access}
    %dma_start3A_85 = arith.constant 3 : i32
    %dma_start3A_86 = arith.constant 0 : i32
    %dma_start3A_87 = tpu.memref_slice %arg5[%dma_start3A_85, %dma_start3A_86] : memref<200x128xi32, #tpu.memory_space<vmem>> -> memref<1x128xi32, #tpu.memory_space<vmem>>
    %dma_start3A_88 = tpu.memref_squeeze %dma_start3A_87 : memref<1x128xi32, #tpu.memory_space<vmem>> -> memref<128xi32, #tpu.memory_space<vmem>>
    %dma_start3A_89 = arith.constant 0 : i32
    %dma_start3A_90 = arith.constant 0 : i32
    %dma_start3A_91 = tpu.memref_slice %arg2[%dma_start3A_89, %dma_start3A_90] : memref<1000000x32xf32, #tpu.memory_space<hbm>> -> memref<1000000x32xf32, #tpu.memory_space<hbm>>
    tpu.enqueue_indirect_dma source(%dma_start3A_91 : memref<1000000x32xf32, #tpu.memory_space<hbm>>) target(%arg7 : memref<128x32xf32, #tpu.memory_space<vmem>>) offsets(%dma_start3A_88 : memref<128xi32, #tpu.memory_space<vmem>>) semaphore(%arg11 : memref<!tpu.dma_semaphore, #tpu.memory_space<semaphore_mem>>)
    %dma_start3A_92 = arith.constant 1 : i32
    %dma_start3A_93 = arith.constant 0 : i32
    %dma_start3A_94 = arith.constant 0 : i32
    %dma_start3A_95 = tpu.memref_slice %arg4[%dma_start3A_92, %dma_start3A_93, %dma_start3A_94] : memref<200x32x4096xf32, #tpu.memory_space<hbm>> -> memref<1x32x4096xf32, #tpu.memory_space<hbm>>
    %dma_start3A_96 = tpu.memref_squeeze %dma_start3A_95 : memref<1x32x4096xf32, #tpu.memory_space<hbm>> -> memref<32x4096xf32, #tpu.memory_space<hbm>>
    %dma_start3A_97 = arith.constant 0 : i32
    %dma_start3A_98 = tpu.memref_slice %dma_start3A_96[%dma_start3A_97, %mul3A_2] : memref<32x4096xf32, #tpu.memory_space<hbm>> -> memref<32x128xf32, #tpu.memory_space<hbm>>
    %dma_start3A_99 = arith.constant 0 : i32
    %dma_start3A_100 = arith.constant 0 : i32
    %dma_start3A_101 = tpu.memref_slice %arg4[%dma_start3A_92, %dma_start3A_99, %dma_start3A_100] : memref<200x32x4096xf32, #tpu.memory_space<hbm>> -> memref<1x32x4096xf32, #tpu.memory_space<hbm>>
    %dma_start3A_102 = tpu.memref_squeeze %dma_start3A_101 : memref<1x32x4096xf32, #tpu.memory_space<hbm>> -> memref<32x4096xf32, #tpu.memory_space<hbm>>
    %dma_start3A_103 = arith.constant 0 : i32
    %dma_start3A_104 = tpu.memref_slice %dma_start3A_102[%dma_start3A_103, %mul3A_2] : memref<32x4096xf32, #tpu.memory_space<hbm>> -> memref<32x128xf32, #tpu.memory_space<hbm>>
    tpu.enqueue_dma source(%arg9 : memref<32x128xf32, #tpu.memory_space<vmem>>) target(%dma_start3A_104 : memref<32x128xf32, #tpu.memory_space<hbm>>) target_semaphore(%arg13 : memref<!tpu.dma_semaphore, #tpu.memory_space<semaphore_mem>>)
    %scan3A = arith.constant 0 : i32
    %scan3A_105 = arith.constant 98 : i32
    %scan3A_106 = arith.addi %scan3A, %scan3A_105 : i32
    %scan3A_107 = arith.constant 1 : i32
    scf.for %scan3A_207 = %scan3A to %scan3A_106 step %scan3A_107  : i32 {
      %mul3A_208 = arith.constant 2 : i32
      %mul3A_209 = arith.muli %scan3A_207, %mul3A_208 : i32
      %add3A_210 = arith.constant 2 : i32
      %add3A_211 = arith.addi %add3A_210, %mul3A_209 : i32
      %add3A_212 = arith.constant 0 : i32
      %add3A_213 = arith.addi %add3A_211, %add3A_212 : i32
      %dma_wait3A_214 = arith.constant 0 : i32
      %dma_wait3A_215 = arith.constant 0 : i32
      %dma_wait3A_216 = tpu.memref_slice %arg5[%dma_wait3A_214, %dma_wait3A_215] : memref<200x128xi32, #tpu.memory_space<vmem>> -> memref<1x128xi32, #tpu.memory_space<vmem>>
      %dma_wait3A_217 = tpu.memref_squeeze %dma_wait3A_216 : memref<1x128xi32, #tpu.memory_space<vmem>> -> memref<128xi32, #tpu.memory_space<vmem>>
      %dma_wait3A_218 = arith.constant 0 : i32
      %dma_wait3A_219 = arith.constant 0 : i32
      %dma_wait3A_220 = tpu.memref_slice %arg2[%dma_wait3A_218, %dma_wait3A_219] : memref<1000000x32xf32, #tpu.memory_space<hbm>> -> memref<1000000x32xf32, #tpu.memory_space<hbm>>
      tpu.wait_indirect_dma semaphore(%arg11 : memref<!tpu.dma_semaphore, #tpu.memory_space<semaphore_mem>>) src(%dma_wait3A_220 : memref<1000000x32xf32, #tpu.memory_space<hbm>>) dst(%arg6 : memref<128x32xf32, #tpu.memory_space<vmem>>)
      %parallel_loop3A_221 = arith.constant 0 : i32
      %parallel_loop3A_222 = arith.constant 32 : i32
      %parallel_loop3A_223 = arith.constant 1 : i32
      scf.for %parallel_loop3A_302 = %parallel_loop3A_221 to %parallel_loop3A_222 step %parallel_loop3A_223  : i32 {
        %parallel_loop3A_303 = vector.broadcast %parallel_loop3A_302 : i32 to vector<16xi32>
        %parallel_loop3A_304 = tpu.vector_load_idx %arg6[%add3A_5, %parallel_loop3A_303] : memref<128x32xf32, #tpu.memory_space<vmem>>[vector<16xi32>, vector<16xi32>], vector<16xf32>,
        %parallel_loop3A_305 = arith.index_cast %parallel_loop3A_302 : i32 to index
        %parallel_loop3A_306 = arith.constant 0 : index
        %parallel_loop3A_307 = tpu.vector_load %arg8[%parallel_loop3A_305, %parallel_loop3A_306] {strides = array<i32>} : memref<32x128xf32, #tpu.memory_space<vmem>>, vector<16xf32>,
        tpu.vector_store %arg8[%parallel_loop3A_305, %parallel_loop3A_306], %parallel_loop3A_304 {strides = array<i32>} : memref<32x128xf32, #tpu.memory_space<vmem>>, vector<16xf32>,
        %parallel_loop3A_308 = tpu.vector_load_idx %arg6[%add3A_9, %parallel_loop3A_303] : memref<128x32xf32, #tpu.memory_space<vmem>>[vector<16xi32>, vector<16xi32>], vector<16xf32>,
        %parallel_loop3A_309 = arith.index_cast %parallel_loop3A_302 : i32 to index
        %parallel_loop3A_310 = arith.constant 16 : index
        %parallel_loop3A_311 = tpu.vector_load %arg8[%parallel_loop3A_309, %parallel_loop3A_310] {strides = array<i32>} : memref<32x128xf32, #tpu.memory_space<vmem>>, vector<16xf32>,
        tpu.vector_store %arg8[%parallel_loop3A_309, %parallel_loop3A_310], %parallel_loop3A_308 {strides = array<i32>} : memref<32x128xf32, #tpu.memory_space<vmem>>, vector<16xf32>,
        %parallel_loop3A_312 = tpu.vector_load_idx %arg6[%add3A_13, %parallel_loop3A_303] : memref<128x32xf32, #tpu.memory_space<vmem>>[vector<16xi32>, vector<16xi32>], vector<16xf32>,
        %parallel_loop3A_313 = arith.index_cast %parallel_loop3A_302 : i32 to index
        %parallel_loop3A_314 = arith.constant 32 : index
        %parallel_loop3A_315 = tpu.vector_load %arg8[%parallel_loop3A_313, %parallel_loop3A_314] {strides = array<i32>} : memref<32x128xf32, #tpu.memory_space<vmem>>, vector<16xf32>,
        tpu.vector_store %arg8[%parallel_loop3A_313, %parallel_loop3A_314], %parallel_loop3A_312 {strides = array<i32>} : memref<32x128xf32, #tpu.memory_space<vmem>>, vector<16xf32>,
        %parallel_loop3A_316 = tpu.vector_load_idx %arg6[%add3A_17, %parallel_loop3A_303] : memref<128x32xf32, #tpu.memory_space<vmem>>[vector<16xi32>, vector<16xi32>], vector<16xf32>,
        %parallel_loop3A_317 = arith.index_cast %parallel_loop3A_302 : i32 to index
        %parallel_loop3A_318 = arith.constant 48 : index
        %parallel_loop3A_319 = tpu.vector_load %arg8[%parallel_loop3A_317, %parallel_loop3A_318] {strides = array<i32>} : memref<32x128xf32, #tpu.memory_space<vmem>>, vector<16xf32>,
        tpu.vector_store %arg8[%parallel_loop3A_317, %parallel_loop3A_318], %parallel_loop3A_316 {strides = array<i32>} : memref<32x128xf32, #tpu.memory_space<vmem>>, vector<16xf32>,
        %parallel_loop3A_320 = tpu.vector_load_idx %arg6[%add3A_21, %parallel_loop3A_303] : memref<128x32xf32, #tpu.memory_space<vmem>>[vector<16xi32>, vector<16xi32>], vector<16xf32>,
        %parallel_loop3A_321 = arith.index_cast %parallel_loop3A_302 : i32 to index
        %parallel_loop3A_322 = arith.constant 64 : index
        %parallel_loop3A_323 = tpu.vector_load %arg8[%parallel_loop3A_321, %parallel_loop3A_322] {strides = array<i32>} : memref<32x128xf32, #tpu.memory_space<vmem>>, vector<16xf32>,
        tpu.vector_store %arg8[%parallel_loop3A_321, %parallel_loop3A_322], %parallel_loop3A_320 {strides = array<i32>} : memref<32x128xf32, #tpu.memory_space<vmem>>, vector<16xf32>,
        %parallel_loop3A_324 = tpu.vector_load_idx %arg6[%add3A_25, %parallel_loop3A_303] : memref<128x32xf32, #tpu.memory_space<vmem>>[vector<16xi32>, vector<16xi32>], vector<16xf32>,
        %parallel_loop3A_325 = arith.index_cast %parallel_loop3A_302 : i32 to index
        %parallel_loop3A_326 = arith.constant 80 : index
        %parallel_loop3A_327 = tpu.vector_load %arg8[%parallel_loop3A_325, %parallel_loop3A_326] {strides = array<i32>} : memref<32x128xf32, #tpu.memory_space<vmem>>, vector<16xf32>,
        tpu.vector_store %arg8[%parallel_loop3A_325, %parallel_loop3A_326], %parallel_loop3A_324 {strides = array<i32>} : memref<32x128xf32, #tpu.memory_space<vmem>>, vector<16xf32>,
        %parallel_loop3A_328 = tpu.vector_load_idx %arg6[%add3A_29, %parallel_loop3A_303] : memref<128x32xf32, #tpu.memory_space<vmem>>[vector<16xi32>, vector<16xi32>], vector<16xf32>,
        %parallel_loop3A_329 = arith.index_cast %parallel_loop3A_302 : i32 to index
        %parallel_loop3A_330 = arith.constant 96 : index
        %parallel_loop3A_331 = tpu.vector_load %arg8[%parallel_loop3A_329, %parallel_loop3A_330] {strides = array<i32>} : memref<32x128xf32, #tpu.memory_space<vmem>>, vector<16xf32>,
        tpu.vector_store %arg8[%parallel_loop3A_329, %parallel_loop3A_330], %parallel_loop3A_328 {strides = array<i32>} : memref<32x128xf32, #tpu.memory_space<vmem>>, vector<16xf32>,
        %parallel_loop3A_332 = tpu.vector_load_idx %arg6[%add3A_33, %parallel_loop3A_303] : memref<128x32xf32, #tpu.memory_space<vmem>>[vector<16xi32>, vector<16xi32>], vector<16xf32>,
        %parallel_loop3A_333 = arith.index_cast %parallel_loop3A_302 : i32 to index
        %parallel_loop3A_334 = arith.constant 112 : index
        %parallel_loop3A_335 = tpu.vector_load %arg8[%parallel_loop3A_333, %parallel_loop3A_334] {strides = array<i32>} : memref<32x128xf32, #tpu.memory_space<vmem>>, vector<16xf32>,
        tpu.vector_store %arg8[%parallel_loop3A_333, %parallel_loop3A_334], %parallel_loop3A_332 {strides = array<i32>} : memref<32x128xf32, #tpu.memory_space<vmem>>, vector<16xf32>,
      } {sc.loop_unroll_factor = 4 : i64, sc.parallel_access}
      %add3A_224 = arith.constant 2 : i32
      %add3A_225 = arith.addi %add3A_213, %add3A_224 : i32
      %dma_start3A_226 = arith.constant 0 : i32
      %dma_start3A_227 = tpu.memref_slice %arg5[%add3A_225, %dma_start3A_226] : memref<200x128xi32, #tpu.memory_space<vmem>> -> memref<1x128xi32, #tpu.memory_space<vmem>>
      %dma_start3A_228 = tpu.memref_squeeze %dma_start3A_227 : memref<1x128xi32, #tpu.memory_space<vmem>> -> memref<128xi32, #tpu.memory_space<vmem>>
      %dma_start3A_229 = arith.constant 0 : i32
      %dma_start3A_230 = arith.constant 0 : i32
      %dma_start3A_231 = tpu.memref_slice %arg2[%dma_start3A_229, %dma_start3A_230] : memref<1000000x32xf32, #tpu.memory_space<hbm>> -> memref<1000000x32xf32, #tpu.memory_space<hbm>>
      tpu.enqueue_indirect_dma source(%dma_start3A_231 : memref<1000000x32xf32, #tpu.memory_space<hbm>>) target(%arg6 : memref<128x32xf32, #tpu.memory_space<vmem>>) offsets(%dma_start3A_228 : memref<128xi32, #tpu.memory_space<vmem>>) semaphore(%arg11 : memref<!tpu.dma_semaphore, #tpu.memory_space<semaphore_mem>>)
      %dma_wait3A_232 = arith.constant 0 : i32
      %dma_wait3A_233 = arith.constant 0 : i32
      %dma_wait3A_234 = arith.constant 0 : i32
      %dma_wait3A_235 = tpu.memref_slice %arg4[%dma_wait3A_232, %dma_wait3A_233, %dma_wait3A_234] : memref<200x32x4096xf32, #tpu.memory_space<hbm>> -> memref<1x32x4096xf32, #tpu.memory_space<hbm>>
      %dma_wait3A_236 = tpu.memref_squeeze %dma_wait3A_235 : memref<1x32x4096xf32, #tpu.memory_space<hbm>> -> memref<32x4096xf32, #tpu.memory_space<hbm>>
      %dma_wait3A_237 = arith.constant 0 : i32
      %dma_wait3A_238 = tpu.memref_slice %dma_wait3A_236[%dma_wait3A_237, %mul3A_2] : memref<32x4096xf32, #tpu.memory_space<hbm>> -> memref<32x128xf32, #tpu.memory_space<hbm>>
      %dma_wait3A_239 = arith.constant 0 : i32
      %dma_wait3A_240 = arith.constant 0 : i32
      %dma_wait3A_241 = tpu.memref_slice %arg4[%dma_wait3A_232, %dma_wait3A_239, %dma_wait3A_240] : memref<200x32x4096xf32, #tpu.memory_space<hbm>> -> memref<1x32x4096xf32, #tpu.memory_space<hbm>>
      %dma_wait3A_242 = tpu.memref_squeeze %dma_wait3A_241 : memref<1x32x4096xf32, #tpu.memory_space<hbm>> -> memref<32x4096xf32, #tpu.memory_space<hbm>>
      %dma_wait3A_243 = arith.constant 0 : i32
      %dma_wait3A_244 = tpu.memref_slice %dma_wait3A_242[%dma_wait3A_243, %mul3A_2] : memref<32x4096xf32, #tpu.memory_space<hbm>> -> memref<32x128xf32, #tpu.memory_space<hbm>>
      tpu.wait_dma2 semaphore(%arg12 : memref<!tpu.dma_semaphore, #tpu.memory_space<semaphore_mem>>) src(%arg8 : memref<32x128xf32, #tpu.memory_space<vmem>>) dst(%dma_wait3A_244 : memref<32x128xf32, #tpu.memory_space<hbm>>)
      %dma_start3A_245 = arith.constant 0 : i32
      %dma_start3A_246 = arith.constant 0 : i32
      %dma_start3A_247 = tpu.memref_slice %arg4[%add3A_213, %dma_start3A_245, %dma_start3A_246] : memref<200x32x4096xf32, #tpu.memory_space<hbm>> -> memref<1x32x4096xf32, #tpu.memory_space<hbm>>
      %dma_start3A_248 = tpu.memref_squeeze %dma_start3A_247 : memref<1x32x4096xf32, #tpu.memory_space<hbm>> -> memref<32x4096xf32, #tpu.memory_space<hbm>>
      %dma_start3A_249 = arith.constant 0 : i32
      %dma_start3A_250 = tpu.memref_slice %dma_start3A_248[%dma_start3A_249, %mul3A_2] : memref<32x4096xf32, #tpu.memory_space<hbm>> -> memref<32x128xf32, #tpu.memory_space<hbm>>
      %dma_start3A_251 = arith.constant 0 : i32
      %dma_start3A_252 = arith.constant 0 : i32
      %dma_start3A_253 = tpu.memref_slice %arg4[%add3A_213, %dma_start3A_251, %dma_start3A_252] : memref<200x32x4096xf32, #tpu.memory_space<hbm>> -> memref<1x32x4096xf32, #tpu.memory_space<hbm>>
      %dma_start3A_254 = tpu.memref_squeeze %dma_start3A_253 : memref<1x32x4096xf32, #tpu.memory_space<hbm>> -> memref<32x4096xf32, #tpu.memory_space<hbm>>
      %dma_start3A_255 = arith.constant 0 : i32
      %dma_start3A_256 = tpu.memref_slice %dma_start3A_254[%dma_start3A_255, %mul3A_2] : memref<32x4096xf32, #tpu.memory_space<hbm>> -> memref<32x128xf32, #tpu.memory_space<hbm>>
      tpu.enqueue_dma source(%arg8 : memref<32x128xf32, #tpu.memory_space<vmem>>) target(%dma_start3A_256 : memref<32x128xf32, #tpu.memory_space<hbm>>) target_semaphore(%arg12 : memref<!tpu.dma_semaphore, #tpu.memory_space<semaphore_mem>>)
      %add3A_257 = arith.constant 1 : i32
      %add3A_258 = arith.addi %add3A_211, %add3A_257 : i32
      %dma_wait3A_259 = arith.constant 0 : i32
      %dma_wait3A_260 = arith.constant 0 : i32
      %dma_wait3A_261 = tpu.memref_slice %arg5[%dma_wait3A_259, %dma_wait3A_260] : memref<200x128xi32, #tpu.memory_space<vmem>> -> memref<1x128xi32, #tpu.memory_space<vmem>>
      %dma_wait3A_262 = tpu.memref_squeeze %dma_wait3A_261 : memref<1x128xi32, #tpu.memory_space<vmem>> -> memref<128xi32, #tpu.memory_space<vmem>>
      %dma_wait3A_263 = arith.constant 0 : i32
      %dma_wait3A_264 = arith.constant 0 : i32
      %dma_wait3A_265 = tpu.memref_slice %arg2[%dma_wait3A_263, %dma_wait3A_264] : memref<1000000x32xf32, #tpu.memory_space<hbm>> -> memref<1000000x32xf32, #tpu.memory_space<hbm>>
      tpu.wait_indirect_dma semaphore(%arg11 : memref<!tpu.dma_semaphore, #tpu.memory_space<semaphore_mem>>) src(%dma_wait3A_265 : memref<1000000x32xf32, #tpu.memory_space<hbm>>) dst(%arg7 : memref<128x32xf32, #tpu.memory_space<vmem>>)
      %parallel_loop3A_266 = arith.constant 0 : i32
      %parallel_loop3A_267 = arith.constant 32 : i32
      %parallel_loop3A_268 = arith.constant 1 : i32
      scf.for %parallel_loop3A_302 = %parallel_loop3A_266 to %parallel_loop3A_267 step %parallel_loop3A_268  : i32 {
        %parallel_loop3A_303 = vector.broadcast %parallel_loop3A_302 : i32 to vector<16xi32>
        %parallel_loop3A_304 = tpu.vector_load_idx %arg7[%add3A_5, %parallel_loop3A_303] : memref<128x32xf32, #tpu.memory_space<vmem>>[vector<16xi32>, vector<16xi32>], vector<16xf32>,
        %parallel_loop3A_305 = arith.index_cast %parallel_loop3A_302 : i32 to index
        %parallel_loop3A_306 = arith.constant 0 : index
        %parallel_loop3A_307 = tpu.vector_load %arg9[%parallel_loop3A_305, %parallel_loop3A_306] {strides = array<i32>} : memref<32x128xf32, #tpu.memory_space<vmem>>, vector<16xf32>,
        tpu.vector_store %arg9[%parallel_loop3A_305, %parallel_loop3A_306], %parallel_loop3A_304 {strides = array<i32>} : memref<32x128xf32, #tpu.memory_space<vmem>>, vector<16xf32>,
        %parallel_loop3A_308 = tpu.vector_load_idx %arg7[%add3A_9, %parallel_loop3A_303] : memref<128x32xf32, #tpu.memory_space<vmem>>[vector<16xi32>, vector<16xi32>], vector<16xf32>,
        %parallel_loop3A_309 = arith.index_cast %parallel_loop3A_302 : i32 to index
        %parallel_loop3A_310 = arith.constant 16 : index
        %parallel_loop3A_311 = tpu.vector_load %arg9[%parallel_loop3A_309, %parallel_loop3A_310] {strides = array<i32>} : memref<32x128xf32, #tpu.memory_space<vmem>>, vector<16xf32>,
        tpu.vector_store %arg9[%parallel_loop3A_309, %parallel_loop3A_310], %parallel_loop3A_308 {strides = array<i32>} : memref<32x128xf32, #tpu.memory_space<vmem>>, vector<16xf32>,
        %parallel_loop3A_312 = tpu.vector_load_idx %arg7[%add3A_13, %parallel_loop3A_303] : memref<128x32xf32, #tpu.memory_space<vmem>>[vector<16xi32>, vector<16xi32>], vector<16xf32>,
        %parallel_loop3A_313 = arith.index_cast %parallel_loop3A_302 : i32 to index
        %parallel_loop3A_314 = arith.constant 32 : index
        %parallel_loop3A_315 = tpu.vector_load %arg9[%parallel_loop3A_313, %parallel_loop3A_314] {strides = array<i32>} : memref<32x128xf32, #tpu.memory_space<vmem>>, vector<16xf32>,
        tpu.vector_store %arg9[%parallel_loop3A_313, %parallel_loop3A_314], %parallel_loop3A_312 {strides = array<i32>} : memref<32x128xf32, #tpu.memory_space<vmem>>, vector<16xf32>,
        %parallel_loop3A_316 = tpu.vector_load_idx %arg7[%add3A_17, %parallel_loop3A_303] : memref<128x32xf32, #tpu.memory_space<vmem>>[vector<16xi32>, vector<16xi32>], vector<16xf32>,
        %parallel_loop3A_317 = arith.index_cast %parallel_loop3A_302 : i32 to index
        %parallel_loop3A_318 = arith.constant 48 : index
        %parallel_loop3A_319 = tpu.vector_load %arg9[%parallel_loop3A_317, %parallel_loop3A_318] {strides = array<i32>} : memref<32x128xf32, #tpu.memory_space<vmem>>, vector<16xf32>,
        tpu.vector_store %arg9[%parallel_loop3A_317, %parallel_loop3A_318], %parallel_loop3A_316 {strides = array<i32>} : memref<32x128xf32, #tpu.memory_space<vmem>>, vector<16xf32>,
        %parallel_loop3A_320 = tpu.vector_load_idx %arg7[%add3A_21, %parallel_loop3A_303] : memref<128x32xf32, #tpu.memory_space<vmem>>[vector<16xi32>, vector<16xi32>], vector<16xf32>,
        %parallel_loop3A_321 = arith.index_cast %parallel_loop3A_302 : i32 to index
        %parallel_loop3A_322 = arith.constant 64 : index
        %parallel_loop3A_323 = tpu.vector_load %arg9[%parallel_loop3A_321, %parallel_loop3A_322] {strides = array<i32>} : memref<32x128xf32, #tpu.memory_space<vmem>>, vector<16xf32>,
        tpu.vector_store %arg9[%parallel_loop3A_321, %parallel_loop3A_322], %parallel_loop3A_320 {strides = array<i32>} : memref<32x128xf32, #tpu.memory_space<vmem>>, vector<16xf32>,
        %parallel_loop3A_324 = tpu.vector_load_idx %arg7[%add3A_25, %parallel_loop3A_303] : memref<128x32xf32, #tpu.memory_space<vmem>>[vector<16xi32>, vector<16xi32>], vector<16xf32>,
        %parallel_loop3A_325 = arith.index_cast %parallel_loop3A_302 : i32 to index
        %parallel_loop3A_326 = arith.constant 80 : index
        %parallel_loop3A_327 = tpu.vector_load %arg9[%parallel_loop3A_325, %parallel_loop3A_326] {strides = array<i32>} : memref<32x128xf32, #tpu.memory_space<vmem>>, vector<16xf32>,
        tpu.vector_store %arg9[%parallel_loop3A_325, %parallel_loop3A_326], %parallel_loop3A_324 {strides = array<i32>} : memref<32x128xf32, #tpu.memory_space<vmem>>, vector<16xf32>,
        %parallel_loop3A_328 = tpu.vector_load_idx %arg7[%add3A_29, %parallel_loop3A_303] : memref<128x32xf32, #tpu.memory_space<vmem>>[vector<16xi32>, vector<16xi32>], vector<16xf32>,
        %parallel_loop3A_329 = arith.index_cast %parallel_loop3A_302 : i32 to index
        %parallel_loop3A_330 = arith.constant 96 : index
        %parallel_loop3A_331 = tpu.vector_load %arg9[%parallel_loop3A_329, %parallel_loop3A_330] {strides = array<i32>} : memref<32x128xf32, #tpu.memory_space<vmem>>, vector<16xf32>,
        tpu.vector_store %arg9[%parallel_loop3A_329, %parallel_loop3A_330], %parallel_loop3A_328 {strides = array<i32>} : memref<32x128xf32, #tpu.memory_space<vmem>>, vector<16xf32>,
        %parallel_loop3A_332 = tpu.vector_load_idx %arg7[%add3A_33, %parallel_loop3A_303] : memref<128x32xf32, #tpu.memory_space<vmem>>[vector<16xi32>, vector<16xi32>], vector<16xf32>,
        %parallel_loop3A_333 = arith.index_cast %parallel_loop3A_302 : i32 to index
        %parallel_loop3A_334 = arith.constant 112 : index
        %parallel_loop3A_335 = tpu.vector_load %arg9[%parallel_loop3A_333, %parallel_loop3A_334] {strides = array<i32>} : memref<32x128xf32, #tpu.memory_space<vmem>>, vector<16xf32>,
        tpu.vector_store %arg9[%parallel_loop3A_333, %parallel_loop3A_334], %parallel_loop3A_332 {strides = array<i32>} : memref<32x128xf32, #tpu.memory_space<vmem>>, vector<16xf32>,
      } {sc.loop_unroll_factor = 4 : i64, sc.parallel_access}
      %add3A_269 = arith.constant 2 : i32
      %add3A_270 = arith.addi %add3A_258, %add3A_269 : i32
      %dma_start3A_271 = arith.constant 0 : i32
      %dma_start3A_272 = tpu.memref_slice %arg5[%add3A_270, %dma_start3A_271] : memref<200x128xi32, #tpu.memory_space<vmem>> -> memref<1x128xi32, #tpu.memory_space<vmem>>
      %dma_start3A_273 = tpu.memref_squeeze %dma_start3A_272 : memref<1x128xi32, #tpu.memory_space<vmem>> -> memref<128xi32, #tpu.memory_space<vmem>>
      %dma_start3A_274 = arith.constant 0 : i32
      %dma_start3A_275 = arith.constant 0 : i32
      %dma_start3A_276 = tpu.memref_slice %arg2[%dma_start3A_274, %dma_start3A_275] : memref<1000000x32xf32, #tpu.memory_space<hbm>> -> memref<1000000x32xf32, #tpu.memory_space<hbm>>
      tpu.enqueue_indirect_dma source(%dma_start3A_276 : memref<1000000x32xf32, #tpu.memory_space<hbm>>) target(%arg7 : memref<128x32xf32, #tpu.memory_space<vmem>>) offsets(%dma_start3A_273 : memref<128xi32, #tpu.memory_space<vmem>>) semaphore(%arg11 : memref<!tpu.dma_semaphore, #tpu.memory_space<semaphore_mem>>)
      %dma_wait3A_277 = arith.constant 0 : i32
      %dma_wait3A_278 = arith.constant 0 : i32
      %dma_wait3A_279 = arith.constant 0 : i32
      %dma_wait3A_280 = tpu.memref_slice %arg4[%dma_wait3A_277, %dma_wait3A_278, %dma_wait3A_279] : memref<200x32x4096xf32, #tpu.memory_space<hbm>> -> memref<1x32x4096xf32, #tpu.memory_space<hbm>>
      %dma_wait3A_281 = tpu.memref_squeeze %dma_wait3A_280 : memref<1x32x4096xf32, #tpu.memory_space<hbm>> -> memref<32x4096xf32, #tpu.memory_space<hbm>>
      %dma_wait3A_282 = arith.constant 0 : i32
      %dma_wait3A_283 = tpu.memref_slice %dma_wait3A_281[%dma_wait3A_282, %mul3A_2] : memref<32x4096xf32, #tpu.memory_space<hbm>> -> memref<32x128xf32, #tpu.memory_space<hbm>>
      %dma_wait3A_284 = arith.constant 0 : i32
      %dma_wait3A_285 = arith.constant 0 : i32
      %dma_wait3A_286 = tpu.memref_slice %arg4[%dma_wait3A_277, %dma_wait3A_284, %dma_wait3A_285] : memref<200x32x4096xf32, #tpu.memory_space<hbm>> -> memref<1x32x4096xf32, #tpu.memory_space<hbm>>
      %dma_wait3A_287 = tpu.memref_squeeze %dma_wait3A_286 : memref<1x32x4096xf32, #tpu.memory_space<hbm>> -> memref<32x4096xf32, #tpu.memory_space<hbm>>
      %dma_wait3A_288 = arith.constant 0 : i32
      %dma_wait3A_289 = tpu.memref_slice %dma_wait3A_287[%dma_wait3A_288, %mul3A_2] : memref<32x4096xf32, #tpu.memory_space<hbm>> -> memref<32x128xf32, #tpu.memory_space<hbm>>
      tpu.wait_dma2 semaphore(%arg13 : memref<!tpu.dma_semaphore, #tpu.memory_space<semaphore_mem>>) src(%arg9 : memref<32x128xf32, #tpu.memory_space<vmem>>) dst(%dma_wait3A_289 : memref<32x128xf32, #tpu.memory_space<hbm>>)
      %dma_start3A_290 = arith.constant 0 : i32
      %dma_start3A_291 = arith.constant 0 : i32
      %dma_start3A_292 = tpu.memref_slice %arg4[%add3A_258, %dma_start3A_290, %dma_start3A_291] : memref<200x32x4096xf32, #tpu.memory_space<hbm>> -> memref<1x32x4096xf32, #tpu.memory_space<hbm>>
      %dma_start3A_293 = tpu.memref_squeeze %dma_start3A_292 : memref<1x32x4096xf32, #tpu.memory_space<hbm>> -> memref<32x4096xf32, #tpu.memory_space<hbm>>
      %dma_start3A_294 = arith.constant 0 : i32
      %dma_start3A_295 = tpu.memref_slice %dma_start3A_293[%dma_start3A_294, %mul3A_2] : memref<32x4096xf32, #tpu.memory_space<hbm>> -> memref<32x128xf32, #tpu.memory_space<hbm>>
      %dma_start3A_296 = arith.constant 0 : i32
      %dma_start3A_297 = arith.constant 0 : i32
      %dma_start3A_298 = tpu.memref_slice %arg4[%add3A_258, %dma_start3A_296, %dma_start3A_297] : memref<200x32x4096xf32, #tpu.memory_space<hbm>> -> memref<1x32x4096xf32, #tpu.memory_space<hbm>>
      %dma_start3A_299 = tpu.memref_squeeze %dma_start3A_298 : memref<1x32x4096xf32, #tpu.memory_space<hbm>> -> memref<32x4096xf32, #tpu.memory_space<hbm>>
      %dma_start3A_300 = arith.constant 0 : i32
      %dma_start3A_301 = tpu.memref_slice %dma_start3A_299[%dma_start3A_300, %mul3A_2] : memref<32x4096xf32, #tpu.memory_space<hbm>> -> memref<32x128xf32, #tpu.memory_space<hbm>>
      tpu.enqueue_dma source(%arg9 : memref<32x128xf32, #tpu.memory_space<vmem>>) target(%dma_start3A_301 : memref<32x128xf32, #tpu.memory_space<hbm>>) target_semaphore(%arg13 : memref<!tpu.dma_semaphore, #tpu.memory_space<semaphore_mem>>)
    }
    %scan3A_108 = arith.constant 98 : i32
    %dma_wait3A_109 = arith.constant 0 : i32
    %dma_wait3A_110 = arith.constant 0 : i32
    %dma_wait3A_111 = tpu.memref_slice %arg5[%dma_wait3A_109, %dma_wait3A_110] : memref<200x128xi32, #tpu.memory_space<vmem>> -> memref<1x128xi32, #tpu.memory_space<vmem>>
    %dma_wait3A_112 = tpu.memref_squeeze %dma_wait3A_111 : memref<1x128xi32, #tpu.memory_space<vmem>> -> memref<128xi32, #tpu.memory_space<vmem>>
    %dma_wait3A_113 = arith.constant 0 : i32
    %dma_wait3A_114 = arith.constant 0 : i32
    %dma_wait3A_115 = tpu.memref_slice %arg2[%dma_wait3A_113, %dma_wait3A_114] : memref<1000000x32xf32, #tpu.memory_space<hbm>> -> memref<1000000x32xf32, #tpu.memory_space<hbm>>
    tpu.wait_indirect_dma semaphore(%arg11 : memref<!tpu.dma_semaphore, #tpu.memory_space<semaphore_mem>>) src(%dma_wait3A_115 : memref<1000000x32xf32, #tpu.memory_space<hbm>>) dst(%arg6 : memref<128x32xf32, #tpu.memory_space<vmem>>)
    %parallel_loop3A_116 = arith.constant 0 : i32
    %parallel_loop3A_117 = arith.constant 32 : i32
    %parallel_loop3A_118 = arith.constant 1 : i32
    scf.for %parallel_loop3A_207 = %parallel_loop3A_116 to %parallel_loop3A_117 step %parallel_loop3A_118  : i32 {
      %parallel_loop3A_208 = vector.broadcast %parallel_loop3A_207 : i32 to vector<16xi32>
      %parallel_loop3A_209 = tpu.vector_load_idx %arg6[%add3A_5, %parallel_loop3A_208] : memref<128x32xf32, #tpu.memory_space<vmem>>[vector<16xi32>, vector<16xi32>], vector<16xf32>,
      %parallel_loop3A_210 = arith.index_cast %parallel_loop3A_207 : i32 to index
      %parallel_loop3A_211 = arith.constant 0 : index
      %parallel_loop3A_212 = tpu.vector_load %arg8[%parallel_loop3A_210, %parallel_loop3A_211] {strides = array<i32>} : memref<32x128xf32, #tpu.memory_space<vmem>>, vector<16xf32>,
      tpu.vector_store %arg8[%parallel_loop3A_210, %parallel_loop3A_211], %parallel_loop3A_209 {strides = array<i32>} : memref<32x128xf32, #tpu.memory_space<vmem>>, vector<16xf32>,
      %parallel_loop3A_213 = tpu.vector_load_idx %arg6[%add3A_9, %parallel_loop3A_208] : memref<128x32xf32, #tpu.memory_space<vmem>>[vector<16xi32>, vector<16xi32>], vector<16xf32>,
      %parallel_loop3A_214 = arith.index_cast %parallel_loop3A_207 : i32 to index
      %parallel_loop3A_215 = arith.constant 16 : index
      %parallel_loop3A_216 = tpu.vector_load %arg8[%parallel_loop3A_214, %parallel_loop3A_215] {strides = array<i32>} : memref<32x128xf32, #tpu.memory_space<vmem>>, vector<16xf32>,
      tpu.vector_store %arg8[%parallel_loop3A_214, %parallel_loop3A_215], %parallel_loop3A_213 {strides = array<i32>} : memref<32x128xf32, #tpu.memory_space<vmem>>, vector<16xf32>,
      %parallel_loop3A_217 = tpu.vector_load_idx %arg6[%add3A_13, %parallel_loop3A_208] : memref<128x32xf32, #tpu.memory_space<vmem>>[vector<16xi32>, vector<16xi32>], vector<16xf32>,
      %parallel_loop3A_218 = arith.index_cast %parallel_loop3A_207 : i32 to index
      %parallel_loop3A_219 = arith.constant 32 : index
      %parallel_loop3A_220 = tpu.vector_load %arg8[%parallel_loop3A_218, %parallel_loop3A_219] {strides = array<i32>} : memref<32x128xf32, #tpu.memory_space<vmem>>, vector<16xf32>,
      tpu.vector_store %arg8[%parallel_loop3A_218, %parallel_loop3A_219], %parallel_loop3A_217 {strides = array<i32>} : memref<32x128xf32, #tpu.memory_space<vmem>>, vector<16xf32>,
      %parallel_loop3A_221 = tpu.vector_load_idx %arg6[%add3A_17, %parallel_loop3A_208] : memref<128x32xf32, #tpu.memory_space<vmem>>[vector<16xi32>, vector<16xi32>], vector<16xf32>,
      %parallel_loop3A_222 = arith.index_cast %parallel_loop3A_207 : i32 to index
      %parallel_loop3A_223 = arith.constant 48 : index
      %parallel_loop3A_224 = tpu.vector_load %arg8[%parallel_loop3A_222, %parallel_loop3A_223] {strides = array<i32>} : memref<32x128xf32, #tpu.memory_space<vmem>>, vector<16xf32>,
      tpu.vector_store %arg8[%parallel_loop3A_222, %parallel_loop3A_223], %parallel_loop3A_221 {strides = array<i32>} : memref<32x128xf32, #tpu.memory_space<vmem>>, vector<16xf32>,
      %parallel_loop3A_225 = tpu.vector_load_idx %arg6[%add3A_21, %parallel_loop3A_208] : memref<128x32xf32, #tpu.memory_space<vmem>>[vector<16xi32>, vector<16xi32>], vector<16xf32>,
      %parallel_loop3A_226 = arith.index_cast %parallel_loop3A_207 : i32 to index
      %parallel_loop3A_227 = arith.constant 64 : index
      %parallel_loop3A_228 = tpu.vector_load %arg8[%parallel_loop3A_226, %parallel_loop3A_227] {strides = array<i32>} : memref<32x128xf32, #tpu.memory_space<vmem>>, vector<16xf32>,
      tpu.vector_store %arg8[%parallel_loop3A_226, %parallel_loop3A_227], %parallel_loop3A_225 {strides = array<i32>} : memref<32x128xf32, #tpu.memory_space<vmem>>, vector<16xf32>,
      %parallel_loop3A_229 = tpu.vector_load_idx %arg6[%add3A_25, %parallel_loop3A_208] : memref<128x32xf32, #tpu.memory_space<vmem>>[vector<16xi32>, vector<16xi32>], vector<16xf32>,
      %parallel_loop3A_230 = arith.index_cast %parallel_loop3A_207 : i32 to index
      %parallel_loop3A_231 = arith.constant 80 : index
      %parallel_loop3A_232 = tpu.vector_load %arg8[%parallel_loop3A_230, %parallel_loop3A_231] {strides = array<i32>} : memref<32x128xf32, #tpu.memory_space<vmem>>, vector<16xf32>,
      tpu.vector_store %arg8[%parallel_loop3A_230, %parallel_loop3A_231], %parallel_loop3A_229 {strides = array<i32>} : memref<32x128xf32, #tpu.memory_space<vmem>>, vector<16xf32>,
      %parallel_loop3A_233 = tpu.vector_load_idx %arg6[%add3A_29, %parallel_loop3A_208] : memref<128x32xf32, #tpu.memory_space<vmem>>[vector<16xi32>, vector<16xi32>], vector<16xf32>,
      %parallel_loop3A_234 = arith.index_cast %parallel_loop3A_207 : i32 to index
      %parallel_loop3A_235 = arith.constant 96 : index
      %parallel_loop3A_236 = tpu.vector_load %arg8[%parallel_loop3A_234, %parallel_loop3A_235] {strides = array<i32>} : memref<32x128xf32, #tpu.memory_space<vmem>>, vector<16xf32>,
      tpu.vector_store %arg8[%parallel_loop3A_234, %parallel_loop3A_235], %parallel_loop3A_233 {strides = array<i32>} : memref<32x128xf32, #tpu.memory_space<vmem>>, vector<16xf32>,
      %parallel_loop3A_237 = tpu.vector_load_idx %arg6[%add3A_33, %parallel_loop3A_208] : memref<128x32xf32, #tpu.memory_space<vmem>>[vector<16xi32>, vector<16xi32>], vector<16xf32>,
      %parallel_loop3A_238 = arith.index_cast %parallel_loop3A_207 : i32 to index
      %parallel_loop3A_239 = arith.constant 112 : index
      %parallel_loop3A_240 = tpu.vector_load %arg8[%parallel_loop3A_238, %parallel_loop3A_239] {strides = array<i32>} : memref<32x128xf32, #tpu.memory_space<vmem>>, vector<16xf32>,
      tpu.vector_store %arg8[%parallel_loop3A_238, %parallel_loop3A_239], %parallel_loop3A_237 {strides = array<i32>} : memref<32x128xf32, #tpu.memory_space<vmem>>, vector<16xf32>,
    } {sc.loop_unroll_factor = 4 : i64, sc.parallel_access}
    %dma_wait3A_119 = arith.constant 0 : i32
    %dma_wait3A_120 = arith.constant 0 : i32
    %dma_wait3A_121 = arith.constant 0 : i32
    %dma_wait3A_122 = tpu.memref_slice %arg4[%dma_wait3A_119, %dma_wait3A_120, %dma_wait3A_121] : memref<200x32x4096xf32, #tpu.memory_space<hbm>> -> memref<1x32x4096xf32, #tpu.memory_space<hbm>>
    %dma_wait3A_123 = tpu.memref_squeeze %dma_wait3A_122 : memref<1x32x4096xf32, #tpu.memory_space<hbm>> -> memref<32x4096xf32, #tpu.memory_space<hbm>>
    %dma_wait3A_124 = arith.constant 0 : i32
    %dma_wait3A_125 = tpu.memref_slice %dma_wait3A_123[%dma_wait3A_124, %mul3A_2] : memref<32x4096xf32, #tpu.memory_space<hbm>> -> memref<32x128xf32, #tpu.memory_space<hbm>>
    %dma_wait3A_126 = arith.constant 0 : i32
    %dma_wait3A_127 = arith.constant 0 : i32
    %dma_wait3A_128 = tpu.memref_slice %arg4[%dma_wait3A_119, %dma_wait3A_126, %dma_wait3A_127] : memref<200x32x4096xf32, #tpu.memory_space<hbm>> -> memref<1x32x4096xf32, #tpu.memory_space<hbm>>
    %dma_wait3A_129 = tpu.memref_squeeze %dma_wait3A_128 : memref<1x32x4096xf32, #tpu.memory_space<hbm>> -> memref<32x4096xf32, #tpu.memory_space<hbm>>
    %dma_wait3A_130 = arith.constant 0 : i32
    %dma_wait3A_131 = tpu.memref_slice %dma_wait3A_129[%dma_wait3A_130, %mul3A_2] : memref<32x4096xf32, #tpu.memory_space<hbm>> -> memref<32x128xf32, #tpu.memory_space<hbm>>
    tpu.wait_dma2 semaphore(%arg12 : memref<!tpu.dma_semaphore, #tpu.memory_space<semaphore_mem>>) src(%arg8 : memref<32x128xf32, #tpu.memory_space<vmem>>) dst(%dma_wait3A_131 : memref<32x128xf32, #tpu.memory_space<hbm>>)
    %dma_start3A_132 = arith.constant 198 : i32
    %dma_start3A_133 = arith.constant 0 : i32
    %dma_start3A_134 = arith.constant 0 : i32
    %dma_start3A_135 = tpu.memref_slice %arg4[%dma_start3A_132, %dma_start3A_133, %dma_start3A_134] : memref<200x32x4096xf32, #tpu.memory_space<hbm>> -> memref<1x32x4096xf32, #tpu.memory_space<hbm>>
    %dma_start3A_136 = tpu.memref_squeeze %dma_start3A_135 : memref<1x32x4096xf32, #tpu.memory_space<hbm>> -> memref<32x4096xf32, #tpu.memory_space<hbm>>
    %dma_start3A_137 = arith.constant 0 : i32
    %dma_start3A_138 = tpu.memref_slice %dma_start3A_136[%dma_start3A_137, %mul3A_2] : memref<32x4096xf32, #tpu.memory_space<hbm>> -> memref<32x128xf32, #tpu.memory_space<hbm>>
    %dma_start3A_139 = arith.constant 0 : i32
    %dma_start3A_140 = arith.constant 0 : i32
    %dma_start3A_141 = tpu.memref_slice %arg4[%dma_start3A_132, %dma_start3A_139, %dma_start3A_140] : memref<200x32x4096xf32, #tpu.memory_space<hbm>> -> memref<1x32x4096xf32, #tpu.memory_space<hbm>>
    %dma_start3A_142 = tpu.memref_squeeze %dma_start3A_141 : memref<1x32x4096xf32, #tpu.memory_space<hbm>> -> memref<32x4096xf32, #tpu.memory_space<hbm>>
    %dma_start3A_143 = arith.constant 0 : i32
    %dma_start3A_144 = tpu.memref_slice %dma_start3A_142[%dma_start3A_143, %mul3A_2] : memref<32x4096xf32, #tpu.memory_space<hbm>> -> memref<32x128xf32, #tpu.memory_space<hbm>>
    tpu.enqueue_dma source(%arg8 : memref<32x128xf32, #tpu.memory_space<vmem>>) target(%dma_start3A_144 : memref<32x128xf32, #tpu.memory_space<hbm>>) target_semaphore(%arg12 : memref<!tpu.dma_semaphore, #tpu.memory_space<semaphore_mem>>)
    %dma_wait3A_145 = arith.constant 0 : i32
    %dma_wait3A_146 = arith.constant 0 : i32
    %dma_wait3A_147 = tpu.memref_slice %arg5[%dma_wait3A_145, %dma_wait3A_146] : memref<200x128xi32, #tpu.memory_space<vmem>> -> memref<1x128xi32, #tpu.memory_space<vmem>>
    %dma_wait3A_148 = tpu.memref_squeeze %dma_wait3A_147 : memref<1x128xi32, #tpu.memory_space<vmem>> -> memref<128xi32, #tpu.memory_space<vmem>>
    %dma_wait3A_149 = arith.constant 0 : i32
    %dma_wait3A_150 = arith.constant 0 : i32
    %dma_wait3A_151 = tpu.memref_slice %arg2[%dma_wait3A_149, %dma_wait3A_150] : memref<1000000x32xf32, #tpu.memory_space<hbm>> -> memref<1000000x32xf32, #tpu.memory_space<hbm>>
    tpu.wait_indirect_dma semaphore(%arg11 : memref<!tpu.dma_semaphore, #tpu.memory_space<semaphore_mem>>) src(%dma_wait3A_151 : memref<1000000x32xf32, #tpu.memory_space<hbm>>) dst(%arg7 : memref<128x32xf32, #tpu.memory_space<vmem>>)
    %parallel_loop3A_152 = arith.constant 0 : i32
    %parallel_loop3A_153 = arith.constant 32 : i32
    %parallel_loop3A_154 = arith.constant 1 : i32
    scf.for %parallel_loop3A_207 = %parallel_loop3A_152 to %parallel_loop3A_153 step %parallel_loop3A_154  : i32 {
      %parallel_loop3A_208 = vector.broadcast %parallel_loop3A_207 : i32 to vector<16xi32>
      %parallel_loop3A_209 = tpu.vector_load_idx %arg7[%add3A_5, %parallel_loop3A_208] : memref<128x32xf32, #tpu.memory_space<vmem>>[vector<16xi32>, vector<16xi32>], vector<16xf32>,
      %parallel_loop3A_210 = arith.index_cast %parallel_loop3A_207 : i32 to index
      %parallel_loop3A_211 = arith.constant 0 : index
      %parallel_loop3A_212 = tpu.vector_load %arg9[%parallel_loop3A_210, %parallel_loop3A_211] {strides = array<i32>} : memref<32x128xf32, #tpu.memory_space<vmem>>, vector<16xf32>,
      tpu.vector_store %arg9[%parallel_loop3A_210, %parallel_loop3A_211], %parallel_loop3A_209 {strides = array<i32>} : memref<32x128xf32, #tpu.memory_space<vmem>>, vector<16xf32>,
      %parallel_loop3A_213 = tpu.vector_load_idx %arg7[%add3A_9, %parallel_loop3A_208] : memref<128x32xf32, #tpu.memory_space<vmem>>[vector<16xi32>, vector<16xi32>], vector<16xf32>,
      %parallel_loop3A_214 = arith.index_cast %parallel_loop3A_207 : i32 to index
      %parallel_loop3A_215 = arith.constant 16 : index
      %parallel_loop3A_216 = tpu.vector_load %arg9[%parallel_loop3A_214, %parallel_loop3A_215] {strides = array<i32>} : memref<32x128xf32, #tpu.memory_space<vmem>>, vector<16xf32>,
      tpu.vector_store %arg9[%parallel_loop3A_214, %parallel_loop3A_215], %parallel_loop3A_213 {strides = array<i32>} : memref<32x128xf32, #tpu.memory_space<vmem>>, vector<16xf32>,
      %parallel_loop3A_217 = tpu.vector_load_idx %arg7[%add3A_13, %parallel_loop3A_208] : memref<128x32xf32, #tpu.memory_space<vmem>>[vector<16xi32>, vector<16xi32>], vector<16xf32>,
      %parallel_loop3A_218 = arith.index_cast %parallel_loop3A_207 : i32 to index
      %parallel_loop3A_219 = arith.constant 32 : index
      %parallel_loop3A_220 = tpu.vector_load %arg9[%parallel_loop3A_218, %parallel_loop3A_219] {strides = array<i32>} : memref<32x128xf32, #tpu.memory_space<vmem>>, vector<16xf32>,
      tpu.vector_store %arg9[%parallel_loop3A_218, %parallel_loop3A_219], %parallel_loop3A_217 {strides = array<i32>} : memref<32x128xf32, #tpu.memory_space<vmem>>, vector<16xf32>,
      %parallel_loop3A_221 = tpu.vector_load_idx %arg7[%add3A_17, %parallel_loop3A_208] : memref<128x32xf32, #tpu.memory_space<vmem>>[vector<16xi32>, vector<16xi32>], vector<16xf32>,
      %parallel_loop3A_222 = arith.index_cast %parallel_loop3A_207 : i32 to index
      %parallel_loop3A_223 = arith.constant 48 : index
      %parallel_loop3A_224 = tpu.vector_load %arg9[%parallel_loop3A_222, %parallel_loop3A_223] {strides = array<i32>} : memref<32x128xf32, #tpu.memory_space<vmem>>, vector<16xf32>,
      tpu.vector_store %arg9[%parallel_loop3A_222, %parallel_loop3A_223], %parallel_loop3A_221 {strides = array<i32>} : memref<32x128xf32, #tpu.memory_space<vmem>>, vector<16xf32>,
      %parallel_loop3A_225 = tpu.vector_load_idx %arg7[%add3A_21, %parallel_loop3A_208] : memref<128x32xf32, #tpu.memory_space<vmem>>[vector<16xi32>, vector<16xi32>], vector<16xf32>,
      %parallel_loop3A_226 = arith.index_cast %parallel_loop3A_207 : i32 to index
      %parallel_loop3A_227 = arith.constant 64 : index
      %parallel_loop3A_228 = tpu.vector_load %arg9[%parallel_loop3A_226, %parallel_loop3A_227] {strides = array<i32>} : memref<32x128xf32, #tpu.memory_space<vmem>>, vector<16xf32>,
      tpu.vector_store %arg9[%parallel_loop3A_226, %parallel_loop3A_227], %parallel_loop3A_225 {strides = array<i32>} : memref<32x128xf32, #tpu.memory_space<vmem>>, vector<16xf32>,
      %parallel_loop3A_229 = tpu.vector_load_idx %arg7[%add3A_25, %parallel_loop3A_208] : memref<128x32xf32, #tpu.memory_space<vmem>>[vector<16xi32>, vector<16xi32>], vector<16xf32>,
      %parallel_loop3A_230 = arith.index_cast %parallel_loop3A_207 : i32 to index
      %parallel_loop3A_231 = arith.constant 80 : index
      %parallel_loop3A_232 = tpu.vector_load %arg9[%parallel_loop3A_230, %parallel_loop3A_231] {strides = array<i32>} : memref<32x128xf32, #tpu.memory_space<vmem>>, vector<16xf32>,
      tpu.vector_store %arg9[%parallel_loop3A_230, %parallel_loop3A_231], %parallel_loop3A_229 {strides = array<i32>} : memref<32x128xf32, #tpu.memory_space<vmem>>, vector<16xf32>,
      %parallel_loop3A_233 = tpu.vector_load_idx %arg7[%add3A_29, %parallel_loop3A_208] : memref<128x32xf32, #tpu.memory_space<vmem>>[vector<16xi32>, vector<16xi32>], vector<16xf32>,
      %parallel_loop3A_234 = arith.index_cast %parallel_loop3A_207 : i32 to index
      %parallel_loop3A_235 = arith.constant 96 : index
      %parallel_loop3A_236 = tpu.vector_load %arg9[%parallel_loop3A_234, %parallel_loop3A_235] {strides = array<i32>} : memref<32x128xf32, #tpu.memory_space<vmem>>, vector<16xf32>,
      tpu.vector_store %arg9[%parallel_loop3A_234, %parallel_loop3A_235], %parallel_loop3A_233 {strides = array<i32>} : memref<32x128xf32, #tpu.memory_space<vmem>>, vector<16xf32>,
      %parallel_loop3A_237 = tpu.vector_load_idx %arg7[%add3A_33, %parallel_loop3A_208] : memref<128x32xf32, #tpu.memory_space<vmem>>[vector<16xi32>, vector<16xi32>], vector<16xf32>,
      %parallel_loop3A_238 = arith.index_cast %parallel_loop3A_207 : i32 to index
      %parallel_loop3A_239 = arith.constant 112 : index
      %parallel_loop3A_240 = tpu.vector_load %arg9[%parallel_loop3A_238, %parallel_loop3A_239] {strides = array<i32>} : memref<32x128xf32, #tpu.memory_space<vmem>>, vector<16xf32>,
      tpu.vector_store %arg9[%parallel_loop3A_238, %parallel_loop3A_239], %parallel_loop3A_237 {strides = array<i32>} : memref<32x128xf32, #tpu.memory_space<vmem>>, vector<16xf32>,
    } {sc.loop_unroll_factor = 4 : i64, sc.parallel_access}
    %dma_wait3A_155 = arith.constant 0 : i32
    %dma_wait3A_156 = arith.constant 0 : i32
    %dma_wait3A_157 = arith.constant 0 : i32
    %dma_wait3A_158 = tpu.memref_slice %arg4[%dma_wait3A_155, %dma_wait3A_156, %dma_wait3A_157] : memref<200x32x4096xf32, #tpu.memory_space<hbm>> -> memref<1x32x4096xf32, #tpu.memory_space<hbm>>
    %dma_wait3A_159 = tpu.memref_squeeze %dma_wait3A_158 : memref<1x32x4096xf32, #tpu.memory_space<hbm>> -> memref<32x4096xf32, #tpu.memory_space<hbm>>
    %dma_wait3A_160 = arith.constant 0 : i32
    %dma_wait3A_161 = tpu.memref_slice %dma_wait3A_159[%dma_wait3A_160, %mul3A_2] : memref<32x4096xf32, #tpu.memory_space<hbm>> -> memref<32x128xf32, #tpu.memory_space<hbm>>
    %dma_wait3A_162 = arith.constant 0 : i32
    %dma_wait3A_163 = arith.constant 0 : i32
    %dma_wait3A_164 = tpu.memref_slice %arg4[%dma_wait3A_155, %dma_wait3A_162, %dma_wait3A_163] : memref<200x32x4096xf32, #tpu.memory_space<hbm>> -> memref<1x32x4096xf32, #tpu.memory_space<hbm>>
    %dma_wait3A_165 = tpu.memref_squeeze %dma_wait3A_164 : memref<1x32x4096xf32, #tpu.memory_space<hbm>> -> memref<32x4096xf32, #tpu.memory_space<hbm>>
    %dma_wait3A_166 = arith.constant 0 : i32
    %dma_wait3A_167 = tpu.memref_slice %dma_wait3A_165[%dma_wait3A_166, %mul3A_2] : memref<32x4096xf32, #tpu.memory_space<hbm>> -> memref<32x128xf32, #tpu.memory_space<hbm>>
    tpu.wait_dma2 semaphore(%arg13 : memref<!tpu.dma_semaphore, #tpu.memory_space<semaphore_mem>>) src(%arg9 : memref<32x128xf32, #tpu.memory_space<vmem>>) dst(%dma_wait3A_167 : memref<32x128xf32, #tpu.memory_space<hbm>>)
    %dma_start3A_168 = arith.constant 199 : i32
    %dma_start3A_169 = arith.constant 0 : i32
    %dma_start3A_170 = arith.constant 0 : i32
    %dma_start3A_171 = tpu.memref_slice %arg4[%dma_start3A_168, %dma_start3A_169, %dma_start3A_170] : memref<200x32x4096xf32, #tpu.memory_space<hbm>> -> memref<1x32x4096xf32, #tpu.memory_space<hbm>>
    %dma_start3A_172 = tpu.memref_squeeze %dma_start3A_171 : memref<1x32x4096xf32, #tpu.memory_space<hbm>> -> memref<32x4096xf32, #tpu.memory_space<hbm>>
    %dma_start3A_173 = arith.constant 0 : i32
    %dma_start3A_174 = tpu.memref_slice %dma_start3A_172[%dma_start3A_173, %mul3A_2] : memref<32x4096xf32, #tpu.memory_space<hbm>> -> memref<32x128xf32, #tpu.memory_space<hbm>>
    %dma_start3A_175 = arith.constant 0 : i32
    %dma_start3A_176 = arith.constant 0 : i32
    %dma_start3A_177 = tpu.memref_slice %arg4[%dma_start3A_168, %dma_start3A_175, %dma_start3A_176] : memref<200x32x4096xf32, #tpu.memory_space<hbm>> -> memref<1x32x4096xf32, #tpu.memory_space<hbm>>
    %dma_start3A_178 = tpu.memref_squeeze %dma_start3A_177 : memref<1x32x4096xf32, #tpu.memory_space<hbm>> -> memref<32x4096xf32, #tpu.memory_space<hbm>>
    %dma_start3A_179 = arith.constant 0 : i32
    %dma_start3A_180 = tpu.memref_slice %dma_start3A_178[%dma_start3A_179, %mul3A_2] : memref<32x4096xf32, #tpu.memory_space<hbm>> -> memref<32x128xf32, #tpu.memory_space<hbm>>
    tpu.enqueue_dma source(%arg9 : memref<32x128xf32, #tpu.memory_space<vmem>>) target(%dma_start3A_180 : memref<32x128xf32, #tpu.memory_space<hbm>>) target_semaphore(%arg13 : memref<!tpu.dma_semaphore, #tpu.memory_space<semaphore_mem>>)
    %dma_wait3A_181 = arith.constant 0 : i32
    %dma_wait3A_182 = arith.constant 0 : i32
    %dma_wait3A_183 = arith.constant 0 : i32
    %dma_wait3A_184 = tpu.memref_slice %arg4[%dma_wait3A_181, %dma_wait3A_182, %dma_wait3A_183] : memref<200x32x4096xf32, #tpu.memory_space<hbm>> -> memref<1x32x4096xf32, #tpu.memory_space<hbm>>
    %dma_wait3A_185 = tpu.memref_squeeze %dma_wait3A_184 : memref<1x32x4096xf32, #tpu.memory_space<hbm>> -> memref<32x4096xf32, #tpu.memory_space<hbm>>
    %dma_wait3A_186 = arith.constant 0 : i32
    %dma_wait3A_187 = tpu.memref_slice %dma_wait3A_185[%dma_wait3A_186, %mul3A_2] : memref<32x4096xf32, #tpu.memory_space<hbm>> -> memref<32x128xf32, #tpu.memory_space<hbm>>
    %dma_wait3A_188 = arith.constant 0 : i32
    %dma_wait3A_189 = arith.constant 0 : i32
    %dma_wait3A_190 = tpu.memref_slice %arg4[%dma_wait3A_181, %dma_wait3A_188, %dma_wait3A_189] : memref<200x32x4096xf32, #tpu.memory_space<hbm>> -> memref<1x32x4096xf32, #tpu.memory_space<hbm>>
    %dma_wait3A_191 = tpu.memref_squeeze %dma_wait3A_190 : memref<1x32x4096xf32, #tpu.memory_space<hbm>> -> memref<32x4096xf32, #tpu.memory_space<hbm>>
    %dma_wait3A_192 = arith.constant 0 : i32
    %dma_wait3A_193 = tpu.memref_slice %dma_wait3A_191[%dma_wait3A_192, %mul3A_2] : memref<32x4096xf32, #tpu.memory_space<hbm>> -> memref<32x128xf32, #tpu.memory_space<hbm>>
    tpu.wait_dma2 semaphore(%arg12 : memref<!tpu.dma_semaphore, #tpu.memory_space<semaphore_mem>>) src(%arg8 : memref<32x128xf32, #tpu.memory_space<vmem>>) dst(%dma_wait3A_193 : memref<32x128xf32, #tpu.memory_space<hbm>>)
    %dma_wait3A_194 = arith.constant 0 : i32
    %dma_wait3A_195 = arith.constant 0 : i32
    %dma_wait3A_196 = arith.constant 0 : i32
    %dma_wait3A_197 = tpu.memref_slice %arg4[%dma_wait3A_194, %dma_wait3A_195, %dma_wait3A_196] : memref<200x32x4096xf32, #tpu.memory_space<hbm>> -> memref<1x32x4096xf32, #tpu.memory_space<hbm>>
    %dma_wait3A_198 = tpu.memref_squeeze %dma_wait3A_197 : memref<1x32x4096xf32, #tpu.memory_space<hbm>> -> memref<32x4096xf32, #tpu.memory_space<hbm>>
    %dma_wait3A_199 = arith.constant 0 : i32
    %dma_wait3A_200 = tpu.memref_slice %dma_wait3A_198[%dma_wait3A_199, %mul3A_2] : memref<32x4096xf32, #tpu.memory_space<hbm>> -> memref<32x128xf32, #tpu.memory_space<hbm>>
    %dma_wait3A_201 = arith.constant 0 : i32
    %dma_wait3A_202 = arith.constant 0 : i32
    %dma_wait3A_203 = tpu.memref_slice %arg4[%dma_wait3A_194, %dma_wait3A_201, %dma_wait3A_202] : memref<200x32x4096xf32, #tpu.memory_space<hbm>> -> memref<1x32x4096xf32, #tpu.memory_space<hbm>>
    %dma_wait3A_204 = tpu.memref_squeeze %dma_wait3A_203 : memref<1x32x4096xf32, #tpu.memory_space<hbm>> -> memref<32x4096xf32, #tpu.memory_space<hbm>>
    %dma_wait3A_205 = arith.constant 0 : i32
    %dma_wait3A_206 = tpu.memref_slice %dma_wait3A_204[%dma_wait3A_205, %mul3A_2] : memref<32x4096xf32, #tpu.memory_space<hbm>> -> memref<32x128xf32, #tpu.memory_space<hbm>>
    tpu.wait_dma2 semaphore(%arg13 : memref<!tpu.dma_semaphore, #tpu.memory_space<semaphore_mem>>) src(%arg9 : memref<32x128xf32, #tpu.memory_space<vmem>>) dst(%dma_wait3A_206 : memref<32x128xf32, #tpu.memory_space<hbm>>)
    return
  }
}

</mosaic_0001>

<sc_bundles>
// kernel: kernel.3.cloned.1.call-start
scs
__scs_entry_jumppad:
0x0: {  	(pc) =	sbr.rel $0x88, $3  }
0x1: {  	(tag) =	ssettag $0x0;
	lr =	simm.s32 $0x1  }
0x2: {  	[smem:$0x3F9F] =	sst lr;
	_ =	strace $0xD0000000  }
0x3: {  	_ = 	snop  }
0x4: {  	_ = 	snop  }
0x5: {  	_ = 	snop  }
0x6: {  	_ = 	snop  }
0x7: {  	_ = 	snop  }
__scs_overlays_trampoline_lowered:
0x8: {  	[smem:$0x3FAE] =	sst s0  }
0x9: {  	[smem:$0x3FAF] =	sst s1  }
0xa: {  	[smem:$0x3FB0] =	sst s2  }
0xb: {  	[smem:$0x3FB1] =	sst s3  }
0xc: {  	[smem:$0x3FB2] =	sst s4  }
0xd: {  	[smem:$0x3FB3] =	sst s5  }
0xe: {  	[smem:$0x3FB4] =	sst s6  }
0xf: {  	[smem:$0x3FB5] =	sst s7  }
0x10: {  	[smem:$0x3FB6] =	sst s8  }
0x11: {  	[smem:$0x3FB7] =	sst s9;
	s0 =	simm.s32 @!p0 $0x0  }
0x12: {  	s1 =	sld [smem:$0x3F9D];
	s0 =	simm.s32 @p0 $0x1  }
0x13: {  	[smem:$0x3FB8] =	sst s0;
	s0 =	simm.s32 @!p1 $0x0  }
0x14: {  	s2 =	sld [smem:$0x3F9C];
	s0 =	simm.s32 @p1 $0x1  }
0x15: {  	[smem:$0x3FB9] =	sst s0;
	s0 =	simm.s32 @!p2 $0x0  }
0x16: {  	s3 =	sld [smem:$0x3FDB];
	s0 =	simm.s32 @p2 $0x1  }
0x17: {  	s4 =	simm.s32 $0x1BF5;
	[smem:$0x3FBB] =	sst s0  }
0x18: {  	s0 =	sld [smem:$0x3F9E];
	_ =	swait.ge [sflag:s4], $0x0  }
0x19: {  	s7 =	sld [smem:$0x3F9F]  }
0x1a: {  	s8 =	sadd.s32 $0xFFFFE003, lr  }
0x1b: {  	s9 =	sadd.s32 $0xFFFFFEF7, lr;
	s5 =	simm.s32 $0xFFFFFFFF;
	p2 =	slt.u32 s8, $0xFFFFF086  }
0x1c: {  	p1 =	slt.u32 s9, $0xF7A;
	s5 =	simm.s32 @!p2 $0x0  }
0x1d: {  	s5 =	simm.s32 @p1 $0x1;
	p0 =	seq.s32 s7, s2  }
0x1e: {  	s7 =	smul.u32 @!p0 $0xF7A, s2;
	p2 =	seq.s32 @!p0 s5, $0x0  }
0x1f: {  	s9 =	smul.u32 $0xF7A, s1;
	s8 =	simm.s32 @!p0 $0x1BF5;
	p2 =	por !p2, p0  }
0x20: {  	[sflag:s8] =	ssyncset.s32 @!p0 $0xFFFFF086;
	s6 =	sadd.s32 @!p0 s3, s7;
	s7 =	simm.s32 @!p0 $0x108  }
0x21: {  	s3 =	sadd.s32 s3, s9;
	s6 =	sadd.s32 @!p0 $0x88, s6;
	s7 =	simm.s32 @p2 $0x1082  }
0x22: {  	[simem:s7], [sflag:s8] =	dma.local @!p0 [hbm:s6], $0xF7A  }
0x23: {  	s9 =	sor.u32 $0xD0000000, s2;
	s6 =	simm.s32 $0x108;
	_ =	swait.ge @!p0 [sflag:s8], $0x0  }
0x24: {  	s3 =	sadd.s32 $0x88, s3;
	s6 =	simm.s32 @!p1 $0x1082;
	[sflag:s4] =	ssyncset.s32 $0xFFFFF086  }
0x25: {  	[simem:s6], [sflag:s4] =	dma.local [hbm:s3], $0xF7A  }
0x26: {  	[smem:$0x3F9F] =	sst s1;
	(tag) =	ssettag s2;
	_ =	strace s9  }
0x27: {  	s1 =	sld [smem:$0x3FAF]  }
0x28: {  	s2 =	sld [smem:$0x3FB0]  }
0x29: {  	s4 =	sld [smem:$0x3FB2]  }
0x2a: {  	p0 =	seq.s32 s5, $0x0;
	s5 =	sld [smem:$0x3FB3]  }
0x2b: {  	s6 =	sld [smem:$0x3FB4]  }
0x2c: {  	s7 =	sld [smem:$0x3FB5]  }
0x2d: {  	s3 =	simm.s32 $0x108;
	s8 =	sld [smem:$0x3FB6]  }
0x2e: {  	s3 =	simm.s32 @!p0 $0x1082;
	s9 =	sld [smem:$0x3FB7]  }
0x2f: {  	lr =	sadd.s32 s0, s3;
	s0 =	sld [smem:$0x3FAE]  }
0x30: {  	s3 =	sld [smem:$0x3FB1]  }
0x31: {  	[smem:$0x3FBA] =	sst s10  }
0x32: {  	s10 =	sld [smem:$0x3FB8];
	_ =	sdelay $0x3  }
0x33: {  	p0 =	seq.s32 s10, $0x1;
	s10 =	sld [smem:$0x3FBA];
	_ =	sdelay $0x3  }
0x34: {  	[smem:$0x3FBA] =	sst s10  }
0x35: {  	s10 =	sld [smem:$0x3FB9];
	_ =	sdelay $0x3  }
0x36: {  	p1 =	seq.s32 s10, $0x1;
	s10 =	sld [smem:$0x3FBA];
	_ =	sdelay $0x3  }
0x37: {  	[smem:$0x3FBA] =	sst s10  }
0x38: {  	s10 =	sld [smem:$0x3FBB]  }
0x39: {  	_ = 	snop;
	(pc) =	sbr.ind lr, $3  }
0x3a: {  	_ = 	snop  }
0x3b: {  	_ = 	snop  }
0x3c: {  	p2 =	seq.s32 s10, $0x1;
	s10 =	sld [smem:$0x3FBA]  }
0x3d: {  	_ =	shalt  }
0x3e: {  	_ =	shalt  }
0x3f: {  	_ =	shalt  }
0x40: {  	_ =	shalt  }
0x41: {  	_ =	shalt  }
0x42: {  	_ =	shalt  }
0x43: {  	_ =	shalt  }
0x44: {  	_ =	shalt  }
0x45: {  	_ =	shalt  }
0x46: {  	_ =	shalt  }
0x47: {  	_ =	shalt  }
0x48: {  	_ =	shalt  }
0x49: {  	_ =	shalt  }
0x4a: {  	_ =	shalt  }
0x4b: {  	_ =	shalt  }
0x4c: {  	_ =	shalt  }
0x4d: {  	_ =	shalt  }
0x4e: {  	_ =	shalt  }
0x4f: {  	_ =	shalt  }
0x50: {  	_ =	shalt  }
0x51: {  	_ =	shalt  }
0x52: {  	_ =	shalt  }
0x53: {  	_ =	shalt  }
0x54: {  	_ =	shalt  }
0x55: {  	_ =	shalt  }
0x56: {  	_ =	shalt  }
0x57: {  	_ =	shalt  }
0x58: {  	_ =	shalt  }
0x59: {  	_ =	shalt  }
0x5a: {  	_ =	shalt  }
0x5b: {  	_ =	shalt  }
0x5c: {  	_ =	shalt  }
0x5d: {  	_ =	shalt  }
0x5e: {  	_ =	shalt  }
0x5f: {  	_ =	shalt  }
0x60: {  	_ =	shalt  }
0x61: {  	_ =	shalt  }
0x62: {  	_ =	shalt  }
0x63: {  	_ =	shalt  }
0x64: {  	_ =	shalt  }
0x65: {  	_ =	shalt  }
0x66: {  	_ =	shalt  }
0x67: {  	_ =	shalt  }
0x68: {  	_ =	shalt  }
0x69: {  	_ =	shalt  }
0x6a: {  	_ =	shalt  }
0x6b: {  	_ =	shalt  }
0x6c: {  	_ =	shalt  }
0x6d: {  	_ =	shalt  }
0x6e: {  	_ =	shalt  }
0x6f: {  	_ =	shalt  }
0x70: {  	_ =	shalt  }
0x71: {  	_ =	shalt  }
0x72: {  	_ =	shalt  }
0x73: {  	_ =	shalt  }
0x74: {  	_ =	shalt  }
0x75: {  	_ =	shalt  }
0x76: {  	_ =	shalt  }
0x77: {  	_ =	shalt  }
0x78: {  	_ =	shalt  }
0x79: {  	_ =	shalt  }
0x7a: {  	_ =	shalt  }
0x7b: {  	_ =	shalt  }
0x7c: {  	_ =	shalt  }
0x7d: {  	_ =	shalt  }
0x7e: {  	_ =	shalt  }
0x7f: {  	_ =	shalt  }
0x80: {  	_ =	shalt  }
0x81: {  	_ =	shalt  }
0x82: {  	_ =	shalt  }
0x83: {  	_ =	shalt  }
0x84: {  	_ =	shalt  }
0x85: {  	_ =	shalt  }
0x86: {  	_ =	shalt  }
0x87: {  	_ =	shalt  }
.Lfunc_end0:
.L_simem_size_0:
called_computation_lowered:
.L_overlay_start_0:
0x88: {  	s2 =	sld [smem:$0x3FD9]  }
0x89: {  	s3 =	sld [smem:$0x3FFE];
	_ =	sdelay $0x1  }
0x8a: {  	s1 =	srdreg.scid  }
0x8b: {  	s0 =	sand.u32 $0x1, s1  }
0x8c: {  	s17 =	sshll.u32 s0, $0xA;
	s2 =	sadd.s32 s3, s2  }
0x8d: {  	s2 =	sadd.s32 s2, s17  }
0x8e: {  	[smem:$0x3FC6] =	sst s2  }
0x8f: {  	_ = 	snop  }
0x90: {  	s2 =	sld [smem:$0x3FD0];
	(tm) =	ssettm $0x1  }
0x91: {  	s18 =	sld [smem:$0x3FFB];
	_ =	sdelay $0x3  }
0x92: {  	_ =	strace s18  }
0x93: {  	s3 =	sld [smem:$0x3FFC];
	_ =	sdelay $0x3  }
0x94: {  	_ =	strace s3  }
0x95: {  	s3 =	sld [smem:$0x3FFD];
	_ =	sdelay $0x3  }
0x96: {  	_ =	strace s3  }
0x97: {  	_ =	strace $0x8FFFFFFF  }
0x98: {  	s19 =	sld [smem:$0x3FDB];
	_ =	sdelay $0x1  }
0x99: {  	s4 =	simm.s32 $_scs_section_size  }
0x9a: {  	s5 =	simm.s32 $_size__tile_overlayer_lowered;
	s6 =	simm.s32 $_tile_overlayer_lowered  }
0x9b: {  	s22 =	simm.s32 $0x1BFF;
	s21 =	sshll.u32 s6, $0x1;
	s3 =	sadd.s32 s4, s19  }
0x9c: {  	s7 =	simm.s32 $0x0;
	s20 =	sshll.u32 s5, $0x1;
	s5 =	sadd.s32 s21, s3  }
0x9d: {  	[timem:s7], [sflag:s22] =	dma.local [hbm:s5], s20  }
0x9e: {  	_ =	swait.ge [sflag:s22], s20  }
0x9f: {  	s4 =	ssub.s32 $0x0, s20;
	[sflag:s22] =	ssyncset.done $0x0  }
0xa0: {  	[sflag:s22] =	ssyncadd.s32 s4;
	_ =	sdelay $0x1  }
0xa1: {  	s23 =	simm.s32 $0x1B8B  }
0xa2: {  	_ =	swait.ge [sflag:s23], $0x1  }
0xa3: {  	[sflag:s23] =	ssyncset.done $0x0  }
0xa4: {  	s25 =	simm.s32 $0x1B8E;
	s24 =	sld [smem:$0x3FFE];
	[sflag:s23] =	ssyncadd.s32 $0xFFFFFFFF  }
0xa5: {  	s26 =	simm.s32 $execute0_lowered;
	[smem:$0x3FD2] =	sst s25  }
0xa6: {  	s5 =	sshll.u32 s26, $0x1;
	_ =	strace $0x80000046;
	[dreg:$0x1] =	wrdreg $0xFFFFFFFF  }
0xa7: {  	s28 =	simm.s32 $_size_execute0_lowered;
	s3 =	sadd.s32 s3, s5;
	[dreg:$0x0] =	wrdreg $0x0  }
0xa8: {  	s5 =	sshll.u32 s28, $0x1;
	[dreg:$0x2] =	wrdreg s3  }
0xa9: {  	[dreg:$0x3] =	wrdreg s5  }
0xaa: {  	[dreg:$0x4] =	wrdreg $0xC0  }
0xab: {  	_ =	task [dreg:s7], $0x5FFFF  }
0xac: {  	[dreg:$0x1] =	wrdreg $0xFFFFFFFF  }
0xad: {  	[dreg:$0x0] =	wrdreg $0x60  }
0xae: {  	[dreg:$0x2] =	wrdreg s24  }
0xaf: {  	[dreg:$0x3] =	wrdreg s2  }
0xb0: {  	[dreg:$0x4] =	wrdreg $0x9  }
0xb1: {  	_ =	task.clear_ibuf [dreg:s7], $0x5FFFF;
	_ =	strace $0x90000046  }
0xb2: {  	s29 =	simm.s32 $0x9;
	_ =	strace $0x80000048  }
0xb3: {  	_ =	swait.ge [sflag:s29], $0x1  }
0xb4: {  	[sflag:s29] =	ssyncadd.s32 $0xFFFFFFFF  }
0xb5: {  	_ =	strace $0x90000048  }
0xb6: {  	_ =	sfence  }
0xb7: {  	s30 =	sld [smem:$0x0];
	_ =	sdelay $0x2  }
0xb8: {  	s31 =	sshll.u32 s1, $0xD;
	s1 =	sshrl.u32 s1, $0x2  }
0xb9: {  	s3 =	sand.u32 $0x4000, s31;
	s1 =	sadd.s32 s1, s30  }
0xba: {  	s0 =	sor.u32 s3, s0;
	s1 =	sshll.u32 s1, $0x11  }
0xbb: {  	s0 =	sor.u32 s1, s0  }
0xbc: {  	s0 =	sadd.s32 $0x8F2B, s0  }
0xbd: {  	[sflag:s0] =	ssyncadd.remote.s32 $0x1  }
0xbe: {  	_ =	sfence.sel $0xFFFF  }
0xbf: {  	[dreg:$0x0] =	wrdreg $0xFFFFFFFF;
	(pc) =	sbr.abs _section_cstart, $3  }
0xc0: {  	[dreg:$0x1] =	wrdreg $0xFFFFFFFF  }
0xc1: {  	_ =	task.clear_ibuf [dreg:s7], $0x2FFFF;
	_ =	strace $0x9FFFFFFF  }
0xc2: {  	(tm) =	ssettm $0x7FFFFFFF  }
0xc3: {  	_ =	shalt  }
tec
execute0_lowered:
.L_overlay_start_1:
0x0: {  	(tag) =	ssettag $0x1  }
0x1: {  	s0 =	rddreg [dreg:$0x0]  }
0x2: {  	s1 =	rddreg [dreg:$0x1]  }
0x3: {  	s2 =	simm.s32 $0x0;
	s3 =	srdreg.scid;
	s4 =	stileid.u32  }
0x4: {  	s10 =	simm.s32 $0x80;
	s11 =	simm.s32 $0x1000;
	s12 =	simm.s32 $0x4  }
0x5: {  	s13 =	simm.s32 $0x6400;
	s14 =	simm.s32 $0x7400;
	s15 =	simm.s32 $0x1  }
0x6: {  	s17 =	simm.s32 $0x8400;
	s20 =	simm.s32 $0x9400;
	s21 =	simm.s32 $0x2  }
0x7: {  	s22 =	simm.s32 $0x3;
	s25 =	simm.s32 $0x0;
	[smem:$0x7FF] =	sst s2  }
0x8: {  	s3 =	sand.u32 $0x1, s3;
	s4 =	sshll.u32 s4, $0x5;
	s31 =	sadd.s32 $0x4600, s0  }
0x9: {  	v0 =	vlaneseq.u32;
	s8 =	sadd.s32 $0xC600, s0;
	s16 =	sadd.s32 $0x318600, s0;
	s5 =	sshll.u32 s3, $0x4  }
0xa: {  	v0 =	vmul.u32 $0x20, v0;
	s6 =	ssub.s32 $0x2, s3;
	_ =	strace $0x80000047;
	s3 =	sor.u32 s5, s4  }
0xb: {  	s30 =	sshrl.u32 s6, $0x1;
	s4 =	sadd.s32 $0xF42A00, s0;
	s7 =	sadd.s32 s3, s0  }
0xc: {  	v1 =	vor.u32 $0x200, v0;
	s9 =	ssub.s32 s6, s30;
	s5 =	sadd.s32 s1, s3;
	s19 =	sadd.s32 s3, s31  }
0xd: {  	v2 =	vor.u32 $0x400, v0;
	v3 =	vor.u32 $0x600, v0;
	v4 =	vor.u32 $0x800, v0;
	s6 =	sadd.s32 $0x600, s7;
	s7 =	sadd.s32 $0x8600, s0;
	s0 =	sadd.s32 $0x31C600, s0  }
0xe: {  	v5 =	vor.u32 $0xA00, v0;
	v6 =	vor.u32 $0xC00, v0;
	v7 =	vor.u32 $0xE00, v0;
	s23 =	sadd.s32 s3, s16;
	s9 =	smax.u32 s9, $0x1;
	s24 =	sadd.s32 s3, s0  }
.LBB2_1:
0xf: {  	[tilespmem:s2], [sflag:$0x4] =	stream.strided.gather [hbm4b:s5+s10], $0x6400, s11, s10, $0x38;
	[tilespmem:$0xA400] =	vst v63  }
0x10: {  	s0 =	simm.s32 $0x3  }
0x11: {  	s1 =	simm.s32 $0x1;
	_ =	swait.ge [sflag:s12], $0x6400;
	v8 =	vmov s0  }
0x12: {  	s16 =	simm.s32 $0x2;
	v9 =	vmov s1;
	[sflag:s12] =	ssyncset.done $0x0;
	v8 =	vand.u32 $0x1F, v8  }
0x13: {  	v10 =	vmov s16;
	v9 =	vand.u32 $0x1D, v9;
	[sflag:s12] =	ssyncadd.s32 $0xFFFF9C00;
	v14 =	vbroadcast v8, $0x0  }
0x14: {  	v17 =	vbroadcast v9, $0x0;
	v8 =	vand.u32 $0x1E, v10;
	[tilespmem:s13], [sflag:$0x1] =	stream.indirect.gather [hbm4b:s4+s10], $0x20, s2, s10, $0xb8;
	[tilespmem:$0xA400] =	vst v63  }
0x15: {  	v9 =	vmov s2;
	v16 =	vbroadcast v8, $0x0;
	v8 =	vor.u32 v0, v14  }
0x16: {  	v9 =	vand.u32 $0x1C, v9;
	v10 =	vor.u32 v0, v17;
	[tilespmem:s14], [sflag:$0x1] =	stream.indirect.gather [hbm4b:s4+s10], $0x20, s10, s10, $0xb8;
	[tilespmem:$0xA400] =	vst v63  }
0x17: {  	v12 =	vbroadcast v9, $0x0;
	v9 =	vor.u32 v0, v16;
	_ =	swait.ge [sflag:s15], $0x1000  }
0x18: {  	[sflag:s15] =	ssyncset.done $0x0  }
0x19: {  	v11 =	vor.u32 v0, v12;
	[sflag:s15] =	ssyncadd.s32 $0xFFFFF000  }
0x1a: {  	v8 =	vld.idx.msk [tilespmem:v8+s13+$0x0], $0xffff  }
0x1b: {  	v13 =	vor.u32 v1, v14;
	v10 =	vld.idx.msk [tilespmem:v10+s13+$0x0], $0xffff  }
0x1c: {  	v15 =	vor.u32 v1, v17;
	v9 =	vld.idx.msk [tilespmem:v9+s13+$0x0], $0xffff  }
0x1d: {  	v18 =	vor.u32 v1, v16  }
0x1e: {  	s28 =	simm.s32 $0x8500;
	v11 =	vld.idx.msk [tilespmem:v11+s13+$0x0], $0xffff  }
0x1f: {  	v19 =	vor.u32 v1, v12;
	[tilespmem:s28+$0x80] =	vst v8  }
0x20: {  	[tilespmem:s28+$0xFFFFFF80] =	vst v10;
	v8 =	vld.idx.msk [tilespmem:v13+s13+$0x0], $0xffff  }
0x21: {  	v10 =	vld.idx.msk [tilespmem:v15+s13+$0x0], $0xffff;
	[tilespmem:s28+$0x0] =	vst v9;
	v9 =	vor.u32 v2, v14  }
0x22: {  	v15 =	vor.u32 v2, v17;
	v13 =	vld.idx.msk [tilespmem:v18+s13+$0x0], $0xffff  }
0x23: {  	[tilespmem:s28+$0xFFFFFF00] =	vst v11;
	v11 =	vor.u32 v2, v16  }
0x24: {  	v18 =	vld.idx.msk [tilespmem:v19+s13+$0x0], $0xffff  }
0x25: {  	s18 =	simm.s32 $0x4;
	v19 =	vor.u32 v2, v12;
	[tilespmem:s28+$0x90] =	vst v8  }
0x26: {  	v8 =	vmov s18;
	[tilespmem:s28+$0xFFFFFF90] =	vst v10;
	v10 =	vld.idx.msk [tilespmem:v9+s13+$0x0], $0xffff  }
0x27: {  	s26 =	simm.s32 $0x5;
	v8 =	vand.u32 $0x1C, v8;
	v15 =	vld.idx.msk [tilespmem:v15+s13+$0x0], $0xffff;
	[tilespmem:s28+$0x10] =	vst v13;
	v13 =	vor.u32 v3, v14  }
0x28: {  	v20 =	vor.u32 v3, v17;
	v9 =	vmov s26;
	v8 =	vbroadcast v8, $0x0;
	v11 =	vld.idx.msk [tilespmem:v11+s13+$0x0], $0xffff  }
0x29: {  	v9 =	vand.u32 $0x1D, v9;
	[tilespmem:s28+$0xFFFFFF10] =	vst v18;
	v18 =	vor.u32 v3, v16  }
0x2a: {  	v9 =	vbroadcast v9, $0x0;
	v19 =	vld.idx.msk [tilespmem:v19+s13+$0x0], $0xffff;
	v21 =	vor.u32 v0, v8  }
0x2b: {  	s29 =	simm.s32 $0x7;
	v22 =	vor.u32 v3, v12;
	[tilespmem:s28+$0xA0] =	vst v10  }
0x2c: {  	s30 =	simm.s32 $0x6;
	v23 =	vor.u32 v0, v9;
	[tilespmem:s28+$0xFFFFFFA0] =	vst v15;
	v10 =	vmov s29;
	v15 =	vld.idx.msk [tilespmem:v13+s13+$0x0], $0xffff  }
0x2d: {  	v25 =	vmov s30;
	v20 =	vld.idx.msk [tilespmem:v20+s13+$0x0], $0xffff;
	[tilespmem:s28+$0x20] =	vst v11;
	v11 =	vor.u32 v4, v14;
	v10 =	vand.u32 $0x1F, v10  }
0x2e: {  	v24 =	vor.u32 v4, v17;
	v18 =	vld.idx.msk [tilespmem:v18+s13+$0x0], $0xffff;
	v13 =	vbroadcast v10, $0x0;
	v10 =	vand.u32 $0x1E, v25  }
0x2f: {  	[tilespmem:s28+$0xFFFFFF20] =	vst v19;
	v19 =	vor.u32 v4, v16;
	v21 =	vld.idx.msk [tilespmem:v21+s13+$0x0], $0xffff;
	v10 =	vbroadcast v10, $0x0  }
0x30: {  	v22 =	vld.idx.msk [tilespmem:v22+s13+$0x0], $0xffff;
	v25 =	vor.u32 v0, v13  }
0x31: {  	v23 =	vld.idx.msk [tilespmem:v23+s13+$0x0], $0xffff;
	v26 =	vor.u32 v0, v10;
	[tilespmem:s28+$0xB0] =	vst v15  }
0x32: {  	s0 =	simm.s32 $0x8;
	v15 =	vor.u32 v4, v12;
	[tilespmem:s28+$0xFFFFFFB0] =	vst v20;
	v20 =	vld.idx.msk [tilespmem:v11+s13+$0x0], $0xffff  }
0x33: {  	v11 =	vmov s0;
	v24 =	vld.idx.msk [tilespmem:v24+s13+$0x0], $0xffff;
	[tilespmem:s28+$0x30] =	vst v18;
	v18 =	vor.u32 v5, v14  }
0x34: {  	v27 =	vor.u32 v5, v17;
	v11 =	vand.u32 $0x1C, v11;
	v19 =	vld.idx.msk [tilespmem:v19+s13+$0x0], $0xffff  }
0x35: {  	[tilespmem:s28+$0xFFFFFF30] =	vst v22;
	v11 =	vbroadcast v11, $0x0;
	v22 =	vld.idx.msk [tilespmem:v25+s13+$0x0], $0xffff;
	v25 =	vor.u32 v5, v16  }
0x36: {  	v30 =	vor.u32 v1, v13;
	v26 =	vld.idx.msk [tilespmem:v26+s13+$0x0], $0xffff  }
0x37: {  	v28 =	vor.u32 v0, v11;
	v29 =	vld.idx.msk [tilespmem:v15+s13+$0x0], $0xffff;
	[tilespmem:s28+$0xC0] =	vst v20  }
0x38: {  	v20 =	vor.u32 v1, v9;
	[tilespmem:s28+$0xFFFFFFC0] =	vst v24;
	v18 =	vld.idx.msk [tilespmem:v18+s13+$0x0], $0xffff  }
0x39: {  	s26 =	simm.s32 $0x8700;
	v24 =	vor.u32 v1, v10;
	v27 =	vld.idx.msk [tilespmem:v27+s13+$0x0], $0xffff;
	[tilespmem:s28+$0x40] =	vst v19  }
0x3a: {  	v19 =	vld.idx.msk [tilespmem:v25+s13+$0x0], $0xffff;
	v25 =	vor.u32 v6, v14;
	[tilespmem:s26+$0x80] =	vst v22  }
0x3b: {  	[tilespmem:s26+$0xFFFFFF80] =	vst v23;
	v23 =	vor.u32 v5, v12;
	v22 =	vld.idx.msk [tilespmem:v30+s13+$0x0], $0xffff  }
0x3c: {  	[tilespmem:s26+$0xFFFFFF00] =	vst v21;
	v15 =	vld.idx.msk [tilespmem:v28+s13+$0x0], $0xffff;
	v28 =	vor.u32 v1, v8  }
0x3d: {  	[tilespmem:s26+$0x0] =	vst v26;
	v26 =	vor.u32 v6, v17;
	v20 =	vld.idx.msk [tilespmem:v20+s13+$0x0], $0xffff  }
0x3e: {  	v30 =	vor.u32 v2, v13;
	v24 =	vld.idx.msk [tilespmem:v24+s13+$0x0], $0xffff;
	[tilespmem:s28+$0xD0] =	vst v18  }
0x3f: {  	v21 =	vor.u32 v2, v9;
	[tilespmem:s28+$0xFFFFFF40] =	vst v29;
	v25 =	vld.idx.msk [tilespmem:v25+s13+$0x0], $0xffff  }
0x40: {  	v14 =	vor.u32 v7, v14;
	v23 =	vld.idx.msk [tilespmem:v23+s13+$0x0], $0xffff;
	[tilespmem:s28+$0xFFFFFFD0] =	vst v27  }
0x41: {  	v31 =	vor.u32 v2, v10;
	[tilespmem:s26+$0x90] =	vst v22;
	v28 =	vld.idx.msk [tilespmem:v28+s13+$0x0], $0xffff  }
0x42: {  	v32 =	vor.u32 v6, v12;
	v18 =	vld.idx.msk [tilespmem:v26+s13+$0x0], $0xffff;
	[tilespmem:s26+$0xFFFFFF90] =	vst v20  }
0x43: {  	s31 =	simm.s32 $0x9;
	v27 =	vor.u32 v2, v8;
	v20 =	vld.idx.msk [tilespmem:v30+s13+$0x0], $0xffff;
	[tilespmem:s26+$0x10] =	vst v24  }
0x44: {  	v22 =	vor.u32 v6, v16;
	v30 =	vld.idx.msk [tilespmem:v21+s13+$0x0], $0xffff;
	v21 =	vmov s31;
	[tilespmem:s28+$0xE0] =	vst v25  }
0x45: {  	v33 =	vor.u32 v3, v13;
	[tilespmem:s28+$0xFFFFFF50] =	vst v23;
	v26 =	vld.idx.msk [tilespmem:v14+s13+$0x0], $0xffff;
	v14 =	vand.u32 $0x1D, v21  }
0x46: {  	v31 =	vld.idx.msk [tilespmem:v31+s13+$0x0], $0xffff;
	[tilespmem:s26+$0xFFFFFF10] =	vst v28;
	v28 =	vor.u32 v3, v9;
	v14 =	vbroadcast v14, $0x0  }
0x47: {  	v29 =	vor.u32 v3, v10;
	[tilespmem:s28+$0x50] =	vst v19;
	v19 =	vld.idx.msk [tilespmem:v32+s13+$0x0], $0xffff  }
0x48: {  	v24 =	vld.idx.msk [tilespmem:v27+s13+$0x0], $0xffff;
	[tilespmem:s26+$0xA0] =	vst v20;
	v20 =	vor.u32 v0, v14  }
0x49: {  	v21 =	vld.idx.msk [tilespmem:v22+s13+$0x0], $0xffff;
	v27 =	vor.u32 v3, v8  }
0x4a: {  	v25 =	vor.u32 v7, v17;
	[tilespmem:s26+$0xFFFFFFA0] =	vst v30;
	v22 =	vld.idx.msk [tilespmem:v33+s13+$0x0], $0xffff  }
0x4b: {  	s16 =	simm.s32 $0xB;
	s1 =	simm.s32 $0xC;
	[tilespmem:s26+$0x20] =	vst v31;
	v23 =	vld.idx.msk [tilespmem:v28+s13+$0x0], $0xffff;
	v28 =	vor.u32 v7, v16  }
.LBB2_2:
0x4c: {  	p0 =	slt.u32 s1, $0x1C;
	v16 =	vmov s16;
	v17 =	vld.idx.msk [tilespmem:v29+s13+$0x0], $0xffff;
	v29 =	vor.u32 v4, v13;
	[tilespmem:s28+$0xF0] =	vst v26  }
0x4d: {  	s16 =	sadd.s32 $0x2, s0;
	s0 =	smov.u32 s1;
	v20 =	vld.idx.msk [tilespmem:v20+s13+$0x0], $0xffff;
	v16 =	vand.u32 $0x1F, v16;
	[tilespmem:s26+$0xFFFFFF20] =	vst v24;
	v24 =	vor.u32 v4, v9  }
0x4e: {  	v30 =	vor.u32 v4, v10;
	v26 =	vmov s16;
	v16 =	vbroadcast v16, $0x0;
	v27 =	vld.idx.msk [tilespmem:v27+s13+$0x0], $0xffff;
	[tilespmem:s28+$0xFFFFFFE0] =	vst v18  }
0x4f: {  	v18 =	vand.u32 $0x1E, v26;
	v26 =	vor.u32 v7, v12;
	v12 =	vmovc v8;
	v8 =	vmov v11;
	v25 =	vld.idx.msk [tilespmem:v25+s13+$0x0], $0xffff;
	[tilespmem:s28+$0x60] =	vst v21  }
0x50: {  	v31 =	vbroadcast v18, $0x0;
	v18 =	vor.u32 v0, v16;
	[tilespmem:s26+$0xB0] =	vst v22;
	v21 =	vld.idx.msk [tilespmem:v28+s13+$0x0], $0xffff  }
0x51: {  	v22 =	vor.u32 v4, v12;
	[tilespmem:s26+$0xFFFFFFB0] =	vst v23;
	v23 =	vld.idx.msk [tilespmem:v29+s13+$0x0], $0xffff  }
0x52: {  	v11 =	vmov s1;
	v28 =	vor.u32 v0, v31;
	v24 =	vld.idx.msk [tilespmem:v24+s13+$0x0], $0xffff;
	[tilespmem:s26+$0x30] =	vst v17  }
0x53: {  	v11 =	vand.u32 $0x1C, v11;
	v29 =	vor.u32 v5, v13;
	v17 =	vld.idx.msk [tilespmem:v30+s13+$0x0], $0xffff;
	[tilespmem:s28+$0xFFFFFF60] =	vst v19  }
0x54: {  	v11 =	vbroadcast v11, $0x0;
	v19 =	vor.u32 v5, v9;
	[tilespmem:s26+$0xFFFFFF30] =	vst v27;
	v26 =	vld.idx.msk [tilespmem:v26+s13+$0x0], $0xffff  }
0x55: {  	v27 =	vor.u32 v5, v10;
	v18 =	vld.idx.msk [tilespmem:v18+s13+$0x0], $0xffff;
	[tilespmem:s28+$0xFFFFFFF0] =	vst v25  }
0x56: {  	v25 =	vor.u32 v0, v11;
	v22 =	vld.idx.msk [tilespmem:v22+s13+$0x0], $0xffff;
	[tilespmem:s28+$0x70] =	vst v21  }
0x57: {  	v21 =	vld.idx.msk [tilespmem:v28+s13+$0x0], $0xffff;
	v28 =	vor.u32 v1, v16;
	[tilespmem:s26+$0xC0] =	vst v23  }
0x58: {  	v23 =	vor.u32 v1, v14;
	[tilespmem:s26+$0xFFFFFFC0] =	vst v24;
	v24 =	vld.idx.msk [tilespmem:v29+s13+$0x0], $0xffff  }
0x59: {  	v29 =	vor.u32 v1, v31;
	v19 =	vld.idx.msk [tilespmem:v19+s13+$0x0], $0xffff;
	[tilespmem:s26+$0x40] =	vst v17  }
0x5a: {  	v17 =	vld.idx.msk [tilespmem:v27+s13+$0x0], $0xffff;
	v27 =	vor.u32 v6, v13;
	[tilespmem:s28+$0xFFFFFF70] =	vst v26;
	s28 =	smov.u32 s26;
	s26 =	sadd.s32 $0x200, s26  }
0x5b: {  	v26 =	vor.u32 v1, v8;
	v25 =	vld.idx.msk [tilespmem:v25+s13+$0x0], $0xffff;
	[tilespmem:s26+$0x80] =	vst v18  }
0x5c: {  	[tilespmem:s26+$0xFFFFFF80] =	vst v20;
	v18 =	vld.idx.msk [tilespmem:v28+s13+$0x0], $0xffff;
	v20 =	vor.u32 v5, v12  }
0x5d: {  	v23 =	vld.idx.msk [tilespmem:v23+s13+$0x0], $0xffff;
	[tilespmem:s26+$0x0] =	vst v21;
	v21 =	vor.u32 v6, v9  }
0x5e: {  	v28 =	vld.idx.msk [tilespmem:v29+s13+$0x0], $0xffff;
	v29 =	vor.u32 v2, v16;
	[tilespmem:s28+$0xD0] =	vst v24  }
0x5f: {  	v24 =	vor.u32 v2, v14;
	[tilespmem:s26+$0xFFFFFF00] =	vst v15;
	v27 =	vld.idx.msk [tilespmem:v27+s13+$0x0], $0xffff  }
0x60: {  	v30 =	vor.u32 v2, v31;
	v26 =	vld.idx.msk [tilespmem:v26+s13+$0x0], $0xffff;
	[tilespmem:s28+$0xFFFFFF40] =	vst v22  }
0x61: {  	v15 =	vmov v25;
	v22 =	vld.idx.msk [tilespmem:v20+s13+$0x0], $0xffff;
	[tilespmem:s28+$0xFFFFFFD0] =	vst v19;
	v19 =	vor.u32 v7, v13;
	v13 =	vmov v16  }
0x62: {  	v16 =	vor.u32 v2, v8;
	[tilespmem:s26+$0x90] =	vst v18;
	v18 =	vld.idx.msk [tilespmem:v21+s13+$0x0], $0xffff  }
0x63: {  	s16 =	sadd.s32 $0x1, s1;
	v21 =	vor.u32 v6, v10;
	[tilespmem:s26+$0xFFFFFF90] =	vst v23;
	v23 =	vld.idx.msk [tilespmem:v29+s13+$0x0], $0xffff  }
0x64: {  	v20 =	vmov s16;
	v25 =	vld.idx.msk [tilespmem:v24+s13+$0x0], $0xffff;
	[tilespmem:s26+$0x10] =	vst v28;
	v28 =	vor.u32 v6, v12  }
0x65: {  	v20 =	vand.u32 $0x1D, v20;
	v32 =	vor.u32 v3, v13;
	v30 =	vld.idx.msk [tilespmem:v30+s13+$0x0], $0xffff;
	[tilespmem:s28+$0xE0] =	vst v27  }
0x66: {  	v34 =	vor.u32 v3, v14;
	v33 =	vbroadcast v20, $0x0;
	[tilespmem:s26+$0xFFFFFF10] =	vst v26;
	v26 =	vld.idx.msk [tilespmem:v19+s13+$0x0], $0xffff  }
.Ltmp0:
0x67: {  	v29 =	vor.u32 v3, v31;
	v24 =	vld.idx.msk [tilespmem:v16+s13+$0x0], $0xffff;
	[tilespmem:s28+$0x50] =	vst v17;
	(pc) =	sbr.rel @p0 .LBB2_2-.Ltmp0, $4  }
0x68: {  	v20 =	vor.u32 v0, v33;
	[tilespmem:s28+$0xFFFFFF50] =	vst v22;
	v21 =	vld.idx.msk [tilespmem:v21+s13+$0x0], $0xffff  }
0x69: {  	v27 =	vor.u32 v3, v8;
	[tilespmem:s26+$0xA0] =	vst v23;
	v19 =	vld.idx.msk [tilespmem:v28+s13+$0x0], $0xffff  }
0x6a: {  	[tilespmem:s26+$0xFFFFFFA0] =	vst v25;
	v22 =	vld.idx.msk [tilespmem:v32+s13+$0x0], $0xffff;
	v25 =	vor.u32 v7, v9;
	v9 =	vmov v14;
	v14 =	vmov v33  }
0x6b: {  	s1 =	sadd.s32 $0x4, s1;
	s16 =	sadd.s32 $0x3, s0;
	v28 =	vor.u32 v7, v10;
	v10 =	vmov v31;
	v23 =	vld.idx.msk [tilespmem:v34+s13+$0x0], $0xffff;
	[tilespmem:s26+$0x20] =	vst v30  }
0x6c: {  	_ =	sdelay $0x2  }
0x6d: {  	v16 =	vmov s16;
	[tilespmem:s28+$0xF0] =	vst v26  }
0x6e: {  	v26 =	vld.idx.msk [tilespmem:v29+s13+$0x0], $0xffff;
	v29 =	vor.u32 v4, v13;
	s0 =	sadd.s32 $0x2, s0;
	[tilespmem:s26+$0xFFFFFF20] =	vst v24;
	v16 =	vand.u32 $0x1F, v16  }
0x6f: {  	v24 =	vor.u32 v4, v9;
	[tilespmem:s28+$0xFFFFFFE0] =	vst v18;
	v30 =	vmov s0;
	v17 =	vbroadcast v16, $0x0  }
0x70: {  	v18 =	vld.idx.msk [tilespmem:v27+s13+$0x0], $0xffff;
	v27 =	vor.u32 v4, v10;
	[tilespmem:s28+$0x60] =	vst v21;
	v16 =	vand.u32 $0x1E, v30  }
0x71: {  	v21 =	vld.idx.msk [tilespmem:v25+s13+$0x0], $0xffff;
	[tilespmem:s28+$0xFFFFFF60] =	vst v19;
	v16 =	vbroadcast v16, $0x0;
	v25 =	vor.u32 v0, v17  }
0x72: {  	[tilespmem:s26+$0xB0] =	vst v22;
	v22 =	vld.idx.msk [tilespmem:v28+s13+$0x0], $0xffff  }
0x73: {  	[tilespmem:s26+$0xFFFFFFB0] =	vst v23;
	v23 =	vld.idx.msk [tilespmem:v29+s13+$0x0], $0xffff;
	v28 =	vor.u32 v0, v16  }
0x74: {  	[tilespmem:s26+$0x30] =	vst v26;
	v24 =	vld.idx.msk [tilespmem:v24+s13+$0x0], $0xffff  }
0x75: {  	v12 =	vor.u32 v7, v12;
	v19 =	vld.idx.msk [tilespmem:v27+s13+$0x0], $0xffff;
	[tilespmem:s26+$0xFFFFFF30] =	vst v18  }
0x76: {  	v18 =	vor.u32 v5, v13;
	[tilespmem:s28+$0xFFFFFFF0] =	vst v21;
	v25 =	vld.idx.msk [tilespmem:v25+s13+$0x0], $0xffff  }
0x77: {  	v20 =	vld.idx.msk [tilespmem:v20+s13+$0x0], $0xffff;
	v21 =	vor.u32 v1, v17;
	[tilespmem:s28+$0x70] =	vst v22  }
0x78: {  	v22 =	vld.idx.msk [tilespmem:v28+s13+$0x0], $0xffff;
	[tilespmem:s26+$0xC0] =	vst v23;
	v23 =	vor.u32 v1, v14  }
0x79: {  	[tilespmem:s26+$0xFFFFFFC0] =	vst v24;
	v24 =	vor.u32 v1, v16  }
0x7a: {  	s18 =	sadd.s32 $0x200, s26;
	v12 =	vld.idx.msk [tilespmem:v12+s13+$0x0], $0xffff;
	[tilespmem:s26+$0x40] =	vst v19;
	v19 =	vor.u32 v1, v11  }
0x7b: {  	v26 =	vor.u32 v4, v8;
	v18 =	vld.idx.msk [tilespmem:v18+s13+$0x0], $0xffff;
	[tilespmem:s18+$0x80] =	vst v25  }
0x7c: {  	[tilespmem:s18+$0xFFFFFF80] =	vst v20;
	v25 =	vor.u32 v5, v9;
	v20 =	vld.idx.msk [tilespmem:v21+s13+$0x0], $0xffff  }
0x7d: {  	v21 =	vld.idx.msk [tilespmem:v23+s13+$0x0], $0xffff;
	[tilespmem:s18+$0x0] =	vst v22;
	v22 =	vor.u32 v2, v17  }
0x7e: {  	[tilespmem:s18+$0xFFFFFF00] =	vst v15;
	v15 =	vor.u32 v2, v14;
	v23 =	vld.idx.msk [tilespmem:v24+s13+$0x0], $0xffff  }
0x7f: {  	[tilespmem:s28+$0xFFFFFF70] =	vst v12;
	v12 =	vld.idx.msk [tilespmem:v19+s13+$0x0], $0xffff;
	v19 =	vor.u32 v2, v16  }
0x80: {  	v24 =	vld.idx.msk [tilespmem:v26+s13+$0x0], $0xffff;
	[tilespmem:s26+$0xD0] =	vst v18;
	v18 =	vor.u32 v2, v11  }
0x81: {  	v26 =	vor.u32 v6, v13;
	v25 =	vld.idx.msk [tilespmem:v25+s13+$0x0], $0xffff;
	[tilespmem:s18+$0x90] =	vst v20  }
0x82: {  	v20 =	vor.u32 v5, v10;
	[tilespmem:s18+$0xFFFFFF90] =	vst v21;
	v21 =	vld.idx.msk [tilespmem:v22+s13+$0x0], $0xffff  }
0x83: {  	v15 =	vld.idx.msk [tilespmem:v15+s13+$0x0], $0xffff;
	[tilespmem:s18+$0x10] =	vst v23;
	v22 =	vor.u32 v3, v17  }
0x84: {  	[tilespmem:s18+$0xFFFFFF10] =	vst v12;
	v12 =	vor.u32 v3, v14;
	v19 =	vld.idx.msk [tilespmem:v19+s13+$0x0], $0xffff  }
0x85: {  	[tilespmem:s26+$0xFFFFFF40] =	vst v24;
	v23 =	vor.u32 v3, v16;
	v18 =	vld.idx.msk [tilespmem:v18+s13+$0x0], $0xffff  }
0x86: {  	v24 =	vld.idx.msk [tilespmem:v26+s13+$0x0], $0xffff;
	[tilespmem:s26+$0xFFFFFFD0] =	vst v25;
	v25 =	vor.u32 v3, v11  }
0x87: {  	v26 =	vor.u32 v5, v8;
	v20 =	vld.idx.msk [tilespmem:v20+s13+$0x0], $0xffff;
	[tilespmem:s18+$0xA0] =	vst v21  }
0x88: {  	v13 =	vor.u32 v7, v13;
	[tilespmem:s18+$0xFFFFFFA0] =	vst v15;
	v15 =	vld.idx.msk [tilespmem:v22+s13+$0x0], $0xffff  }
0x89: {  	v12 =	vld.idx.msk [tilespmem:v12+s13+$0x0], $0xffff;
	[tilespmem:s18+$0x20] =	vst v19;
	v19 =	vor.u32 v4, v17  }
0x8a: {  	[tilespmem:s18+$0xFFFFFF20] =	vst v18;
	v18 =	vor.u32 v4, v14;
	v21 =	vld.idx.msk [tilespmem:v23+s13+$0x0], $0xffff  }
0x8b: {  	[tilespmem:s26+$0xE0] =	vst v24;
	v23 =	vor.u32 v4, v16;
	v22 =	vld.idx.msk [tilespmem:v25+s13+$0x0], $0xffff  }
0x8c: {  	v24 =	vld.idx.msk [tilespmem:v26+s13+$0x0], $0xffff;
	[tilespmem:s26+$0x50] =	vst v20;
	v20 =	vor.u32 v4, v11  }
0x8d: {  	v13 =	vld.idx.msk [tilespmem:v13+s13+$0x0], $0xffff;
	v25 =	vor.u32 v6, v9;
	[tilespmem:s18+$0xB0] =	vst v15  }
0x8e: {  	v15 =	vor.u32 v6, v10;
	[tilespmem:s18+$0xFFFFFFB0] =	vst v12;
	v12 =	vld.idx.msk [tilespmem:v19+s13+$0x0], $0xffff  }
0x8f: {  	v18 =	vld.idx.msk [tilespmem:v18+s13+$0x0], $0xffff;
	[tilespmem:s18+$0x30] =	vst v21  }
0x90: {  	v19 =	vor.u32 v5, v17;
	v21 =	vld.idx.msk [tilespmem:v23+s13+$0x0], $0xffff;
	[tilespmem:s18+$0xFFFFFF30] =	vst v22  }
0x91: {  	[tilespmem:s26+$0xFFFFFF50] =	vst v24;
	v22 =	vor.u32 v5, v14;
	v20 =	vld.idx.msk [tilespmem:v20+s13+$0x0], $0xffff  }
0x92: {  	[tilespmem:s26+$0xF0] =	vst v13;
	v13 =	vor.u32 v5, v11;
	v24 =	vld.idx.msk [tilespmem:v25+s13+$0x0], $0xffff  }
0x93: {  	v23 =	vor.u32 v5, v16;
	v15 =	vld.idx.msk [tilespmem:v15+s13+$0x0], $0xffff;
	[tilespmem:s18+$0xC0] =	vst v12  }
0x94: {  	v9 =	vor.u32 v7, v9;
	[tilespmem:s18+$0xFFFFFFC0] =	vst v18  }
0x95: {  	v25 =	vor.u32 v6, v8;
	v12 =	vld.idx.msk [tilespmem:v19+s13+$0x0], $0xffff;
	[tilespmem:s18+$0x40] =	vst v21  }
0x96: {  	v18 =	vld.idx.msk [tilespmem:v22+s13+$0x0], $0xffff;
	v19 =	vor.u32 v6, v17;
	[tilespmem:s18+$0xFFFFFF40] =	vst v20  }
0x97: {  	v22 =	vor.u32 v6, v14;
	[tilespmem:s26+$0xFFFFFFE0] =	vst v24;
	v13 =	vld.idx.msk [tilespmem:v13+s13+$0x0], $0xffff  }
0x98: {  	v21 =	vld.idx.msk [tilespmem:v23+s13+$0x0], $0xffff;
	[tilespmem:s26+$0x60] =	vst v15;
	v15 =	vor.u32 v6, v11  }
0x99: {  	v20 =	vor.u32 v6, v16;
	v9 =	vld.idx.msk [tilespmem:v9+s13+$0x0], $0xffff  }
0x9a: {  	v10 =	vor.u32 v7, v10;
	v23 =	vld.idx.msk [tilespmem:v25+s13+$0x0], $0xffff;
	[tilespmem:s18+$0xD0] =	vst v12  }
0x9b: {  	v8 =	vor.u32 v7, v8;
	[tilespmem:s18+$0xFFFFFFD0] =	vst v18;
	v12 =	vld.idx.msk [tilespmem:v19+s13+$0x0], $0xffff  }
0x9c: {  	v17 =	vor.u32 v7, v17;
	v18 =	vld.idx.msk [tilespmem:v22+s13+$0x0], $0xffff;
	[tilespmem:s18+$0xFFFFFF50] =	vst v13  }
0x9d: {  	v14 =	vor.u32 v7, v14;
	[tilespmem:s18+$0x50] =	vst v21;
	v15 =	vld.idx.msk [tilespmem:v15+s13+$0x0], $0xffff  }
0x9e: {  	[tilespmem:s26+$0xFFFFFFF0] =	vst v9;
	v9 =	vor.u32 v7, v11;
	v13 =	vld.idx.msk [tilespmem:v20+s13+$0x0], $0xffff  }
0x9f: {  	v16 =	vor.u32 v7, v16;
	v10 =	vld.idx.msk [tilespmem:v10+s13+$0x0], $0xffff;
	[tilespmem:s26+$0xFFFFFF60] =	vst v23  }
0xa0: {  	v8 =	vld.idx.msk [tilespmem:v8+s13+$0x0], $0xffff;
	[tilespmem:s18+$0xE0] =	vst v12  }
0xa1: {  	[tilespmem:s18+$0xFFFFFFE0] =	vst v18;
	v11 =	vld.idx.msk [tilespmem:v17+s13+$0x0], $0xffff  }
0xa2: {  	v12 =	vld.idx.msk [tilespmem:v14+s13+$0x0], $0xffff;
	[tilespmem:s18+$0xFFFFFF60] =	vst v15  }
0xa3: {  	[tilespmem:s18+$0x60] =	vst v13;
	v9 =	vld.idx.msk [tilespmem:v9+s13+$0x0], $0xffff  }
0xa4: {  	[tilespmem:s26+$0x70] =	vst v10;
	v13 =	vld.idx.msk [tilespmem:v16+s13+$0x0], $0xffff  }
0xa5: {  	[tilespmem:s26+$0xFFFFFF70] =	vst v8  }
0xa6: {  	s1 =	simm.s32 $0x3;
	[tilespmem:s18+$0xF0] =	vst v11  }
0xa7: {  	s29 =	simm.s32 $0x1;
	v8 =	vmov s1;
	[tilespmem:s18+$0xFFFFFFF0] =	vst v12  }
0xa8: {  	s30 =	simm.s32 $0x2;
	v8 =	vand.u32 $0x1F, v8;
	[tilespmem:s18+$0xFFFFFF70] =	vst v9;
	v9 =	vmov s29  }
0xa9: {  	s31 =	simm.s32 $0x100;
	s16 =	simm.s32 $0x0;
	v10 =	vmov s30;
	v14 =	vbroadcast v8, $0x0;
	[tilespmem:s18+$0x70] =	vst v13;
	v9 =	vand.u32 $0x1D, v9  }
0xaa: {  	v8 =	vand.u32 $0x1E, v10;
	[tilespmem:s13], [sflag:$0x1] =	stream.indirect.gather [hbm4b:s4+s10], $0x20, s31, s10, $0xb8;
	v17 =	vbroadcast v9, $0x0;
	[tilespmem:$0xA400] =	vst v63  }
0xab: {  	v16 =	vbroadcast v8, $0x0;
	v8 =	vor.u32 v0, v14;
	v9 =	vmov s16  }
0xac: {  	[hbm4b:s6+s10] =	stream.strided.scatter [tilespmem:s17], [sflag:$0x2], $0x1000, s11, s10, $0x38;
	v9 =	vand.u32 $0x1C, v9;
	v10 =	vor.u32 v0, v17;
	[tilespmem:$0xA400] =	vst v63  }
0xad: {  	_ =	swait.ge [sflag:s15], $0x1000;
	v12 =	vbroadcast v9, $0x0;
	v9 =	vor.u32 v0, v16  }
0xae: {  	[sflag:s15] =	ssyncset.done $0x0  }
0xaf: {  	[sflag:s15] =	ssyncadd.s32 $0xFFFFF000;
	v11 =	vor.u32 v0, v12  }
0xb0: {  	v8 =	vld.idx.msk [tilespmem:v8+s14+$0x0], $0xffff  }
0xb1: {  	v13 =	vor.u32 v1, v14;
	v10 =	vld.idx.msk [tilespmem:v10+s14+$0x0], $0xffff  }
0xb2: {  	v15 =	vor.u32 v1, v17;
	v9 =	vld.idx.msk [tilespmem:v9+s14+$0x0], $0xffff  }
0xb3: {  	v18 =	vor.u32 v1, v16  }
0xb4: {  	s28 =	simm.s32 $0x9500;
	v11 =	vld.idx.msk [tilespmem:v11+s14+$0x0], $0xffff  }
0xb5: {  	v19 =	vor.u32 v1, v12;
	[tilespmem:s28+$0x80] =	vst v8  }
0xb6: {  	v8 =	vld.idx.msk [tilespmem:v13+s14+$0x0], $0xffff;
	[tilespmem:s28+$0xFFFFFF80] =	vst v10  }
0xb7: {  	[tilespmem:s28+$0x0] =	vst v9;
	v9 =	vor.u32 v2, v14;
	v10 =	vld.idx.msk [tilespmem:v15+s14+$0x0], $0xffff  }
0xb8: {  	v13 =	vld.idx.msk [tilespmem:v18+s14+$0x0], $0xffff;
	v15 =	vor.u32 v2, v17  }
0xb9: {  	[tilespmem:s28+$0xFFFFFF00] =	vst v11;
	v11 =	vor.u32 v2, v16  }
0xba: {  	v18 =	vld.idx.msk [tilespmem:v19+s14+$0x0], $0xffff  }
0xbb: {  	s18 =	simm.s32 $0x4;
	v19 =	vor.u32 v2, v12;
	[tilespmem:s28+$0x90] =	vst v8  }
0xbc: {  	v8 =	vmov s18;
	[tilespmem:s28+$0xFFFFFF90] =	vst v10;
	v10 =	vld.idx.msk [tilespmem:v9+s14+$0x0], $0xffff  }
0xbd: {  	s26 =	simm.s32 $0x5;
	v8 =	vand.u32 $0x1C, v8;
	[tilespmem:s28+$0x10] =	vst v13;
	v13 =	vor.u32 v3, v14;
	v15 =	vld.idx.msk [tilespmem:v15+s14+$0x0], $0xffff  }
0xbe: {  	v20 =	vor.u32 v3, v17;
	v8 =	vbroadcast v8, $0x0;
	v9 =	vmov s26;
	v11 =	vld.idx.msk [tilespmem:v11+s14+$0x0], $0xffff  }
0xbf: {  	v9 =	vand.u32 $0x1D, v9;
	[tilespmem:s28+$0xFFFFFF10] =	vst v18;
	v18 =	vor.u32 v3, v16  }
0xc0: {  	v21 =	vor.u32 v0, v8;
	v9 =	vbroadcast v9, $0x0;
	v19 =	vld.idx.msk [tilespmem:v19+s14+$0x0], $0xffff  }
0xc1: {  	s29 =	simm.s32 $0x7;
	v22 =	vor.u32 v3, v12;
	[tilespmem:s28+$0xA0] =	vst v10  }
0xc2: {  	s30 =	simm.s32 $0x6;
	v23 =	vor.u32 v0, v9;
	v10 =	vmov s29;
	[tilespmem:s28+$0xFFFFFFA0] =	vst v15;
	v15 =	vld.idx.msk [tilespmem:v13+s14+$0x0], $0xffff  }
0xc3: {  	v25 =	vmov s30;
	[tilespmem:s28+$0x20] =	vst v11;
	v11 =	vor.u32 v4, v14;
	v10 =	vand.u32 $0x1F, v10;
	v20 =	vld.idx.msk [tilespmem:v20+s14+$0x0], $0xffff  }
0xc4: {  	v24 =	vor.u32 v4, v17;
	v18 =	vld.idx.msk [tilespmem:v18+s14+$0x0], $0xffff;
	v13 =	vbroadcast v10, $0x0;
	v10 =	vand.u32 $0x1E, v25  }
0xc5: {  	v21 =	vld.idx.msk [tilespmem:v21+s14+$0x0], $0xffff;
	[tilespmem:s28+$0xFFFFFF20] =	vst v19;
	v19 =	vor.u32 v4, v16;
	v10 =	vbroadcast v10, $0x0  }
0xc6: {  	v22 =	vld.idx.msk [tilespmem:v22+s14+$0x0], $0xffff;
	v25 =	vor.u32 v0, v13  }
0xc7: {  	v23 =	vld.idx.msk [tilespmem:v23+s14+$0x0], $0xffff;
	v26 =	vor.u32 v0, v10;
	[tilespmem:s28+$0xB0] =	vst v15  }
0xc8: {  	s0 =	simm.s32 $0x8;
	v15 =	vor.u32 v4, v12;
	[tilespmem:s28+$0xFFFFFFB0] =	vst v20;
	v20 =	vld.idx.msk [tilespmem:v11+s14+$0x0], $0xffff  }
0xc9: {  	v11 =	vmov s0;
	[tilespmem:s28+$0x30] =	vst v18;
	v18 =	vor.u32 v5, v14;
	v24 =	vld.idx.msk [tilespmem:v24+s14+$0x0], $0xffff  }
0xca: {  	v27 =	vor.u32 v5, v17;
	v11 =	vand.u32 $0x1C, v11;
	v19 =	vld.idx.msk [tilespmem:v19+s14+$0x0], $0xffff  }
0xcb: {  	s26 =	simm.s32 $0x9700;
	v11 =	vbroadcast v11, $0x0;
	[tilespmem:s28+$0xFFFFFF30] =	vst v22;
	v22 =	vld.idx.msk [tilespmem:v25+s14+$0x0], $0xffff;
	v25 =	vor.u32 v5, v16  }
0xcc: {  	v30 =	vor.u32 v1, v13;
	[tilespmem:s26+$0xFFFFFF80] =	vst v23;
	v26 =	vld.idx.msk [tilespmem:v26+s14+$0x0], $0xffff  }
0xcd: {  	v28 =	vor.u32 v0, v11;
	v29 =	vld.idx.msk [tilespmem:v15+s14+$0x0], $0xffff;
	[tilespmem:s28+$0xC0] =	vst v20  }
0xce: {  	v20 =	vor.u32 v1, v9;
	[tilespmem:s28+$0xFFFFFFC0] =	vst v24;
	v18 =	vld.idx.msk [tilespmem:v18+s14+$0x0], $0xffff  }
0xcf: {  	v23 =	vor.u32 v5, v12;
	[tilespmem:s28+$0x40] =	vst v19;
	v27 =	vld.idx.msk [tilespmem:v27+s14+$0x0], $0xffff  }
0xd0: {  	v19 =	vld.idx.msk [tilespmem:v25+s14+$0x0], $0xffff;
	v25 =	vor.u32 v6, v14;
	[tilespmem:s26+$0x80] =	vst v22  }
0xd1: {  	v24 =	vor.u32 v1, v10;
	v22 =	vld.idx.msk [tilespmem:v30+s14+$0x0], $0xffff  }
0xd2: {  	[tilespmem:s26+$0x0] =	vst v26;
	v15 =	vld.idx.msk [tilespmem:v28+s14+$0x0], $0xffff;
	v28 =	vor.u32 v1, v8  }
0xd3: {  	v26 =	vor.u32 v6, v17;
	[tilespmem:s28+$0xFFFFFF40] =	vst v29;
	v20 =	vld.idx.msk [tilespmem:v20+s14+$0x0], $0xffff  }
0xd4: {  	v30 =	vor.u32 v2, v13;
	v23 =	vld.idx.msk [tilespmem:v23+s14+$0x0], $0xffff;
	[tilespmem:s28+$0xD0] =	vst v18  }
0xd5: {  	[tilespmem:s26+$0xFFFFFF00] =	vst v21;
	v21 =	vor.u32 v2, v9;
	v25 =	vld.idx.msk [tilespmem:v25+s14+$0x0], $0xffff  }
0xd6: {  	v14 =	vor.u32 v7, v14;
	v24 =	vld.idx.msk [tilespmem:v24+s14+$0x0], $0xffff;
	[tilespmem:s28+$0xFFFFFFD0] =	vst v27  }
0xd7: {  	v31 =	vor.u32 v2, v10;
	[tilespmem:s26+$0x90] =	vst v22;
	v28 =	vld.idx.msk [tilespmem:v28+s14+$0x0], $0xffff  }
0xd8: {  	v32 =	vor.u32 v6, v12;
	v18 =	vld.idx.msk [tilespmem:v26+s14+$0x0], $0xffff;
	[tilespmem:s26+$0xFFFFFF90] =	vst v20  }
0xd9: {  	s31 =	simm.s32 $0x9;
	v27 =	vor.u32 v2, v8;
	v20 =	vld.idx.msk [tilespmem:v30+s14+$0x0], $0xffff;
	[tilespmem:s28+$0xFFFFFF50] =	vst v23  }
0xda: {  	v22 =	vor.u32 v6, v16;
	v30 =	vld.idx.msk [tilespmem:v21+s14+$0x0], $0xffff;
	v21 =	vmov s31;
	[tilespmem:s28+$0xE0] =	vst v25  }
0xdb: {  	v33 =	vor.u32 v3, v13;
	[tilespmem:s26+$0x10] =	vst v24;
	v26 =	vld.idx.msk [tilespmem:v14+s14+$0x0], $0xffff;
	v14 =	vand.u32 $0x1D, v21  }
0xdc: {  	v31 =	vld.idx.msk [tilespmem:v31+s14+$0x0], $0xffff;
	[tilespmem:s26+$0xFFFFFF10] =	vst v28;
	v28 =	vor.u32 v3, v9;
	v14 =	vbroadcast v14, $0x0  }
0xdd: {  	v29 =	vor.u32 v3, v10;
	[tilespmem:s28+$0x50] =	vst v19;
	v19 =	vld.idx.msk [tilespmem:v32+s14+$0x0], $0xffff  }
0xde: {  	v24 =	vld.idx.msk [tilespmem:v27+s14+$0x0], $0xffff;
	[tilespmem:s26+$0xA0] =	vst v20;
	v20 =	vor.u32 v0, v14  }
0xdf: {  	v21 =	vld.idx.msk [tilespmem:v22+s14+$0x0], $0xffff;
	v27 =	vor.u32 v3, v8  }
0xe0: {  	v25 =	vor.u32 v7, v17;
	[tilespmem:s26+$0xFFFFFFA0] =	vst v30;
	v22 =	vld.idx.msk [tilespmem:v33+s14+$0x0], $0xffff  }
0xe1: {  	s1 =	simm.s32 $0xC;
	s16 =	simm.s32 $0xB;
	[tilespmem:s26+$0x20] =	vst v31;
	v23 =	vld.idx.msk [tilespmem:v28+s14+$0x0], $0xffff;
	v28 =	vor.u32 v7, v16  }
.LBB2_4:
0xe2: {  	p0 =	slt.u32 s1, $0x1C;
	v16 =	vmov s16;
	v17 =	vld.idx.msk [tilespmem:v29+s14+$0x0], $0xffff;
	v29 =	vor.u32 v4, v13;
	[tilespmem:s28+$0xF0] =	vst v26  }
0xe3: {  	s16 =	sadd.s32 $0x2, s0;
	s0 =	smov.u32 s1;
	v20 =	vld.idx.msk [tilespmem:v20+s14+$0x0], $0xffff;
	v16 =	vand.u32 $0x1F, v16;
	[tilespmem:s26+$0xFFFFFF20] =	vst v24;
	v24 =	vor.u32 v4, v9  }
0xe4: {  	v30 =	vor.u32 v4, v10;
	v26 =	vmov s16;
	v16 =	vbroadcast v16, $0x0;
	v27 =	vld.idx.msk [tilespmem:v27+s14+$0x0], $0xffff;
	[tilespmem:s28+$0xFFFFFFE0] =	vst v18  }
0xe5: {  	v18 =	vand.u32 $0x1E, v26;
	v26 =	vor.u32 v7, v12;
	v12 =	vmovc v8;
	v8 =	vmov v11;
	v25 =	vld.idx.msk [tilespmem:v25+s14+$0x0], $0xffff;
	[tilespmem:s28+$0x60] =	vst v21  }
0xe6: {  	v31 =	vbroadcast v18, $0x0;
	v18 =	vor.u32 v0, v16;
	[tilespmem:s26+$0xB0] =	vst v22;
	v21 =	vld.idx.msk [tilespmem:v28+s14+$0x0], $0xffff  }
0xe7: {  	v22 =	vor.u32 v4, v12;
	[tilespmem:s26+$0xFFFFFFB0] =	vst v23;
	v23 =	vld.idx.msk [tilespmem:v29+s14+$0x0], $0xffff  }
0xe8: {  	v11 =	vmov s1;
	v28 =	vor.u32 v0, v31;
	v24 =	vld.idx.msk [tilespmem:v24+s14+$0x0], $0xffff;
	[tilespmem:s26+$0x30] =	vst v17  }
0xe9: {  	v11 =	vand.u32 $0x1C, v11;
	v29 =	vor.u32 v5, v13;
	v17 =	vld.idx.msk [tilespmem:v30+s14+$0x0], $0xffff;
	[tilespmem:s28+$0xFFFFFF60] =	vst v19  }
0xea: {  	v11 =	vbroadcast v11, $0x0;
	v19 =	vor.u32 v5, v9;
	[tilespmem:s26+$0xFFFFFF30] =	vst v27;
	v26 =	vld.idx.msk [tilespmem:v26+s14+$0x0], $0xffff  }
0xeb: {  	v27 =	vor.u32 v5, v10;
	v18 =	vld.idx.msk [tilespmem:v18+s14+$0x0], $0xffff;
	[tilespmem:s28+$0xFFFFFFF0] =	vst v25  }
0xec: {  	v25 =	vor.u32 v0, v11;
	v22 =	vld.idx.msk [tilespmem:v22+s14+$0x0], $0xffff;
	[tilespmem:s28+$0x70] =	vst v21  }
0xed: {  	v21 =	vld.idx.msk [tilespmem:v28+s14+$0x0], $0xffff;
	v28 =	vor.u32 v1, v16;
	[tilespmem:s26+$0xC0] =	vst v23  }
0xee: {  	v23 =	vor.u32 v1, v14;
	[tilespmem:s26+$0xFFFFFFC0] =	vst v24;
	v24 =	vld.idx.msk [tilespmem:v29+s14+$0x0], $0xffff  }
0xef: {  	v29 =	vor.u32 v1, v31;
	v19 =	vld.idx.msk [tilespmem:v19+s14+$0x0], $0xffff;
	[tilespmem:s26+$0x40] =	vst v17  }
0xf0: {  	v17 =	vld.idx.msk [tilespmem:v27+s14+$0x0], $0xffff;
	v27 =	vor.u32 v6, v13;
	[tilespmem:s28+$0xFFFFFF70] =	vst v26;
	s28 =	smov.u32 s26;
	s26 =	sadd.s32 $0x200, s26  }
0xf1: {  	v26 =	vor.u32 v1, v8;
	v25 =	vld.idx.msk [tilespmem:v25+s14+$0x0], $0xffff;
	[tilespmem:s26+$0x80] =	vst v18  }
0xf2: {  	[tilespmem:s26+$0xFFFFFF80] =	vst v20;
	v18 =	vld.idx.msk [tilespmem:v28+s14+$0x0], $0xffff;
	v20 =	vor.u32 v5, v12  }
0xf3: {  	v23 =	vld.idx.msk [tilespmem:v23+s14+$0x0], $0xffff;
	[tilespmem:s26+$0x0] =	vst v21;
	v21 =	vor.u32 v6, v9  }
0xf4: {  	v28 =	vld.idx.msk [tilespmem:v29+s14+$0x0], $0xffff;
	v29 =	vor.u32 v2, v16;
	[tilespmem:s28+$0xD0] =	vst v24  }
0xf5: {  	v24 =	vor.u32 v2, v14;
	[tilespmem:s26+$0xFFFFFF00] =	vst v15;
	v27 =	vld.idx.msk [tilespmem:v27+s14+$0x0], $0xffff  }
0xf6: {  	v30 =	vor.u32 v2, v31;
	v26 =	vld.idx.msk [tilespmem:v26+s14+$0x0], $0xffff;
	[tilespmem:s28+$0xFFFFFF40] =	vst v22  }
0xf7: {  	v15 =	vmov v25;
	v22 =	vld.idx.msk [tilespmem:v20+s14+$0x0], $0xffff;
	[tilespmem:s28+$0xFFFFFFD0] =	vst v19;
	v19 =	vor.u32 v7, v13;
	v13 =	vmov v16  }
0xf8: {  	v16 =	vor.u32 v2, v8;
	[tilespmem:s26+$0x90] =	vst v18;
	v18 =	vld.idx.msk [tilespmem:v21+s14+$0x0], $0xffff  }
0xf9: {  	s16 =	sadd.s32 $0x1, s1;
	v21 =	vor.u32 v6, v10;
	[tilespmem:s26+$0xFFFFFF90] =	vst v23;
	v23 =	vld.idx.msk [tilespmem:v29+s14+$0x0], $0xffff  }
0xfa: {  	v20 =	vmov s16;
	v25 =	vld.idx.msk [tilespmem:v24+s14+$0x0], $0xffff;
	[tilespmem:s26+$0x10] =	vst v28;
	v28 =	vor.u32 v6, v12  }
0xfb: {  	v20 =	vand.u32 $0x1D, v20;
	v32 =	vor.u32 v3, v13;
	v30 =	vld.idx.msk [tilespmem:v30+s14+$0x0], $0xffff;
	[tilespmem:s28+$0xE0] =	vst v27  }
0xfc: {  	v34 =	vor.u32 v3, v14;
	v33 =	vbroadcast v20, $0x0;
	[tilespmem:s26+$0xFFFFFF10] =	vst v26;
	v26 =	vld.idx.msk [tilespmem:v19+s14+$0x0], $0xffff  }
.Ltmp1:
0xfd: {  	v29 =	vor.u32 v3, v31;
	v24 =	vld.idx.msk [tilespmem:v16+s14+$0x0], $0xffff;
	[tilespmem:s28+$0x50] =	vst v17;
	(pc) =	sbr.rel @p0 .LBB2_4-.Ltmp1, $4  }
0xfe: {  	v20 =	vor.u32 v0, v33;
	[tilespmem:s28+$0xFFFFFF50] =	vst v22;
	v21 =	vld.idx.msk [tilespmem:v21+s14+$0x0], $0xffff  }
0xff: {  	v27 =	vor.u32 v3, v8;
	[tilespmem:s26+$0xA0] =	vst v23;
	v19 =	vld.idx.msk [tilespmem:v28+s14+$0x0], $0xffff  }
0x100: {  	[tilespmem:s26+$0xFFFFFFA0] =	vst v25;
	v22 =	vld.idx.msk [tilespmem:v32+s14+$0x0], $0xffff;
	v25 =	vor.u32 v7, v9;
	v9 =	vmov v14;
	v14 =	vmov v33  }
0x101: {  	s1 =	sadd.s32 $0x4, s1;
	s16 =	sadd.s32 $0x3, s0;
	v28 =	vor.u32 v7, v10;
	v10 =	vmov v31;
	v23 =	vld.idx.msk [tilespmem:v34+s14+$0x0], $0xffff;
	[tilespmem:s26+$0x20] =	vst v30  }
0x102: {  	_ = 	snop  }
0x103: {  	[tilespmem:s28+$0xF0] =	vst v26  }
0x104: {  	[tilespmem:s26+$0xFFFFFF20] =	vst v24  }
0x105: {  	v16 =	vmov s16;
	s0 =	sadd.s32 $0x2, s0;
	[tilespmem:s28+$0xFFFFFFE0] =	vst v18  }
0x106: {  	v63 =	vld.idx.msk [tilespmem:v29+s14+$0x0], $0xffff;
	v33 =	vor.u32 v4, v13;
	s30 =	sadd.s32 $0x200, s26;
	v16 =	vand.u32 $0x1F, v16;
	v30 =	vmov s0;
	[tilespmem:s28+$0x60] =	vst v21  }
0x107: {  	v34 =	vor.u32 v4, v9;
	v20 =	vld.idx.msk [tilespmem:v20+s14+$0x0], $0xffff;
	[tilespmem:s30+$0xFFFFFF00] =	vst v15;
	v17 =	vbroadcast v16, $0x0;
	v37 =	vand.u32 $0x1E, v30  }
0x108: {  	v12 =	vor.u32 v7, v12;
	v35 =	vld.idx.msk [tilespmem:v27+s14+$0x0], $0xffff;
	[tilespmem:s28+$0xFFFFFF60] =	vst v19;
	v16 =	vbroadcast v37, $0x0  }
0x109: {  	v38 =	vld.idx.msk [tilespmem:v25+s14+$0x0], $0xffff;
	[tilespmem:s26+$0xB0] =	vst v22;
	v39 =	vor.u32 v0, v17  }
0x10a: {  	v40 =	vld.idx.msk [tilespmem:v28+s14+$0x0], $0xffff;
	[tilespmem:s26+$0xFFFFFFB0] =	vst v23;
	v42 =	vor.u32 v0, v16  }
0x10b: {  	v49 =	vor.u32 v1, v11;
	v41 =	vld.idx.msk [tilespmem:v33+s14+$0x0], $0xffff;
	[tilespmem:s26+$0x30] =	vst v63  }
0x10c: {  	v47 =	vor.u32 v1, v14;
	v24 =	vld.idx.msk [tilespmem:v34+s14+$0x0], $0xffff;
	[tilespmem:s30+$0xFFFFFF80] =	vst v20  }
0x10d: {  	v36 =	vor.u32 v4, v10;
	v12 =	vld.idx.msk [tilespmem:v12+s14+$0x0], $0xffff;
	[tilespmem:s26+$0xFFFFFF30] =	vst v35  }
0x10e: {  	v44 =	vor.u32 v5, v13;
	[tilespmem:s28+$0xFFFFFFF0] =	vst v38;
	v25 =	vld.idx.msk [tilespmem:v39+s14+$0x0], $0xffff  }
0x10f: {  	v45 =	vor.u32 v1, v17;
	[tilespmem:s28+$0x70] =	vst v40;
	v46 =	vld.idx.msk [tilespmem:v42+s14+$0x0], $0xffff  }
0x110: {  	v48 =	vor.u32 v1, v16;
	v57 =	vld.idx.msk [tilespmem:v49+s14+$0x0], $0xffff;
	[tilespmem:s26+$0xC0] =	vst v41  }
0x111: {  	v50 =	vor.u32 v4, v8;
	v53 =	vld.idx.msk [tilespmem:v47+s14+$0x0], $0xffff;
	[tilespmem:s26+$0xFFFFFFC0] =	vst v24  }
0x112: {  	v56 =	vor.u32 v2, v14;
	v43 =	vld.idx.msk [tilespmem:v36+s14+$0x0], $0xffff;
	[tilespmem:s28+$0xFFFFFF70] =	vst v12  }
0x113: {  	v62 =	vor.u32 v5, v10;
	v18 =	vld.idx.msk [tilespmem:v44+s14+$0x0], $0xffff;
	[tilespmem:s30+$0x80] =	vst v25  }
0x114: {  	v60 =	vor.u32 v2, v11;
	v52 =	vld.idx.msk [tilespmem:v45+s14+$0x0], $0xffff;
	[tilespmem:s30+$0x0] =	vst v46  }
0x115: {  	v54 =	vor.u32 v2, v17;
	[tilespmem:s30+$0xFFFFFF10] =	vst v57;
	v55 =	vld.idx.msk [tilespmem:v48+s14+$0x0], $0xffff  }
0x116: {  	v58 =	vor.u32 v2, v16;
	v59 =	vld.idx.msk [tilespmem:v50+s14+$0x0], $0xffff;
	[tilespmem:s30+$0xFFFFFF90] =	vst v53  }
0x117: {  	v33 =	vor.u32 v5, v8;
	[tilespmem:s26+$0x40] =	vst v43;
	v15 =	vld.idx.msk [tilespmem:v56+s14+$0x0], $0xffff  }
0x118: {  	v61 =	vor.u32 v6, v13;
	v20 =	vld.idx.msk [tilespmem:v62+s14+$0x0], $0xffff;
	[tilespmem:s26+$0xD0] =	vst v18  }
0x119: {  	v29 =	vor.u32 v3, v14;
	v18 =	vld.idx.msk [tilespmem:v60+s14+$0x0], $0xffff;
	[tilespmem:s30+$0x90] =	vst v52  }
0x11a: {  	v32 =	vor.u32 v3, v11;
	v63 =	vld.idx.msk [tilespmem:v54+s14+$0x0], $0xffff;
	[tilespmem:s30+$0x10] =	vst v55  }
0x11b: {  	v28 =	vor.u32 v3, v17;
	[tilespmem:s26+$0xFFFFFF40] =	vst v59;
	v19 =	vld.idx.msk [tilespmem:v58+s14+$0x0], $0xffff  }
0x11c: {  	v30 =	vor.u32 v3, v16;
	v41 =	vld.idx.msk [tilespmem:v33+s14+$0x0], $0xffff;
	[tilespmem:s30+$0xFFFFFFA0] =	vst v15  }
0x11d: {  	v51 =	vor.u32 v5, v9;
	v31 =	vld.idx.msk [tilespmem:v61+s14+$0x0], $0xffff;
	[tilespmem:s26+$0x50] =	vst v20  }
0x11e: {  	v34 =	vor.u32 v7, v13;
	v12 =	vld.idx.msk [tilespmem:v29+s14+$0x0], $0xffff;
	[tilespmem:s30+$0xFFFFFF20] =	vst v18  }
0x11f: {  	v38 =	vor.u32 v4, v14;
	v39 =	vld.idx.msk [tilespmem:v32+s14+$0x0], $0xffff;
	[tilespmem:s30+$0xA0] =	vst v63  }
0x120: {  	v42 =	vor.u32 v4, v11;
	v35 =	vld.idx.msk [tilespmem:v28+s14+$0x0], $0xffff;
	[tilespmem:s30+$0x20] =	vst v19  }
0x121: {  	v36 =	vor.u32 v4, v17;
	[tilespmem:s26+$0xFFFFFF50] =	vst v41;
	v37 =	vld.idx.msk [tilespmem:v30+s14+$0x0], $0xffff  }
0x122: {  	v40 =	vor.u32 v4, v16;
	v25 =	vld.idx.msk [tilespmem:v51+s14+$0x0], $0xffff;
	[tilespmem:s26+$0xE0] =	vst v31  }
0x123: {  	v44 =	vor.u32 v6, v10;
	v13 =	vld.idx.msk [tilespmem:v34+s14+$0x0], $0xffff;
	[tilespmem:s30+$0xFFFFFFB0] =	vst v12  }
0x124: {  	v43 =	vor.u32 v6, v9;
	v18 =	vld.idx.msk [tilespmem:v38+s14+$0x0], $0xffff;
	[tilespmem:s30+$0xFFFFFF30] =	vst v39  }
0x125: {  	v47 =	vor.u32 v5, v14;
	v20 =	vld.idx.msk [tilespmem:v42+s14+$0x0], $0xffff;
	[tilespmem:s30+$0xB0] =	vst v35  }
0x126: {  	v50 =	vor.u32 v5, v11;
	v45 =	vld.idx.msk [tilespmem:v36+s14+$0x0], $0xffff;
	[tilespmem:s30+$0x30] =	vst v37  }
0x127: {  	v46 =	vor.u32 v5, v17;
	[tilespmem:s26+$0xFFFFFFD0] =	vst v25;
	v21 =	vld.idx.msk [tilespmem:v40+s14+$0x0], $0xffff  }
0x128: {  	v48 =	vor.u32 v5, v16;
	v15 =	vld.idx.msk [tilespmem:v44+s14+$0x0], $0xffff;
	[tilespmem:s26+$0xF0] =	vst v13  }
0x129: {  	v51 =	vor.u32 v6, v8;
	v49 =	vld.idx.msk [tilespmem:v43+s14+$0x0], $0xffff;
	[tilespmem:s30+$0xFFFFFFC0] =	vst v18  }
0x12a: {  	v52 =	vor.u32 v7, v9;
	v18 =	vld.idx.msk [tilespmem:v47+s14+$0x0], $0xffff;
	[tilespmem:s30+$0xFFFFFF40] =	vst v20  }
0x12b: {  	v54 =	vor.u32 v6, v14;
	v13 =	vld.idx.msk [tilespmem:v50+s14+$0x0], $0xffff;
	[tilespmem:s30+$0xC0] =	vst v45  }
0x12c: {  	v57 =	vor.u32 v6, v11;
	v12 =	vld.idx.msk [tilespmem:v46+s14+$0x0], $0xffff;
	[tilespmem:s30+$0x40] =	vst v21  }
0x12d: {  	v53 =	vor.u32 v6, v17;
	[tilespmem:s26+$0x60] =	vst v15;
	v21 =	vld.idx.msk [tilespmem:v48+s14+$0x0], $0xffff  }
0x12e: {  	v56 =	vld.idx.msk [tilespmem:v51+s14+$0x0], $0xffff;
	v55 =	vor.u32 v6, v16;
	[tilespmem:s26+$0xFFFFFFE0] =	vst v49  }
0x12f: {  	v8 =	vor.u32 v7, v8;
	v9 =	vld.idx.msk [tilespmem:v52+s14+$0x0], $0xffff;
	[tilespmem:s30+$0xFFFFFFD0] =	vst v18  }
0x130: {  	v58 =	vor.u32 v7, v10;
	v18 =	vld.idx.msk [tilespmem:v54+s14+$0x0], $0xffff;
	[tilespmem:s30+$0xFFFFFF50] =	vst v13  }
0x131: {  	v60 =	vor.u32 v7, v14;
	v15 =	vld.idx.msk [tilespmem:v57+s14+$0x0], $0xffff;
	[tilespmem:s30+$0xD0] =	vst v12  }
0x132: {  	v61 =	vor.u32 v7, v11;
	v12 =	vld.idx.msk [tilespmem:v53+s14+$0x0], $0xffff;
	[tilespmem:s30+$0x50] =	vst v21  }
0x133: {  	v17 =	vor.u32 v7, v17;
	[tilespmem:s26+$0xFFFFFF60] =	vst v56;
	v59 =	vld.idx.msk [tilespmem:v55+s14+$0x0], $0xffff  }
0x134: {  	v16 =	vor.u32 v7, v16;
	v8 =	vld.idx.msk [tilespmem:v8+s14+$0x0], $0xffff;
	[tilespmem:s26+$0xFFFFFFF0] =	vst v9  }
0x135: {  	v10 =	vld.idx.msk [tilespmem:v58+s14+$0x0], $0xffff;
	[tilespmem:s30+$0xFFFFFFE0] =	vst v18  }
0x136: {  	v63 =	vld.idx.msk [tilespmem:v60+s14+$0x0], $0xffff;
	[tilespmem:s30+$0xFFFFFF60] =	vst v15  }
0x137: {  	v9 =	vld.idx.msk [tilespmem:v61+s14+$0x0], $0xffff;
	[tilespmem:s30+$0xE0] =	vst v12  }
0x138: {  	v62 =	vld.idx.msk [tilespmem:v17+s14+$0x0], $0xffff;
	[tilespmem:s30+$0x60] =	vst v59  }
0x139: {  	[tilespmem:s26+$0xFFFFFF70] =	vst v8;
	v13 =	vld.idx.msk [tilespmem:v16+s14+$0x0], $0xffff  }
0x13a: {  	[tilespmem:s26+$0x70] =	vst v10  }
0x13b: {  	[tilespmem:s30+$0xFFFFFFF0] =	vst v63  }
0x13c: {  	[tilespmem:s30+$0xFFFFFF70] =	vst v9  }
0x13d: {  	[tilespmem:s30+$0xF0] =	vst v62  }
0x13e: {  	s31 =	simm.s32 $0x180;
	[tilespmem:s30+$0x70] =	vst v13  }
0x13f: {  	[tilespmem:s14], [sflag:$0x1] =	stream.indirect.gather [hbm4b:s4+s10], $0x20, s31, s10, $0xb8;
	[tilespmem:$0xA400] =	vst v63  }
0x140: {  	s28 =	simm.s32 $0x0;
	s26 =	simm.s32 $0x0  }
0x141: {  	[hbm4b:s19+s10] =	stream.strided.scatter [tilespmem:s20], [sflag:$0x3], $0x1000, s11, s10, $0x38;
	[tilespmem:$0xA400] =	vst v63  }
.LBB2_6:
0x142: {  	s0 =	simm.s32 $0x3  }
0x143: {  	s1 =	simm.s32 $0x1;
	v8 =	vmov s0  }
0x144: {  	s18 =	simm.s32 $0x2;
	v9 =	vmov s1;
	v8 =	vand.u32 $0x1F, v8  }
0x145: {  	v10 =	vmov s18;
	v9 =	vand.u32 $0x1D, v9;
	v14 =	vbroadcast v8, $0x0  }
0x146: {  	v17 =	vbroadcast v9, $0x0;
	v8 =	vand.u32 $0x1E, v10  }
0x147: {  	v9 =	vmov s26;
	v16 =	vbroadcast v8, $0x0;
	v8 =	vor.u32 v0, v14  }
0x148: {  	v9 =	vand.u32 $0x1C, v9;
	v10 =	vor.u32 v0, v17  }
0x149: {  	_ =	swait.ge [sflag:s15], $0x1000;
	v12 =	vbroadcast v9, $0x0;
	v9 =	vor.u32 v0, v16  }
0x14a: {  	[sflag:s15] =	ssyncset.done $0x0  }
0x14b: {  	[sflag:s15] =	ssyncadd.s32 $0xFFFFF000;
	v11 =	vor.u32 v0, v12  }
0x14c: {  	v8 =	vld.idx.msk [tilespmem:v8+s13+$0x0], $0xffff  }
0x14d: {  	v13 =	vor.u32 v1, v14;
	v10 =	vld.idx.msk [tilespmem:v10+s13+$0x0], $0xffff  }
0x14e: {  	v15 =	vor.u32 v1, v17;
	v9 =	vld.idx.msk [tilespmem:v9+s13+$0x0], $0xffff  }
0x14f: {  	v18 =	vor.u32 v1, v16  }
0x150: {  	s30 =	simm.s32 $0x8500;
	v11 =	vld.idx.msk [tilespmem:v11+s13+$0x0], $0xffff  }
0x151: {  	v19 =	vor.u32 v1, v12;
	[tilespmem:s30+$0x80] =	vst v8  }
0x152: {  	[tilespmem:s30+$0xFFFFFF80] =	vst v10;
	v8 =	vld.idx.msk [tilespmem:v13+s13+$0x0], $0xffff  }
0x153: {  	v10 =	vld.idx.msk [tilespmem:v15+s13+$0x0], $0xffff;
	[tilespmem:s30+$0x0] =	vst v9;
	v9 =	vor.u32 v2, v14  }
0x154: {  	v15 =	vor.u32 v2, v17;
	v13 =	vld.idx.msk [tilespmem:v18+s13+$0x0], $0xffff  }
0x155: {  	[tilespmem:s30+$0xFFFFFF00] =	vst v11;
	v11 =	vor.u32 v2, v16  }
0x156: {  	v18 =	vld.idx.msk [tilespmem:v19+s13+$0x0], $0xffff  }
0x157: {  	s31 =	simm.s32 $0x4;
	v19 =	vor.u32 v2, v12;
	[tilespmem:s30+$0x90] =	vst v8  }
0x158: {  	v8 =	vmov s31;
	[tilespmem:s30+$0xFFFFFF90] =	vst v10;
	v10 =	vld.idx.msk [tilespmem:v9+s13+$0x0], $0xffff  }
0x159: {  	s1 =	simm.s32 $0x5;
	v8 =	vand.u32 $0x1C, v8;
	v15 =	vld.idx.msk [tilespmem:v15+s13+$0x0], $0xffff;
	[tilespmem:s30+$0x10] =	vst v13;
	v13 =	vor.u32 v3, v14  }
0x15a: {  	v20 =	vor.u32 v3, v17;
	v9 =	vmov s1;
	v8 =	vbroadcast v8, $0x0;
	v11 =	vld.idx.msk [tilespmem:v11+s13+$0x0], $0xffff  }
0x15b: {  	v9 =	vand.u32 $0x1D, v9;
	[tilespmem:s30+$0xFFFFFF10] =	vst v18;
	v18 =	vor.u32 v3, v16  }
0x15c: {  	v9 =	vbroadcast v9, $0x0;
	v19 =	vld.idx.msk [tilespmem:v19+s13+$0x0], $0xffff;
	v21 =	vor.u32 v0, v8  }
0x15d: {  	s16 =	simm.s32 $0x7;
	v22 =	vor.u32 v3, v12;
	[tilespmem:s30+$0xA0] =	vst v10  }
0x15e: {  	s18 =	simm.s32 $0x6;
	v23 =	vor.u32 v0, v9;
	[tilespmem:s30+$0xFFFFFFA0] =	vst v15;
	v10 =	vmov s16;
	v15 =	vld.idx.msk [tilespmem:v13+s13+$0x0], $0xffff  }
0x15f: {  	v25 =	vmov s18;
	v20 =	vld.idx.msk [tilespmem:v20+s13+$0x0], $0xffff;
	[tilespmem:s30+$0x20] =	vst v11;
	v11 =	vor.u32 v4, v14;
	v10 =	vand.u32 $0x1F, v10  }
0x160: {  	v24 =	vor.u32 v4, v17;
	v18 =	vld.idx.msk [tilespmem:v18+s13+$0x0], $0xffff;
	v13 =	vbroadcast v10, $0x0;
	v10 =	vand.u32 $0x1E, v25  }
0x161: {  	[tilespmem:s30+$0xFFFFFF20] =	vst v19;
	v19 =	vor.u32 v4, v16;
	v21 =	vld.idx.msk [tilespmem:v21+s13+$0x0], $0xffff;
	v10 =	vbroadcast v10, $0x0  }
0x162: {  	v22 =	vld.idx.msk [tilespmem:v22+s13+$0x0], $0xffff;
	v25 =	vor.u32 v0, v13  }
0x163: {  	v23 =	vld.idx.msk [tilespmem:v23+s13+$0x0], $0xffff;
	v26 =	vor.u32 v0, v10;
	[tilespmem:s30+$0xB0] =	vst v15  }
0x164: {  	s0 =	simm.s32 $0x8;
	v15 =	vor.u32 v4, v12;
	[tilespmem:s30+$0xFFFFFFB0] =	vst v20;
	v20 =	vld.idx.msk [tilespmem:v11+s13+$0x0], $0xffff  }
0x165: {  	v11 =	vmov s0;
	v24 =	vld.idx.msk [tilespmem:v24+s13+$0x0], $0xffff;
	[tilespmem:s30+$0x30] =	vst v18;
	v18 =	vor.u32 v5, v14  }
0x166: {  	v27 =	vor.u32 v5, v17;
	v11 =	vand.u32 $0x1C, v11;
	v19 =	vld.idx.msk [tilespmem:v19+s13+$0x0], $0xffff  }
0x167: {  	[tilespmem:s30+$0xFFFFFF30] =	vst v22;
	v11 =	vbroadcast v11, $0x0;
	v22 =	vld.idx.msk [tilespmem:v25+s13+$0x0], $0xffff;
	v25 =	vor.u32 v5, v16  }
0x168: {  	v30 =	vor.u32 v1, v13;
	v26 =	vld.idx.msk [tilespmem:v26+s13+$0x0], $0xffff  }
0x169: {  	v28 =	vor.u32 v0, v11;
	v29 =	vld.idx.msk [tilespmem:v15+s13+$0x0], $0xffff;
	[tilespmem:s30+$0xC0] =	vst v20  }
0x16a: {  	v20 =	vor.u32 v1, v9;
	[tilespmem:s30+$0xFFFFFFC0] =	vst v24;
	v18 =	vld.idx.msk [tilespmem:v18+s13+$0x0], $0xffff  }
0x16b: {  	s29 =	simm.s32 $0x8700;
	v24 =	vor.u32 v1, v10;
	v27 =	vld.idx.msk [tilespmem:v27+s13+$0x0], $0xffff;
	[tilespmem:s30+$0x40] =	vst v19  }
0x16c: {  	v19 =	vld.idx.msk [tilespmem:v25+s13+$0x0], $0xffff;
	v25 =	vor.u32 v6, v14;
	[tilespmem:s29+$0x80] =	vst v22  }
0x16d: {  	[tilespmem:s29+$0xFFFFFF80] =	vst v23;
	v23 =	vor.u32 v5, v12;
	v22 =	vld.idx.msk [tilespmem:v30+s13+$0x0], $0xffff  }
0x16e: {  	[tilespmem:s29+$0xFFFFFF00] =	vst v21;
	v15 =	vld.idx.msk [tilespmem:v28+s13+$0x0], $0xffff;
	v28 =	vor.u32 v1, v8  }
0x16f: {  	[tilespmem:s29+$0x0] =	vst v26;
	v26 =	vor.u32 v6, v17;
	v20 =	vld.idx.msk [tilespmem:v20+s13+$0x0], $0xffff  }
0x170: {  	v30 =	vor.u32 v2, v13;
	v24 =	vld.idx.msk [tilespmem:v24+s13+$0x0], $0xffff;
	[tilespmem:s30+$0xD0] =	vst v18  }
0x171: {  	v21 =	vor.u32 v2, v9;
	[tilespmem:s30+$0xFFFFFF40] =	vst v29;
	v25 =	vld.idx.msk [tilespmem:v25+s13+$0x0], $0xffff  }
0x172: {  	v14 =	vor.u32 v7, v14;
	v23 =	vld.idx.msk [tilespmem:v23+s13+$0x0], $0xffff;
	[tilespmem:s30+$0xFFFFFFD0] =	vst v27  }
0x173: {  	v31 =	vor.u32 v2, v10;
	[tilespmem:s29+$0x90] =	vst v22;
	v28 =	vld.idx.msk [tilespmem:v28+s13+$0x0], $0xffff  }
0x174: {  	v32 =	vor.u32 v6, v12;
	v18 =	vld.idx.msk [tilespmem:v26+s13+$0x0], $0xffff;
	[tilespmem:s29+$0xFFFFFF90] =	vst v20  }
0x175: {  	s31 =	simm.s32 $0x9;
	v27 =	vor.u32 v2, v8;
	v20 =	vld.idx.msk [tilespmem:v30+s13+$0x0], $0xffff;
	[tilespmem:s29+$0x10] =	vst v24  }
0x176: {  	v22 =	vor.u32 v6, v16;
	v30 =	vld.idx.msk [tilespmem:v21+s13+$0x0], $0xffff;
	v21 =	vmov s31;
	[tilespmem:s30+$0xE0] =	vst v25  }
0x177: {  	v33 =	vor.u32 v3, v13;
	[tilespmem:s30+$0xFFFFFF50] =	vst v23;
	v26 =	vld.idx.msk [tilespmem:v14+s13+$0x0], $0xffff;
	v14 =	vand.u32 $0x1D, v21  }
0x178: {  	v31 =	vld.idx.msk [tilespmem:v31+s13+$0x0], $0xffff;
	[tilespmem:s29+$0xFFFFFF10] =	vst v28;
	v28 =	vor.u32 v3, v9;
	v14 =	vbroadcast v14, $0x0  }
0x179: {  	v29 =	vor.u32 v3, v10;
	[tilespmem:s30+$0x50] =	vst v19;
	v19 =	vld.idx.msk [tilespmem:v32+s13+$0x0], $0xffff  }
0x17a: {  	v24 =	vld.idx.msk [tilespmem:v27+s13+$0x0], $0xffff;
	[tilespmem:s29+$0xA0] =	vst v20;
	v20 =	vor.u32 v0, v14  }
0x17b: {  	v21 =	vld.idx.msk [tilespmem:v22+s13+$0x0], $0xffff;
	v27 =	vor.u32 v3, v8  }
0x17c: {  	v25 =	vor.u32 v7, v17;
	[tilespmem:s29+$0xFFFFFFA0] =	vst v30;
	v22 =	vld.idx.msk [tilespmem:v33+s13+$0x0], $0xffff  }
0x17d: {  	s1 =	simm.s32 $0xC;
	s16 =	simm.s32 $0xB;
	[tilespmem:s29+$0x20] =	vst v31;
	v23 =	vld.idx.msk [tilespmem:v28+s13+$0x0], $0xffff;
	v28 =	vor.u32 v7, v16  }
.LBB2_7:
0x17e: {  	p0 =	slt.u32 s1, $0x1C;
	v16 =	vmov s16;
	v17 =	vld.idx.msk [tilespmem:v29+s13+$0x0], $0xffff;
	v29 =	vor.u32 v4, v13;
	[tilespmem:s30+$0xF0] =	vst v26  }
0x17f: {  	s16 =	sadd.s32 $0x2, s0;
	s0 =	smov.u32 s1;
	v20 =	vld.idx.msk [tilespmem:v20+s13+$0x0], $0xffff;
	v16 =	vand.u32 $0x1F, v16;
	[tilespmem:s29+$0xFFFFFF20] =	vst v24;
	v24 =	vor.u32 v4, v9  }
0x180: {  	v30 =	vor.u32 v4, v10;
	v26 =	vmov s16;
	v16 =	vbroadcast v16, $0x0;
	v27 =	vld.idx.msk [tilespmem:v27+s13+$0x0], $0xffff;
	[tilespmem:s30+$0xFFFFFFE0] =	vst v18  }
0x181: {  	v18 =	vand.u32 $0x1E, v26;
	v26 =	vor.u32 v7, v12;
	v12 =	vmovc v8;
	v8 =	vmov v11;
	v25 =	vld.idx.msk [tilespmem:v25+s13+$0x0], $0xffff;
	[tilespmem:s30+$0x60] =	vst v21  }
0x182: {  	v31 =	vbroadcast v18, $0x0;
	v18 =	vor.u32 v0, v16;
	[tilespmem:s29+$0xB0] =	vst v22;
	v21 =	vld.idx.msk [tilespmem:v28+s13+$0x0], $0xffff  }
0x183: {  	v22 =	vor.u32 v4, v12;
	[tilespmem:s29+$0xFFFFFFB0] =	vst v23;
	v23 =	vld.idx.msk [tilespmem:v29+s13+$0x0], $0xffff  }
0x184: {  	v11 =	vmov s1;
	v28 =	vor.u32 v0, v31;
	v24 =	vld.idx.msk [tilespmem:v24+s13+$0x0], $0xffff;
	[tilespmem:s29+$0x30] =	vst v17  }
0x185: {  	v11 =	vand.u32 $0x1C, v11;
	v29 =	vor.u32 v5, v13;
	v17 =	vld.idx.msk [tilespmem:v30+s13+$0x0], $0xffff;
	[tilespmem:s30+$0xFFFFFF60] =	vst v19  }
0x186: {  	v11 =	vbroadcast v11, $0x0;
	v19 =	vor.u32 v5, v9;
	[tilespmem:s29+$0xFFFFFF30] =	vst v27;
	v26 =	vld.idx.msk [tilespmem:v26+s13+$0x0], $0xffff  }
0x187: {  	v27 =	vor.u32 v5, v10;
	v18 =	vld.idx.msk [tilespmem:v18+s13+$0x0], $0xffff;
	[tilespmem:s30+$0xFFFFFFF0] =	vst v25  }
0x188: {  	v25 =	vor.u32 v0, v11;
	v22 =	vld.idx.msk [tilespmem:v22+s13+$0x0], $0xffff;
	[tilespmem:s30+$0x70] =	vst v21  }
0x189: {  	v21 =	vld.idx.msk [tilespmem:v28+s13+$0x0], $0xffff;
	v28 =	vor.u32 v1, v16;
	[tilespmem:s29+$0xC0] =	vst v23  }
0x18a: {  	v23 =	vor.u32 v1, v14;
	[tilespmem:s29+$0xFFFFFFC0] =	vst v24;
	v24 =	vld.idx.msk [tilespmem:v29+s13+$0x0], $0xffff  }
0x18b: {  	v29 =	vor.u32 v1, v31;
	v19 =	vld.idx.msk [tilespmem:v19+s13+$0x0], $0xffff;
	[tilespmem:s29+$0x40] =	vst v17  }
0x18c: {  	v17 =	vld.idx.msk [tilespmem:v27+s13+$0x0], $0xffff;
	v27 =	vor.u32 v6, v13;
	[tilespmem:s30+$0xFFFFFF70] =	vst v26;
	s30 =	smov.u32 s29;
	s29 =	sadd.s32 $0x200, s29  }
0x18d: {  	v26 =	vor.u32 v1, v8;
	v25 =	vld.idx.msk [tilespmem:v25+s13+$0x0], $0xffff;
	[tilespmem:s29+$0x80] =	vst v18  }
0x18e: {  	[tilespmem:s29+$0xFFFFFF80] =	vst v20;
	v18 =	vld.idx.msk [tilespmem:v28+s13+$0x0], $0xffff;
	v20 =	vor.u32 v5, v12  }
0x18f: {  	v23 =	vld.idx.msk [tilespmem:v23+s13+$0x0], $0xffff;
	[tilespmem:s29+$0x0] =	vst v21;
	v21 =	vor.u32 v6, v9  }
0x190: {  	v28 =	vld.idx.msk [tilespmem:v29+s13+$0x0], $0xffff;
	v29 =	vor.u32 v2, v16;
	[tilespmem:s30+$0xD0] =	vst v24  }
0x191: {  	v24 =	vor.u32 v2, v14;
	[tilespmem:s29+$0xFFFFFF00] =	vst v15;
	v27 =	vld.idx.msk [tilespmem:v27+s13+$0x0], $0xffff  }
0x192: {  	v30 =	vor.u32 v2, v31;
	v26 =	vld.idx.msk [tilespmem:v26+s13+$0x0], $0xffff;
	[tilespmem:s30+$0xFFFFFF40] =	vst v22  }
0x193: {  	v15 =	vmov v25;
	v22 =	vld.idx.msk [tilespmem:v20+s13+$0x0], $0xffff;
	[tilespmem:s30+$0xFFFFFFD0] =	vst v19;
	v19 =	vor.u32 v7, v13;
	v13 =	vmov v16  }
0x194: {  	v16 =	vor.u32 v2, v8;
	[tilespmem:s29+$0x90] =	vst v18;
	v18 =	vld.idx.msk [tilespmem:v21+s13+$0x0], $0xffff  }
0x195: {  	s16 =	sadd.s32 $0x1, s1;
	v21 =	vor.u32 v6, v10;
	[tilespmem:s29+$0xFFFFFF90] =	vst v23;
	v23 =	vld.idx.msk [tilespmem:v29+s13+$0x0], $0xffff  }
0x196: {  	v20 =	vmov s16;
	v25 =	vld.idx.msk [tilespmem:v24+s13+$0x0], $0xffff;
	[tilespmem:s29+$0x10] =	vst v28;
	v28 =	vor.u32 v6, v12  }
0x197: {  	v20 =	vand.u32 $0x1D, v20;
	v32 =	vor.u32 v3, v13;
	v30 =	vld.idx.msk [tilespmem:v30+s13+$0x0], $0xffff;
	[tilespmem:s30+$0xE0] =	vst v27  }
0x198: {  	v34 =	vor.u32 v3, v14;
	v33 =	vbroadcast v20, $0x0;
	[tilespmem:s29+$0xFFFFFF10] =	vst v26;
	v26 =	vld.idx.msk [tilespmem:v19+s13+$0x0], $0xffff  }
.Ltmp2:
0x199: {  	v29 =	vor.u32 v3, v31;
	v24 =	vld.idx.msk [tilespmem:v16+s13+$0x0], $0xffff;
	[tilespmem:s30+$0x50] =	vst v17;
	(pc) =	sbr.rel @p0 .LBB2_7-.Ltmp2, $4  }
0x19a: {  	v20 =	vor.u32 v0, v33;
	[tilespmem:s30+$0xFFFFFF50] =	vst v22;
	v21 =	vld.idx.msk [tilespmem:v21+s13+$0x0], $0xffff  }
0x19b: {  	v27 =	vor.u32 v3, v8;
	[tilespmem:s29+$0xA0] =	vst v23;
	v19 =	vld.idx.msk [tilespmem:v28+s13+$0x0], $0xffff  }
0x19c: {  	[tilespmem:s29+$0xFFFFFFA0] =	vst v25;
	v22 =	vld.idx.msk [tilespmem:v32+s13+$0x0], $0xffff;
	v25 =	vor.u32 v7, v9;
	v9 =	vmov v14;
	v14 =	vmov v33  }
0x19d: {  	s1 =	sadd.s32 $0x4, s1;
	s16 =	sadd.s32 $0x3, s0;
	v28 =	vor.u32 v7, v10;
	v10 =	vmov v31;
	v23 =	vld.idx.msk [tilespmem:v34+s13+$0x0], $0xffff;
	[tilespmem:s29+$0x20] =	vst v30  }
0x19e: {  	_ =	sdelay $0x2  }
0x19f: {  	v16 =	vmov s16;
	[tilespmem:s30+$0xF0] =	vst v26  }
0x1a0: {  	v26 =	vld.idx.msk [tilespmem:v29+s13+$0x0], $0xffff;
	v29 =	vor.u32 v4, v13;
	s0 =	sadd.s32 $0x2, s0;
	[tilespmem:s29+$0xFFFFFF20] =	vst v24;
	v16 =	vand.u32 $0x1F, v16  }
0x1a1: {  	v24 =	vor.u32 v4, v9;
	[tilespmem:s30+$0xFFFFFFE0] =	vst v18;
	v30 =	vmov s0;
	v17 =	vbroadcast v16, $0x0  }
0x1a2: {  	v18 =	vld.idx.msk [tilespmem:v27+s13+$0x0], $0xffff;
	v27 =	vor.u32 v4, v10;
	[tilespmem:s30+$0x60] =	vst v21;
	v16 =	vand.u32 $0x1E, v30  }
0x1a3: {  	v21 =	vld.idx.msk [tilespmem:v25+s13+$0x0], $0xffff;
	[tilespmem:s30+$0xFFFFFF60] =	vst v19;
	v16 =	vbroadcast v16, $0x0;
	v25 =	vor.u32 v0, v17  }
0x1a4: {  	[tilespmem:s29+$0xB0] =	vst v22;
	v22 =	vld.idx.msk [tilespmem:v28+s13+$0x0], $0xffff  }
0x1a5: {  	[tilespmem:s29+$0xFFFFFFB0] =	vst v23;
	v23 =	vld.idx.msk [tilespmem:v29+s13+$0x0], $0xffff;
	v28 =	vor.u32 v0, v16  }
0x1a6: {  	[tilespmem:s29+$0x30] =	vst v26;
	v24 =	vld.idx.msk [tilespmem:v24+s13+$0x0], $0xffff  }
0x1a7: {  	v12 =	vor.u32 v7, v12;
	v19 =	vld.idx.msk [tilespmem:v27+s13+$0x0], $0xffff;
	[tilespmem:s29+$0xFFFFFF30] =	vst v18  }
0x1a8: {  	v18 =	vor.u32 v5, v13;
	[tilespmem:s30+$0xFFFFFFF0] =	vst v21;
	v25 =	vld.idx.msk [tilespmem:v25+s13+$0x0], $0xffff  }
0x1a9: {  	v20 =	vld.idx.msk [tilespmem:v20+s13+$0x0], $0xffff;
	v21 =	vor.u32 v1, v17;
	[tilespmem:s30+$0x70] =	vst v22  }
0x1aa: {  	v22 =	vld.idx.msk [tilespmem:v28+s13+$0x0], $0xffff;
	[tilespmem:s29+$0xC0] =	vst v23;
	v23 =	vor.u32 v1, v14  }
0x1ab: {  	[tilespmem:s29+$0xFFFFFFC0] =	vst v24;
	v24 =	vor.u32 v1, v16  }
0x1ac: {  	s16 =	sadd.s32 $0x200, s29;
	v12 =	vld.idx.msk [tilespmem:v12+s13+$0x0], $0xffff;
	[tilespmem:s29+$0x40] =	vst v19;
	v19 =	vor.u32 v1, v11  }
0x1ad: {  	v26 =	vor.u32 v4, v8;
	v18 =	vld.idx.msk [tilespmem:v18+s13+$0x0], $0xffff;
	[tilespmem:s16+$0x80] =	vst v25  }
0x1ae: {  	[tilespmem:s16+$0xFFFFFF80] =	vst v20;
	v25 =	vor.u32 v5, v9;
	v20 =	vld.idx.msk [tilespmem:v21+s13+$0x0], $0xffff  }
0x1af: {  	v21 =	vld.idx.msk [tilespmem:v23+s13+$0x0], $0xffff;
	[tilespmem:s16+$0x0] =	vst v22;
	v22 =	vor.u32 v2, v17  }
0x1b0: {  	[tilespmem:s16+$0xFFFFFF00] =	vst v15;
	v15 =	vor.u32 v2, v14;
	v23 =	vld.idx.msk [tilespmem:v24+s13+$0x0], $0xffff  }
0x1b1: {  	[tilespmem:s30+$0xFFFFFF70] =	vst v12;
	v12 =	vld.idx.msk [tilespmem:v19+s13+$0x0], $0xffff;
	v19 =	vor.u32 v2, v16  }
0x1b2: {  	v24 =	vld.idx.msk [tilespmem:v26+s13+$0x0], $0xffff;
	[tilespmem:s29+$0xD0] =	vst v18;
	v18 =	vor.u32 v2, v11  }
0x1b3: {  	v26 =	vor.u32 v6, v13;
	v25 =	vld.idx.msk [tilespmem:v25+s13+$0x0], $0xffff;
	[tilespmem:s16+$0x90] =	vst v20  }
0x1b4: {  	v20 =	vor.u32 v5, v10;
	[tilespmem:s16+$0xFFFFFF90] =	vst v21;
	v21 =	vld.idx.msk [tilespmem:v22+s13+$0x0], $0xffff  }
0x1b5: {  	v15 =	vld.idx.msk [tilespmem:v15+s13+$0x0], $0xffff;
	[tilespmem:s16+$0x10] =	vst v23;
	v22 =	vor.u32 v3, v17  }
0x1b6: {  	[tilespmem:s16+$0xFFFFFF10] =	vst v12;
	v12 =	vor.u32 v3, v14;
	v19 =	vld.idx.msk [tilespmem:v19+s13+$0x0], $0xffff  }
0x1b7: {  	[tilespmem:s29+$0xFFFFFF40] =	vst v24;
	v23 =	vor.u32 v3, v16;
	v18 =	vld.idx.msk [tilespmem:v18+s13+$0x0], $0xffff  }
0x1b8: {  	v24 =	vld.idx.msk [tilespmem:v26+s13+$0x0], $0xffff;
	[tilespmem:s29+$0xFFFFFFD0] =	vst v25;
	v25 =	vor.u32 v3, v11  }
0x1b9: {  	v26 =	vor.u32 v5, v8;
	v20 =	vld.idx.msk [tilespmem:v20+s13+$0x0], $0xffff;
	[tilespmem:s16+$0xA0] =	vst v21  }
0x1ba: {  	v13 =	vor.u32 v7, v13;
	[tilespmem:s16+$0xFFFFFFA0] =	vst v15;
	v15 =	vld.idx.msk [tilespmem:v22+s13+$0x0], $0xffff  }
0x1bb: {  	v12 =	vld.idx.msk [tilespmem:v12+s13+$0x0], $0xffff;
	[tilespmem:s16+$0x20] =	vst v19;
	v19 =	vor.u32 v4, v17  }
0x1bc: {  	[tilespmem:s16+$0xFFFFFF20] =	vst v18;
	v18 =	vor.u32 v4, v14;
	v21 =	vld.idx.msk [tilespmem:v23+s13+$0x0], $0xffff  }
0x1bd: {  	[tilespmem:s29+$0xE0] =	vst v24;
	v23 =	vor.u32 v4, v16;
	v22 =	vld.idx.msk [tilespmem:v25+s13+$0x0], $0xffff  }
0x1be: {  	v24 =	vld.idx.msk [tilespmem:v26+s13+$0x0], $0xffff;
	[tilespmem:s29+$0x50] =	vst v20;
	v20 =	vor.u32 v4, v11  }
0x1bf: {  	v13 =	vld.idx.msk [tilespmem:v13+s13+$0x0], $0xffff;
	v25 =	vor.u32 v6, v9;
	[tilespmem:s16+$0xB0] =	vst v15  }
0x1c0: {  	v15 =	vor.u32 v6, v10;
	[tilespmem:s16+$0xFFFFFFB0] =	vst v12;
	v12 =	vld.idx.msk [tilespmem:v19+s13+$0x0], $0xffff  }
0x1c1: {  	v18 =	vld.idx.msk [tilespmem:v18+s13+$0x0], $0xffff;
	[tilespmem:s16+$0x30] =	vst v21;
	v19 =	vor.u32 v5, v17  }
0x1c2: {  	v21 =	vld.idx.msk [tilespmem:v23+s13+$0x0], $0xffff;
	[tilespmem:s16+$0xFFFFFF30] =	vst v22;
	v22 =	vor.u32 v5, v14  }
0x1c3: {  	[tilespmem:s29+$0xFFFFFF50] =	vst v24;
	v23 =	vor.u32 v5, v16;
	v20 =	vld.idx.msk [tilespmem:v20+s13+$0x0], $0xffff  }
0x1c4: {  	[tilespmem:s29+$0xF0] =	vst v13;
	v13 =	vor.u32 v5, v11;
	v24 =	vld.idx.msk [tilespmem:v25+s13+$0x0], $0xffff  }
0x1c5: {  	v25 =	vor.u32 v6, v8;
	v15 =	vld.idx.msk [tilespmem:v15+s13+$0x0], $0xffff;
	[tilespmem:s16+$0xC0] =	vst v12  }
0x1c6: {  	v9 =	vor.u32 v7, v9;
	[tilespmem:s16+$0xFFFFFFC0] =	vst v18;
	v12 =	vld.idx.msk [tilespmem:v19+s13+$0x0], $0xffff  }
0x1c7: {  	v18 =	vld.idx.msk [tilespmem:v22+s13+$0x0], $0xffff;
	[tilespmem:s16+$0x40] =	vst v21;
	v19 =	vor.u32 v6, v17  }
0x1c8: {  	v22 =	vor.u32 v6, v14;
	v21 =	vld.idx.msk [tilespmem:v23+s13+$0x0], $0xffff;
	[tilespmem:s16+$0xFFFFFF40] =	vst v20  }
0x1c9: {  	[tilespmem:s29+$0xFFFFFFE0] =	vst v24;
	v20 =	vor.u32 v6, v16;
	v13 =	vld.idx.msk [tilespmem:v13+s13+$0x0], $0xffff  }
0x1ca: {  	v23 =	vld.idx.msk [tilespmem:v25+s13+$0x0], $0xffff;
	[tilespmem:s29+$0x60] =	vst v15;
	v15 =	vor.u32 v6, v11  }
0x1cb: {  	v10 =	vor.u32 v7, v10;
	v9 =	vld.idx.msk [tilespmem:v9+s13+$0x0], $0xffff;
	[tilespmem:s16+$0xD0] =	vst v12  }
0x1cc: {  	v8 =	vor.u32 v7, v8;
	[tilespmem:s16+$0xFFFFFFD0] =	vst v18;
	v12 =	vld.idx.msk [tilespmem:v19+s13+$0x0], $0xffff  }
0x1cd: {  	v17 =	vor.u32 v7, v17;
	v18 =	vld.idx.msk [tilespmem:v22+s13+$0x0], $0xffff;
	[tilespmem:s16+$0x50] =	vst v21  }
0x1ce: {  	v14 =	vor.u32 v7, v14;
	[tilespmem:s16+$0xFFFFFF50] =	vst v13;
	v13 =	vld.idx.msk [tilespmem:v20+s13+$0x0], $0xffff  }
0x1cf: {  	v16 =	vor.u32 v7, v16;
	[tilespmem:s29+$0xFFFFFF60] =	vst v23;
	v15 =	vld.idx.msk [tilespmem:v15+s13+$0x0], $0xffff  }
0x1d0: {  	v10 =	vld.idx.msk [tilespmem:v10+s13+$0x0], $0xffff;
	[tilespmem:s29+$0xFFFFFFF0] =	vst v9;
	v9 =	vor.u32 v7, v11  }
0x1d1: {  	v8 =	vld.idx.msk [tilespmem:v8+s13+$0x0], $0xffff;
	[tilespmem:s16+$0xE0] =	vst v12  }
0x1d2: {  	[tilespmem:s16+$0xFFFFFFE0] =	vst v18;
	v11 =	vld.idx.msk [tilespmem:v17+s13+$0x0], $0xffff  }
0x1d3: {  	v12 =	vld.idx.msk [tilespmem:v14+s13+$0x0], $0xffff;
	[tilespmem:s16+$0x60] =	vst v13  }
0x1d4: {  	v13 =	vld.idx.msk [tilespmem:v16+s13+$0x0], $0xffff;
	[tilespmem:s16+$0xFFFFFF60] =	vst v15  }
0x1d5: {  	[tilespmem:s29+$0x70] =	vst v10;
	v9 =	vld.idx.msk [tilespmem:v9+s13+$0x0], $0xffff  }
0x1d6: {  	[tilespmem:s29+$0xFFFFFF70] =	vst v8  }
0x1d7: {  	[tilespmem:s16+$0xF0] =	vst v11  }
0x1d8: {  	s1 =	sshll.u32 s28, $0x8;
	[tilespmem:s16+$0xFFFFFFF0] =	vst v12  }
0x1d9: {  	s29 =	sand.u32 $0x3FFFFF00, s1;
	[tilespmem:s16+$0x70] =	vst v13  }
0x1da: {  	s1 =	simm.s32 $0x3;
	s18 =	sadd.s32 $0x200, s29;
	[tilespmem:s16+$0xFFFFFF70] =	vst v9;
	s16 =	simm.s32 $0x1  }
0x1db: {  	v8 =	vmov s1;
	[tilespmem:s13], [sflag:$0x1] =	stream.indirect.gather [hbm4b:s4+s10], $0x20, s18, s10, $0xb8;
	[tilespmem:$0xA400] =	vst v63  }
0x1dc: {  	v8 =	vand.u32 $0x1F, v8;
	v9 =	vmov s16;
	s18 =	simm.s32 $0x2  }
0x1dd: {  	s30 =	sshll.u32 s28, $0xF;
	v14 =	vbroadcast v8, $0x0;
	_ =	swait.ge [sflag:s21], $0x1000;
	v9 =	vand.u32 $0x1D, v9;
	v10 =	vmov s18  }
0x1de: {  	s1 =	sadd.s32 s30, s7;
	s16 =	simm.s32 $0x0;
	[sflag:s21] =	ssyncset.done $0x0;
	v16 =	vbroadcast v9, $0x0;
	v8 =	vand.u32 $0x1E, v10  }
0x1df: {  	s0 =	sadd.s32 s3, s1;
	v9 =	vmov s16;
	[sflag:s21] =	ssyncadd.s32 $0xFFFFF000;
	v17 =	vbroadcast v8, $0x0;
	v8 =	vor.u32 v0, v14  }
0x1e0: {  	v9 =	vand.u32 $0x1C, v9;
	[hbm4b:s0+s10] =	stream.strided.scatter [tilespmem:s17], [sflag:$0x2], $0x1000, s11, s10, $0x38;
	v10 =	vor.u32 v0, v16;
	[tilespmem:$0xA400] =	vst v63  }
0x1e1: {  	v12 =	vbroadcast v9, $0x0;
	_ =	swait.ge [sflag:s15], $0x1000;
	v9 =	vor.u32 v0, v17  }
0x1e2: {  	[sflag:s15] =	ssyncset.done $0x0  }
0x1e3: {  	v11 =	vor.u32 v0, v12;
	[sflag:s15] =	ssyncadd.s32 $0xFFFFF000  }
0x1e4: {  	v8 =	vld.idx.msk [tilespmem:v8+s14+$0x0], $0xffff  }
0x1e5: {  	v13 =	vor.u32 v1, v14;
	v10 =	vld.idx.msk [tilespmem:v10+s14+$0x0], $0xffff  }
0x1e6: {  	v15 =	vor.u32 v1, v16;
	v9 =	vld.idx.msk [tilespmem:v9+s14+$0x0], $0xffff  }
0x1e7: {  	v18 =	vor.u32 v1, v17  }
0x1e8: {  	s0 =	simm.s32 $0x9500;
	v11 =	vld.idx.msk [tilespmem:v11+s14+$0x0], $0xffff  }
0x1e9: {  	v19 =	vor.u32 v1, v12;
	[tilespmem:s0+$0x80] =	vst v8  }
0x1ea: {  	[tilespmem:s0+$0xFFFFFF80] =	vst v10;
	v8 =	vld.idx.msk [tilespmem:v13+s14+$0x0], $0xffff  }
0x1eb: {  	v10 =	vld.idx.msk [tilespmem:v15+s14+$0x0], $0xffff;
	[tilespmem:s0+$0x0] =	vst v9;
	v9 =	vor.u32 v2, v14  }
0x1ec: {  	v15 =	vor.u32 v2, v16;
	v13 =	vld.idx.msk [tilespmem:v18+s14+$0x0], $0xffff  }
0x1ed: {  	[tilespmem:s0+$0xFFFFFF00] =	vst v11;
	v11 =	vor.u32 v2, v17  }
0x1ee: {  	v18 =	vld.idx.msk [tilespmem:v19+s14+$0x0], $0xffff  }
0x1ef: {  	s18 =	simm.s32 $0x4;
	v19 =	vor.u32 v2, v12;
	[tilespmem:s0+$0x90] =	vst v8  }
0x1f0: {  	v8 =	vmov s18;
	[tilespmem:s0+$0xFFFFFF90] =	vst v10;
	v10 =	vld.idx.msk [tilespmem:v9+s14+$0x0], $0xffff  }
0x1f1: {  	s16 =	simm.s32 $0x5;
	v8 =	vand.u32 $0x1C, v8;
	v15 =	vld.idx.msk [tilespmem:v15+s14+$0x0], $0xffff;
	[tilespmem:s0+$0x10] =	vst v13;
	v13 =	vor.u32 v3, v14  }
0x1f2: {  	v20 =	vor.u32 v3, v16;
	v9 =	vmov s16;
	v8 =	vbroadcast v8, $0x0;
	v11 =	vld.idx.msk [tilespmem:v11+s14+$0x0], $0xffff  }
0x1f3: {  	v9 =	vand.u32 $0x1D, v9;
	[tilespmem:s0+$0xFFFFFF10] =	vst v18;
	v18 =	vor.u32 v3, v17  }
0x1f4: {  	v9 =	vbroadcast v9, $0x0;
	v21 =	vor.u32 v0, v8;
	v19 =	vld.idx.msk [tilespmem:v19+s14+$0x0], $0xffff  }
0x1f5: {  	v22 =	vor.u32 v3, v12;
	s18 =	simm.s32 $0x7;
	[tilespmem:s0+$0xA0] =	vst v10  }
0x1f6: {  	s16 =	simm.s32 $0x6;
	v23 =	vor.u32 v0, v9;
	v10 =	vmov s18;
	[tilespmem:s0+$0xFFFFFFA0] =	vst v15;
	v15 =	vld.idx.msk [tilespmem:v13+s14+$0x0], $0xffff  }
0x1f7: {  	v25 =	vmov s16;
	v10 =	vand.u32 $0x1F, v10;
	v20 =	vld.idx.msk [tilespmem:v20+s14+$0x0], $0xffff;
	[tilespmem:s0+$0x20] =	vst v11;
	v11 =	vor.u32 v4, v14  }
0x1f8: {  	v24 =	vor.u32 v4, v16;
	v13 =	vbroadcast v10, $0x0;
	v10 =	vand.u32 $0x1E, v25;
	v18 =	vld.idx.msk [tilespmem:v18+s14+$0x0], $0xffff  }
0x1f9: {  	v21 =	vld.idx.msk [tilespmem:v21+s14+$0x0], $0xffff;
	[tilespmem:s0+$0xFFFFFF20] =	vst v19;
	v19 =	vor.u32 v4, v17;
	v10 =	vbroadcast v10, $0x0  }
0x1fa: {  	v22 =	vld.idx.msk [tilespmem:v22+s14+$0x0], $0xffff;
	v25 =	vor.u32 v0, v13  }
0x1fb: {  	v23 =	vld.idx.msk [tilespmem:v23+s14+$0x0], $0xffff;
	v26 =	vor.u32 v0, v10;
	[tilespmem:s0+$0xB0] =	vst v15  }
0x1fc: {  	s1 =	simm.s32 $0x8;
	v15 =	vor.u32 v4, v12;
	[tilespmem:s0+$0xFFFFFFB0] =	vst v20;
	v20 =	vld.idx.msk [tilespmem:v11+s14+$0x0], $0xffff  }
0x1fd: {  	v11 =	vmov s1;
	v24 =	vld.idx.msk [tilespmem:v24+s14+$0x0], $0xffff;
	[tilespmem:s0+$0x30] =	vst v18;
	v18 =	vor.u32 v5, v14  }
0x1fe: {  	v27 =	vor.u32 v5, v16;
	v11 =	vand.u32 $0x1C, v11;
	v19 =	vld.idx.msk [tilespmem:v19+s14+$0x0], $0xffff  }
0x1ff: {  	s31 =	simm.s32 $0x9700;
	v11 =	vbroadcast v11, $0x0;
	[tilespmem:s0+$0xFFFFFF30] =	vst v22;
	v22 =	vld.idx.msk [tilespmem:v25+s14+$0x0], $0xffff;
	v25 =	vor.u32 v5, v17  }
0x200: {  	v30 =	vor.u32 v1, v13;
	[tilespmem:s31+$0xFFFFFF80] =	vst v23;
	v26 =	vld.idx.msk [tilespmem:v26+s14+$0x0], $0xffff  }
0x201: {  	v28 =	vor.u32 v0, v11;
	v29 =	vld.idx.msk [tilespmem:v15+s14+$0x0], $0xffff;
	[tilespmem:s0+$0xC0] =	vst v20  }
0x202: {  	v20 =	vor.u32 v1, v9;
	[tilespmem:s0+$0xFFFFFFC0] =	vst v24;
	v18 =	vld.idx.msk [tilespmem:v18+s14+$0x0], $0xffff  }
0x203: {  	v23 =	vor.u32 v5, v12;
	v27 =	vld.idx.msk [tilespmem:v27+s14+$0x0], $0xffff;
	[tilespmem:s0+$0x40] =	vst v19  }
0x204: {  	v24 =	vor.u32 v1, v10;
	[tilespmem:s31+$0x80] =	vst v22;
	v19 =	vld.idx.msk [tilespmem:v25+s14+$0x0], $0xffff  }
0x205: {  	v25 =	vor.u32 v6, v14;
	v22 =	vld.idx.msk [tilespmem:v30+s14+$0x0], $0xffff  }
0x206: {  	[tilespmem:s31+$0x0] =	vst v26;
	v26 =	vor.u32 v6, v16;
	v15 =	vld.idx.msk [tilespmem:v28+s14+$0x0], $0xffff  }
0x207: {  	v28 =	vor.u32 v1, v8;
	[tilespmem:s0+$0xFFFFFF40] =	vst v29;
	v20 =	vld.idx.msk [tilespmem:v20+s14+$0x0], $0xffff  }
0x208: {  	[tilespmem:s31+$0xFFFFFF00] =	vst v21;
	v30 =	vor.u32 v2, v13;
	v23 =	vld.idx.msk [tilespmem:v23+s14+$0x0], $0xffff  }
0x209: {  	v21 =	vor.u32 v2, v9;
	v24 =	vld.idx.msk [tilespmem:v24+s14+$0x0], $0xffff;
	[tilespmem:s0+$0xD0] =	vst v18  }
0x20a: {  	v31 =	vor.u32 v2, v10;
	[tilespmem:s0+$0xFFFFFFD0] =	vst v27;
	v25 =	vld.idx.msk [tilespmem:v25+s14+$0x0], $0xffff  }
0x20b: {  	v14 =	vor.u32 v7, v14;
	v18 =	vld.idx.msk [tilespmem:v26+s14+$0x0], $0xffff  }
0x20c: {  	[tilespmem:s31+$0x90] =	vst v22;
	v28 =	vld.idx.msk [tilespmem:v28+s14+$0x0], $0xffff  }
0x20d: {  	v26 =	vor.u32 v6, v12;
	[tilespmem:s31+$0xFFFFFF90] =	vst v20;
	v20 =	vld.idx.msk [tilespmem:v30+s14+$0x0], $0xffff  }
0x20e: {  	s18 =	simm.s32 $0x9;
	v27 =	vor.u32 v2, v8;
	v29 =	vld.idx.msk [tilespmem:v21+s14+$0x0], $0xffff;
	[tilespmem:s31+$0x10] =	vst v24  }
0x20f: {  	v22 =	vor.u32 v6, v17;
	v21 =	vmov s18;
	v30 =	vld.idx.msk [tilespmem:v31+s14+$0x0], $0xffff;
	[tilespmem:s0+$0xE0] =	vst v25  }
0x210: {  	[tilespmem:s0+$0x50] =	vst v19;
	v31 =	vor.u32 v3, v13;
	v25 =	vld.idx.msk [tilespmem:v14+s14+$0x0], $0xffff;
	v14 =	vand.u32 $0x1D, v21  }
0x211: {  	v32 =	vor.u32 v3, v9;
	[tilespmem:s0+$0xFFFFFF50] =	vst v23;
	v14 =	vbroadcast v14, $0x0  }
0x212: {  	v19 =	vld.idx.msk [tilespmem:v26+s14+$0x0], $0xffff;
	[tilespmem:s31+$0xFFFFFF10] =	vst v28;
	v28 =	vor.u32 v3, v10  }
0x213: {  	v24 =	vld.idx.msk [tilespmem:v27+s14+$0x0], $0xffff;
	[tilespmem:s31+$0xA0] =	vst v20;
	v20 =	vor.u32 v0, v14  }
0x214: {  	v26 =	vor.u32 v3, v8;
	v21 =	vld.idx.msk [tilespmem:v22+s14+$0x0], $0xffff  }
0x215: {  	v16 =	vor.u32 v7, v16;
	[tilespmem:s31+$0xFFFFFFA0] =	vst v29;
	v22 =	vld.idx.msk [tilespmem:v31+s14+$0x0], $0xffff  }
0x216: {  	s16 =	simm.s32 $0xC;
	s18 =	simm.s32 $0xB;
	v27 =	vor.u32 v7, v17;
	v23 =	vld.idx.msk [tilespmem:v32+s14+$0x0], $0xffff;
	[tilespmem:s31+$0x20] =	vst v30  }
.LBB2_9:
0x217: {  	p0 =	slt.u32 s16, $0x1C;
	v17 =	vmov s18;
	v28 =	vld.idx.msk [tilespmem:v28+s14+$0x0], $0xffff;
	v29 =	vor.u32 v4, v13;
	[tilespmem:s0+$0xF0] =	vst v25  }
0x218: {  	s18 =	sadd.s32 $0x2, s1;
	s1 =	smov.u32 s16;
	v20 =	vld.idx.msk [tilespmem:v20+s14+$0x0], $0xffff;
	v17 =	vand.u32 $0x1F, v17;
	[tilespmem:s31+$0xFFFFFF20] =	vst v24;
	v24 =	vor.u32 v4, v9  }
0x219: {  	v30 =	vor.u32 v4, v10;
	v25 =	vmov s18;
	v17 =	vbroadcast v17, $0x0;
	v26 =	vld.idx.msk [tilespmem:v26+s14+$0x0], $0xffff;
	[tilespmem:s0+$0xFFFFFFE0] =	vst v18  }
0x21a: {  	v18 =	vand.u32 $0x1E, v25;
	v25 =	vor.u32 v7, v12;
	v12 =	vmovc v8;
	v8 =	vmov v11;
	v16 =	vld.idx.msk [tilespmem:v16+s14+$0x0], $0xffff;
	[tilespmem:s0+$0x60] =	vst v21  }
0x21b: {  	v31 =	vbroadcast v18, $0x0;
	v18 =	vor.u32 v0, v17;
	[tilespmem:s31+$0xB0] =	vst v22;
	v21 =	vld.idx.msk [tilespmem:v27+s14+$0x0], $0xffff  }
0x21c: {  	v22 =	vor.u32 v4, v12;
	[tilespmem:s31+$0xFFFFFFB0] =	vst v23;
	v23 =	vld.idx.msk [tilespmem:v29+s14+$0x0], $0xffff  }
0x21d: {  	v11 =	vmov s16;
	v27 =	vor.u32 v0, v31;
	v24 =	vld.idx.msk [tilespmem:v24+s14+$0x0], $0xffff;
	[tilespmem:s31+$0x30] =	vst v28  }
0x21e: {  	v11 =	vand.u32 $0x1C, v11;
	v29 =	vor.u32 v5, v13;
	v28 =	vld.idx.msk [tilespmem:v30+s14+$0x0], $0xffff;
	[tilespmem:s0+$0xFFFFFF60] =	vst v19  }
0x21f: {  	v11 =	vbroadcast v11, $0x0;
	v19 =	vor.u32 v5, v9;
	[tilespmem:s31+$0xFFFFFF30] =	vst v26;
	v25 =	vld.idx.msk [tilespmem:v25+s14+$0x0], $0xffff  }
0x220: {  	v26 =	vor.u32 v5, v10;
	v18 =	vld.idx.msk [tilespmem:v18+s14+$0x0], $0xffff;
	[tilespmem:s0+$0xFFFFFFF0] =	vst v16  }
0x221: {  	v16 =	vor.u32 v0, v11;
	v22 =	vld.idx.msk [tilespmem:v22+s14+$0x0], $0xffff;
	[tilespmem:s0+$0x70] =	vst v21  }
0x222: {  	v21 =	vld.idx.msk [tilespmem:v27+s14+$0x0], $0xffff;
	v27 =	vor.u32 v1, v17;
	[tilespmem:s31+$0xC0] =	vst v23  }
0x223: {  	v23 =	vor.u32 v1, v14;
	[tilespmem:s31+$0xFFFFFFC0] =	vst v24;
	v24 =	vld.idx.msk [tilespmem:v29+s14+$0x0], $0xffff  }
0x224: {  	v29 =	vor.u32 v1, v31;
	v19 =	vld.idx.msk [tilespmem:v19+s14+$0x0], $0xffff;
	[tilespmem:s31+$0x40] =	vst v28  }
0x225: {  	v28 =	vor.u32 v6, v13;
	v26 =	vld.idx.msk [tilespmem:v26+s14+$0x0], $0xffff;
	[tilespmem:s0+$0xFFFFFF70] =	vst v25;
	s0 =	smov.u32 s31;
	s31 =	sadd.s32 $0x200, s31  }
0x226: {  	v25 =	vor.u32 v1, v8;
	v16 =	vld.idx.msk [tilespmem:v16+s14+$0x0], $0xffff;
	[tilespmem:s31+$0x80] =	vst v18  }
0x227: {  	[tilespmem:s31+$0xFFFFFF80] =	vst v20;
	v18 =	vld.idx.msk [tilespmem:v27+s14+$0x0], $0xffff;
	v20 =	vor.u32 v5, v12  }
0x228: {  	v23 =	vld.idx.msk [tilespmem:v23+s14+$0x0], $0xffff;
	[tilespmem:s31+$0x0] =	vst v21;
	v21 =	vor.u32 v6, v9  }
0x229: {  	v27 =	vld.idx.msk [tilespmem:v29+s14+$0x0], $0xffff;
	v29 =	vor.u32 v2, v17;
	[tilespmem:s0+$0xD0] =	vst v24  }
0x22a: {  	v24 =	vor.u32 v2, v14;
	[tilespmem:s31+$0xFFFFFF00] =	vst v15;
	v28 =	vld.idx.msk [tilespmem:v28+s14+$0x0], $0xffff  }
0x22b: {  	v30 =	vor.u32 v2, v31;
	v25 =	vld.idx.msk [tilespmem:v25+s14+$0x0], $0xffff;
	[tilespmem:s0+$0xFFFFFF40] =	vst v22  }
0x22c: {  	v15 =	vmov v16;
	v22 =	vld.idx.msk [tilespmem:v20+s14+$0x0], $0xffff;
	[tilespmem:s0+$0xFFFFFFD0] =	vst v19;
	v19 =	vor.u32 v7, v13;
	v13 =	vmov v17  }
0x22d: {  	v16 =	vor.u32 v2, v8;
	[tilespmem:s31+$0x90] =	vst v18;
	v18 =	vld.idx.msk [tilespmem:v21+s14+$0x0], $0xffff  }
0x22e: {  	s18 =	sadd.s32 $0x1, s16;
	v21 =	vor.u32 v6, v10;
	[tilespmem:s31+$0xFFFFFF90] =	vst v23;
	v17 =	vld.idx.msk [tilespmem:v29+s14+$0x0], $0xffff  }
0x22f: {  	v20 =	vmov s18;
	v23 =	vld.idx.msk [tilespmem:v24+s14+$0x0], $0xffff;
	[tilespmem:s31+$0x10] =	vst v27;
	v27 =	vor.u32 v6, v12  }
0x230: {  	v20 =	vand.u32 $0x1D, v20;
	v29 =	vld.idx.msk [tilespmem:v30+s14+$0x0], $0xffff;
	v30 =	vor.u32 v3, v13;
	[tilespmem:s0+$0xE0] =	vst v28  }
0x231: {  	v33 =	vor.u32 v3, v14;
	v32 =	vbroadcast v20, $0x0;
	[tilespmem:s31+$0xFFFFFF10] =	vst v25;
	v25 =	vld.idx.msk [tilespmem:v19+s14+$0x0], $0xffff  }
.Ltmp3:
0x232: {  	v28 =	vor.u32 v3, v31;
	v24 =	vld.idx.msk [tilespmem:v16+s14+$0x0], $0xffff;
	[tilespmem:s0+$0x50] =	vst v26;
	(pc) =	sbr.rel @p0 .LBB2_9-.Ltmp3, $4  }
0x233: {  	v20 =	vor.u32 v0, v32;
	[tilespmem:s0+$0xFFFFFF50] =	vst v22;
	v21 =	vld.idx.msk [tilespmem:v21+s14+$0x0], $0xffff  }
0x234: {  	v26 =	vor.u32 v3, v8;
	[tilespmem:s31+$0xA0] =	vst v17;
	v19 =	vld.idx.msk [tilespmem:v27+s14+$0x0], $0xffff  }
0x235: {  	v16 =	vor.u32 v7, v9;
	v9 =	vmov v14;
	v14 =	vmov v32;
	[tilespmem:s31+$0xFFFFFFA0] =	vst v23;
	v22 =	vld.idx.msk [tilespmem:v30+s14+$0x0], $0xffff  }
0x236: {  	s16 =	sadd.s32 $0x4, s16;
	s18 =	sadd.s32 $0x3, s1;
	v27 =	vor.u32 v7, v10;
	v10 =	vmov v31;
	v23 =	vld.idx.msk [tilespmem:v33+s14+$0x0], $0xffff;
	[tilespmem:s31+$0x20] =	vst v29  }
0x237: {  	_ =	sdelay $0x1  }
0x238: {  	[tilespmem:s0+$0xF0] =	vst v25  }
0x239: {  	[tilespmem:s31+$0xFFFFFF20] =	vst v24  }
0x23a: {  	v17 =	vmov s18;
	v32 =	vld.idx.msk [tilespmem:v28+s14+$0x0], $0xffff;
	s1 =	sadd.s32 $0x2, s1;
	[tilespmem:s0+$0xFFFFFFE0] =	vst v18  }
0x23b: {  	v33 =	vor.u32 v4, v13;
	v20 =	vld.idx.msk [tilespmem:v20+s14+$0x0], $0xffff;
	s18 =	sadd.s32 $0x200, s31;
	v17 =	vand.u32 $0x1F, v17;
	v29 =	vmov s1;
	[tilespmem:s0+$0x60] =	vst v21  }
0x23c: {  	v34 =	vor.u32 v4, v9;
	v35 =	vld.idx.msk [tilespmem:v26+s14+$0x0], $0xffff;
	[tilespmem:s18+$0xFFFFFF00] =	vst v15;
	v17 =	vbroadcast v17, $0x0;
	v29 =	vand.u32 $0x1E, v29  }
0x23d: {  	v12 =	vor.u32 v7, v12;
	v37 =	vld.idx.msk [tilespmem:v16+s14+$0x0], $0xffff;
	[tilespmem:s0+$0xFFFFFF60] =	vst v19;
	v16 =	vbroadcast v29, $0x0  }
0x23e: {  	[tilespmem:s31+$0xB0] =	vst v22;
	v38 =	vor.u32 v0, v17  }
0x23f: {  	v39 =	vld.idx.msk [tilespmem:v27+s14+$0x0], $0xffff;
	[tilespmem:s31+$0xFFFFFFB0] =	vst v23;
	v41 =	vor.u32 v0, v16  }
0x240: {  	v49 =	vor.u32 v1, v11;
	v40 =	vld.idx.msk [tilespmem:v33+s14+$0x0], $0xffff;
	[tilespmem:s31+$0x30] =	vst v32  }
0x241: {  	v36 =	vor.u32 v4, v10;
	v24 =	vld.idx.msk [tilespmem:v34+s14+$0x0], $0xffff;
	[tilespmem:s18+$0xFFFFFF80] =	vst v20  }
0x242: {  	v47 =	vor.u32 v1, v14;
	v12 =	vld.idx.msk [tilespmem:v12+s14+$0x0], $0xffff;
	[tilespmem:s31+$0xFFFFFF30] =	vst v35  }
0x243: {  	v43 =	vor.u32 v5, v13;
	[tilespmem:s0+$0xFFFFFFF0] =	vst v37;
	v44 =	vld.idx.msk [tilespmem:v38+s14+$0x0], $0xffff  }
0x244: {  	v45 =	vor.u32 v1, v17;
	[tilespmem:s0+$0x70] =	vst v39;
	v46 =	vld.idx.msk [tilespmem:v41+s14+$0x0], $0xffff  }
0x245: {  	v48 =	vor.u32 v1, v16;
	v57 =	vld.idx.msk [tilespmem:v49+s14+$0x0], $0xffff;
	[tilespmem:s31+$0xC0] =	vst v40  }
0x246: {  	v50 =	vor.u32 v4, v8;
	v42 =	vld.idx.msk [tilespmem:v36+s14+$0x0], $0xffff;
	[tilespmem:s31+$0xFFFFFFC0] =	vst v24  }
0x247: {  	v51 =	vor.u32 v5, v9;
	v53 =	vld.idx.msk [tilespmem:v47+s14+$0x0], $0xffff;
	[tilespmem:s0+$0xFFFFFF70] =	vst v12  }
0x248: {  	v56 =	vor.u32 v2, v14;
	v18 =	vld.idx.msk [tilespmem:v43+s14+$0x0], $0xffff;
	[tilespmem:s18+$0x80] =	vst v44  }
0x249: {  	v60 =	vor.u32 v2, v11;
	v52 =	vld.idx.msk [tilespmem:v45+s14+$0x0], $0xffff;
	[tilespmem:s18+$0x0] =	vst v46  }
0x24a: {  	v54 =	vor.u32 v2, v17;
	[tilespmem:s18+$0xFFFFFF10] =	vst v57;
	v55 =	vld.idx.msk [tilespmem:v48+s14+$0x0], $0xffff  }
0x24b: {  	v58 =	vor.u32 v2, v16;
	v59 =	vld.idx.msk [tilespmem:v50+s14+$0x0], $0xffff;
	[tilespmem:s31+$0x40] =	vst v42  }
0x24c: {  	v62 =	vor.u32 v5, v10;
	v25 =	vld.idx.msk [tilespmem:v51+s14+$0x0], $0xffff;
	[tilespmem:s18+$0xFFFFFF90] =	vst v53  }
0x24d: {  	v61 =	vor.u32 v6, v13;
	v15 =	vld.idx.msk [tilespmem:v56+s14+$0x0], $0xffff;
	[tilespmem:s31+$0xD0] =	vst v18  }
0x24e: {  	v29 =	vor.u32 v3, v14;
	v18 =	vld.idx.msk [tilespmem:v60+s14+$0x0], $0xffff;
	[tilespmem:s18+$0x90] =	vst v52  }
0x24f: {  	v32 =	vor.u32 v3, v11;
	v63 =	vld.idx.msk [tilespmem:v54+s14+$0x0], $0xffff;
	[tilespmem:s18+$0x10] =	vst v55  }
0x250: {  	v28 =	vor.u32 v3, v17;
	[tilespmem:s31+$0xFFFFFF40] =	vst v59;
	v19 =	vld.idx.msk [tilespmem:v58+s14+$0x0], $0xffff  }
0x251: {  	v30 =	vor.u32 v3, v16;
	v20 =	vld.idx.msk [tilespmem:v62+s14+$0x0], $0xffff;
	[tilespmem:s31+$0xFFFFFFD0] =	vst v25  }
0x252: {  	v33 =	vor.u32 v5, v8;
	v31 =	vld.idx.msk [tilespmem:v61+s14+$0x0], $0xffff;
	[tilespmem:s18+$0xFFFFFFA0] =	vst v15  }
0x253: {  	v34 =	vor.u32 v7, v13;
	v12 =	vld.idx.msk [tilespmem:v29+s14+$0x0], $0xffff;
	[tilespmem:s18+$0xFFFFFF20] =	vst v18  }
0x254: {  	v38 =	vor.u32 v4, v14;
	v39 =	vld.idx.msk [tilespmem:v32+s14+$0x0], $0xffff;
	[tilespmem:s18+$0xA0] =	vst v63  }
0x255: {  	v42 =	vor.u32 v4, v11;
	v35 =	vld.idx.msk [tilespmem:v28+s14+$0x0], $0xffff;
	[tilespmem:s18+$0x20] =	vst v19  }
0x256: {  	v36 =	vor.u32 v4, v17;
	[tilespmem:s31+$0x50] =	vst v20;
	v37 =	vld.idx.msk [tilespmem:v30+s14+$0x0], $0xffff  }
0x257: {  	v40 =	vor.u32 v4, v16;
	v41 =	vld.idx.msk [tilespmem:v33+s14+$0x0], $0xffff;
	[tilespmem:s31+$0xE0] =	vst v31  }
0x258: {  	v43 =	vor.u32 v6, v9;
	v13 =	vld.idx.msk [tilespmem:v34+s14+$0x0], $0xffff;
	[tilespmem:s18+$0xFFFFFFB0] =	vst v12  }
0x259: {  	v44 =	vor.u32 v6, v10;
	v18 =	vld.idx.msk [tilespmem:v38+s14+$0x0], $0xffff;
	[tilespmem:s18+$0xFFFFFF30] =	vst v39  }
0x25a: {  	v47 =	vor.u32 v5, v14;
	v20 =	vld.idx.msk [tilespmem:v42+s14+$0x0], $0xffff;
	[tilespmem:s18+$0xB0] =	vst v35  }
0x25b: {  	v50 =	vor.u32 v5, v11;
	v45 =	vld.idx.msk [tilespmem:v36+s14+$0x0], $0xffff;
	[tilespmem:s18+$0x30] =	vst v37  }
0x25c: {  	v46 =	vor.u32 v5, v17;
	[tilespmem:s31+$0xFFFFFF50] =	vst v41;
	v21 =	vld.idx.msk [tilespmem:v40+s14+$0x0], $0xffff  }
0x25d: {  	v48 =	vor.u32 v5, v16;
	v49 =	vld.idx.msk [tilespmem:v43+s14+$0x0], $0xffff;
	[tilespmem:s31+$0xF0] =	vst v13  }
0x25e: {  	v51 =	vor.u32 v6, v8;
	v15 =	vld.idx.msk [tilespmem:v44+s14+$0x0], $0xffff;
	[tilespmem:s18+$0xFFFFFFC0] =	vst v18  }
0x25f: {  	v52 =	vor.u32 v7, v9;
	v18 =	vld.idx.msk [tilespmem:v47+s14+$0x0], $0xffff;
	[tilespmem:s18+$0xFFFFFF40] =	vst v20  }
0x260: {  	v54 =	vor.u32 v6, v14;
	v13 =	vld.idx.msk [tilespmem:v50+s14+$0x0], $0xffff;
	[tilespmem:s18+$0xC0] =	vst v45  }
0x261: {  	v57 =	vor.u32 v6, v11;
	v12 =	vld.idx.msk [tilespmem:v46+s14+$0x0], $0xffff;
	[tilespmem:s18+$0x40] =	vst v21  }
0x262: {  	v53 =	vor.u32 v6, v17;
	[tilespmem:s31+$0xFFFFFFE0] =	vst v49;
	v21 =	vld.idx.msk [tilespmem:v48+s14+$0x0], $0xffff  }
0x263: {  	v56 =	vld.idx.msk [tilespmem:v51+s14+$0x0], $0xffff;
	v55 =	vor.u32 v6, v16;
	[tilespmem:s31+$0x60] =	vst v15  }
0x264: {  	v8 =	vor.u32 v7, v8;
	v9 =	vld.idx.msk [tilespmem:v52+s14+$0x0], $0xffff;
	[tilespmem:s18+$0xFFFFFFD0] =	vst v18  }
0x265: {  	v58 =	vor.u32 v7, v10;
	v18 =	vld.idx.msk [tilespmem:v54+s14+$0x0], $0xffff;
	[tilespmem:s18+$0xFFFFFF50] =	vst v13  }
0x266: {  	v60 =	vor.u32 v7, v14;
	v15 =	vld.idx.msk [tilespmem:v57+s14+$0x0], $0xffff;
	[tilespmem:s18+$0xD0] =	vst v12  }
0x267: {  	v61 =	vor.u32 v7, v11;
	v12 =	vld.idx.msk [tilespmem:v53+s14+$0x0], $0xffff;
	[tilespmem:s18+$0x50] =	vst v21  }
0x268: {  	v17 =	vor.u32 v7, v17;
	[tilespmem:s31+$0xFFFFFF60] =	vst v56;
	v59 =	vld.idx.msk [tilespmem:v55+s14+$0x0], $0xffff  }
0x269: {  	v16 =	vor.u32 v7, v16;
	v8 =	vld.idx.msk [tilespmem:v8+s14+$0x0], $0xffff;
	[tilespmem:s31+$0xFFFFFFF0] =	vst v9  }
0x26a: {  	v10 =	vld.idx.msk [tilespmem:v58+s14+$0x0], $0xffff;
	[tilespmem:s18+$0xFFFFFFE0] =	vst v18  }
0x26b: {  	v63 =	vld.idx.msk [tilespmem:v60+s14+$0x0], $0xffff;
	[tilespmem:s18+$0xFFFFFF60] =	vst v15  }
0x26c: {  	v9 =	vld.idx.msk [tilespmem:v61+s14+$0x0], $0xffff;
	[tilespmem:s18+$0xE0] =	vst v12  }
0x26d: {  	v62 =	vld.idx.msk [tilespmem:v17+s14+$0x0], $0xffff;
	[tilespmem:s18+$0x60] =	vst v59  }
0x26e: {  	[tilespmem:s31+$0xFFFFFF70] =	vst v8;
	v13 =	vld.idx.msk [tilespmem:v16+s14+$0x0], $0xffff  }
0x26f: {  	[tilespmem:s31+$0x70] =	vst v10  }
0x270: {  	[tilespmem:s18+$0xFFFFFFF0] =	vst v63  }
0x271: {  	[tilespmem:s18+$0xFFFFFF70] =	vst v9  }
0x272: {  	s28 =	sadd.s32 $0x1, s28;
	[tilespmem:s18+$0xF0] =	vst v62  }
0x273: {  	s29 =	sadd.s32 $0x280, s29;
	p0 =	sne.s32 s28, $0x62;
	[tilespmem:s18+$0x70] =	vst v13  }
0x274: {  	[tilespmem:s14], [sflag:$0x1] =	stream.indirect.gather [hbm4b:s4+s10], $0x20, s29, s10, $0xb8;
	[tilespmem:$0xA400] =	vst v63  }
.Ltmp4:
0x275: {  	_ = 	snop;
	(pc) =	sbr.rel @p0 .LBB2_6-.Ltmp4, $4  }
0x276: {  	_ =	swait.ge [sflag:s22], $0x1000  }
0x277: {  	s31 =	sadd.s32 s30, s8;
	[sflag:s22] =	ssyncset.done $0x0  }
0x278: {  	s0 =	sadd.s32 s3, s31;
	[sflag:s22] =	ssyncadd.s32 $0xFFFFF000  }
0x279: {  	[hbm4b:s0+s10] =	stream.strided.scatter [tilespmem:s20], [sflag:$0x3], $0x1000, s11, s10, $0x38;
	[tilespmem:$0xA400] =	vst v63  }
0x27a: {  	s0 =	simm.s32 $0x3  }
0x27b: {  	s1 =	simm.s32 $0x1;
	v8 =	vmov s0  }
0x27c: {  	s18 =	simm.s32 $0x2;
	v9 =	vmov s1;
	v8 =	vand.u32 $0x1F, v8  }
0x27d: {  	v10 =	vmov s18;
	v9 =	vand.u32 $0x1D, v9;
	v14 =	vbroadcast v8, $0x0  }
0x27e: {  	s26 =	simm.s32 $0x0;
	v17 =	vbroadcast v9, $0x0;
	v8 =	vand.u32 $0x1E, v10  }
0x27f: {  	v9 =	vmov s26;
	v16 =	vbroadcast v8, $0x0;
	v8 =	vor.u32 v0, v14  }
0x280: {  	v9 =	vand.u32 $0x1C, v9;
	v10 =	vor.u32 v0, v17  }
0x281: {  	_ =	swait.ge [sflag:s15], $0x1000;
	v12 =	vbroadcast v9, $0x0;
	v9 =	vor.u32 v0, v16  }
0x282: {  	[sflag:s15] =	ssyncset.done $0x0  }
0x283: {  	[sflag:s15] =	ssyncadd.s32 $0xFFFFF000;
	v11 =	vor.u32 v0, v12  }
0x284: {  	v8 =	vld.idx.msk [tilespmem:v8+s13+$0x0], $0xffff  }
0x285: {  	v13 =	vor.u32 v1, v14;
	v10 =	vld.idx.msk [tilespmem:v10+s13+$0x0], $0xffff  }
0x286: {  	v15 =	vor.u32 v1, v17;
	v9 =	vld.idx.msk [tilespmem:v9+s13+$0x0], $0xffff  }
0x287: {  	v18 =	vor.u32 v1, v16  }
0x288: {  	s0 =	simm.s32 $0x8500;
	v11 =	vld.idx.msk [tilespmem:v11+s13+$0x0], $0xffff  }
0x289: {  	v19 =	vor.u32 v1, v12;
	[tilespmem:s0+$0x80] =	vst v8  }
0x28a: {  	[tilespmem:s0+$0xFFFFFF80] =	vst v10;
	v8 =	vld.idx.msk [tilespmem:v13+s13+$0x0], $0xffff  }
0x28b: {  	v10 =	vld.idx.msk [tilespmem:v15+s13+$0x0], $0xffff;
	[tilespmem:s0+$0x0] =	vst v9;
	v9 =	vor.u32 v2, v14  }
0x28c: {  	v15 =	vor.u32 v2, v17;
	v13 =	vld.idx.msk [tilespmem:v18+s13+$0x0], $0xffff  }
0x28d: {  	[tilespmem:s0+$0xFFFFFF00] =	vst v11;
	v11 =	vor.u32 v2, v16  }
0x28e: {  	v18 =	vld.idx.msk [tilespmem:v19+s13+$0x0], $0xffff  }
0x28f: {  	s28 =	simm.s32 $0x4;
	v19 =	vor.u32 v2, v12;
	[tilespmem:s0+$0x90] =	vst v8  }
0x290: {  	v8 =	vmov s28;
	[tilespmem:s0+$0xFFFFFF90] =	vst v10;
	v10 =	vld.idx.msk [tilespmem:v9+s13+$0x0], $0xffff  }
0x291: {  	s29 =	simm.s32 $0x5;
	v8 =	vand.u32 $0x1C, v8;
	v15 =	vld.idx.msk [tilespmem:v15+s13+$0x0], $0xffff;
	[tilespmem:s0+$0x10] =	vst v13;
	v13 =	vor.u32 v3, v14  }
0x292: {  	v20 =	vor.u32 v3, v17;
	v9 =	vmov s29;
	v8 =	vbroadcast v8, $0x0;
	v11 =	vld.idx.msk [tilespmem:v11+s13+$0x0], $0xffff  }
0x293: {  	v9 =	vand.u32 $0x1D, v9;
	[tilespmem:s0+$0xFFFFFF10] =	vst v18;
	v18 =	vor.u32 v3, v16  }
0x294: {  	v9 =	vbroadcast v9, $0x0;
	v19 =	vld.idx.msk [tilespmem:v19+s13+$0x0], $0xffff;
	v21 =	vor.u32 v0, v8  }
0x295: {  	s30 =	simm.s32 $0x7;
	v22 =	vor.u32 v3, v12;
	[tilespmem:s0+$0xA0] =	vst v10  }
0x296: {  	s31 =	simm.s32 $0x6;
	v23 =	vor.u32 v0, v9;
	[tilespmem:s0+$0xFFFFFFA0] =	vst v15;
	v10 =	vmov s30;
	v15 =	vld.idx.msk [tilespmem:v13+s13+$0x0], $0xffff  }
0x297: {  	v25 =	vmov s31;
	v20 =	vld.idx.msk [tilespmem:v20+s13+$0x0], $0xffff;
	[tilespmem:s0+$0x20] =	vst v11;
	v11 =	vor.u32 v4, v14;
	v10 =	vand.u32 $0x1F, v10  }
0x298: {  	v24 =	vor.u32 v4, v17;
	v18 =	vld.idx.msk [tilespmem:v18+s13+$0x0], $0xffff;
	v13 =	vbroadcast v10, $0x0;
	v10 =	vand.u32 $0x1E, v25  }
0x299: {  	[tilespmem:s0+$0xFFFFFF20] =	vst v19;
	v19 =	vor.u32 v4, v16;
	v21 =	vld.idx.msk [tilespmem:v21+s13+$0x0], $0xffff;
	v10 =	vbroadcast v10, $0x0  }
0x29a: {  	v22 =	vld.idx.msk [tilespmem:v22+s13+$0x0], $0xffff;
	v25 =	vor.u32 v0, v13  }
0x29b: {  	v23 =	vld.idx.msk [tilespmem:v23+s13+$0x0], $0xffff;
	v26 =	vor.u32 v0, v10;
	[tilespmem:s0+$0xB0] =	vst v15  }
0x29c: {  	s1 =	simm.s32 $0x8;
	v15 =	vor.u32 v4, v12;
	[tilespmem:s0+$0xFFFFFFB0] =	vst v20;
	v20 =	vld.idx.msk [tilespmem:v11+s13+$0x0], $0xffff  }
0x29d: {  	v11 =	vmov s1;
	v24 =	vld.idx.msk [tilespmem:v24+s13+$0x0], $0xffff;
	[tilespmem:s0+$0x30] =	vst v18;
	v18 =	vor.u32 v5, v14  }
0x29e: {  	v27 =	vor.u32 v5, v17;
	v11 =	vand.u32 $0x1C, v11;
	v19 =	vld.idx.msk [tilespmem:v19+s13+$0x0], $0xffff  }
0x29f: {  	[tilespmem:s0+$0xFFFFFF30] =	vst v22;
	v11 =	vbroadcast v11, $0x0;
	v22 =	vld.idx.msk [tilespmem:v25+s13+$0x0], $0xffff;
	v25 =	vor.u32 v5, v16  }
0x2a0: {  	v30 =	vor.u32 v1, v13;
	v26 =	vld.idx.msk [tilespmem:v26+s13+$0x0], $0xffff  }
0x2a1: {  	v28 =	vor.u32 v0, v11;
	v29 =	vld.idx.msk [tilespmem:v15+s13+$0x0], $0xffff;
	[tilespmem:s0+$0xC0] =	vst v20  }
0x2a2: {  	v20 =	vor.u32 v1, v9;
	[tilespmem:s0+$0xFFFFFFC0] =	vst v24;
	v18 =	vld.idx.msk [tilespmem:v18+s13+$0x0], $0xffff  }
0x2a3: {  	s26 =	simm.s32 $0x8700;
	v24 =	vor.u32 v1, v10;
	v27 =	vld.idx.msk [tilespmem:v27+s13+$0x0], $0xffff;
	[tilespmem:s0+$0x40] =	vst v19  }
0x2a4: {  	v19 =	vld.idx.msk [tilespmem:v25+s13+$0x0], $0xffff;
	v25 =	vor.u32 v6, v14;
	[tilespmem:s26+$0x80] =	vst v22  }
0x2a5: {  	[tilespmem:s26+$0xFFFFFF80] =	vst v23;
	v23 =	vor.u32 v5, v12;
	v22 =	vld.idx.msk [tilespmem:v30+s13+$0x0], $0xffff  }
0x2a6: {  	[tilespmem:s26+$0xFFFFFF00] =	vst v21;
	v15 =	vld.idx.msk [tilespmem:v28+s13+$0x0], $0xffff;
	v28 =	vor.u32 v1, v8  }
0x2a7: {  	[tilespmem:s26+$0x0] =	vst v26;
	v26 =	vor.u32 v6, v17;
	v20 =	vld.idx.msk [tilespmem:v20+s13+$0x0], $0xffff  }
0x2a8: {  	v30 =	vor.u32 v2, v13;
	v24 =	vld.idx.msk [tilespmem:v24+s13+$0x0], $0xffff;
	[tilespmem:s0+$0xD0] =	vst v18  }
0x2a9: {  	v21 =	vor.u32 v2, v9;
	[tilespmem:s0+$0xFFFFFF40] =	vst v29;
	v25 =	vld.idx.msk [tilespmem:v25+s13+$0x0], $0xffff  }
0x2aa: {  	v14 =	vor.u32 v7, v14;
	v23 =	vld.idx.msk [tilespmem:v23+s13+$0x0], $0xffff;
	[tilespmem:s0+$0xFFFFFFD0] =	vst v27  }
0x2ab: {  	v31 =	vor.u32 v2, v10;
	[tilespmem:s26+$0x90] =	vst v22;
	v28 =	vld.idx.msk [tilespmem:v28+s13+$0x0], $0xffff  }
0x2ac: {  	v32 =	vor.u32 v6, v12;
	v18 =	vld.idx.msk [tilespmem:v26+s13+$0x0], $0xffff;
	[tilespmem:s26+$0xFFFFFF90] =	vst v20  }
0x2ad: {  	s16 =	simm.s32 $0x9;
	v27 =	vor.u32 v2, v8;
	v20 =	vld.idx.msk [tilespmem:v30+s13+$0x0], $0xffff;
	[tilespmem:s26+$0x10] =	vst v24  }
0x2ae: {  	v22 =	vor.u32 v6, v16;
	v30 =	vld.idx.msk [tilespmem:v21+s13+$0x0], $0xffff;
	v21 =	vmov s16;
	[tilespmem:s0+$0xE0] =	vst v25  }
0x2af: {  	v33 =	vor.u32 v3, v13;
	[tilespmem:s0+$0xFFFFFF50] =	vst v23;
	v26 =	vld.idx.msk [tilespmem:v14+s13+$0x0], $0xffff;
	v14 =	vand.u32 $0x1D, v21  }
0x2b0: {  	v31 =	vld.idx.msk [tilespmem:v31+s13+$0x0], $0xffff;
	[tilespmem:s26+$0xFFFFFF10] =	vst v28;
	v28 =	vor.u32 v3, v9;
	v14 =	vbroadcast v14, $0x0  }
0x2b1: {  	v29 =	vor.u32 v3, v10;
	[tilespmem:s0+$0x50] =	vst v19;
	v19 =	vld.idx.msk [tilespmem:v32+s13+$0x0], $0xffff  }
0x2b2: {  	v24 =	vld.idx.msk [tilespmem:v27+s13+$0x0], $0xffff;
	[tilespmem:s26+$0xA0] =	vst v20;
	v20 =	vor.u32 v0, v14  }
0x2b3: {  	v21 =	vld.idx.msk [tilespmem:v22+s13+$0x0], $0xffff;
	v27 =	vor.u32 v3, v8  }
0x2b4: {  	v25 =	vor.u32 v7, v17;
	[tilespmem:s26+$0xFFFFFFA0] =	vst v30;
	v22 =	vld.idx.msk [tilespmem:v33+s13+$0x0], $0xffff  }
0x2b5: {  	s18 =	simm.s32 $0xB;
	s16 =	simm.s32 $0xC;
	[tilespmem:s26+$0x20] =	vst v31;
	v23 =	vld.idx.msk [tilespmem:v28+s13+$0x0], $0xffff;
	v28 =	vor.u32 v7, v16  }
.LBB2_12:
0x2b6: {  	p0 =	slt.u32 s16, $0x1C;
	v16 =	vmov s18;
	v17 =	vld.idx.msk [tilespmem:v29+s13+$0x0], $0xffff;
	v29 =	vor.u32 v4, v13;
	[tilespmem:s0+$0xF0] =	vst v26  }
0x2b7: {  	s18 =	sadd.s32 $0x2, s1;
	s1 =	smov.u32 s16;
	v20 =	vld.idx.msk [tilespmem:v20+s13+$0x0], $0xffff;
	v16 =	vand.u32 $0x1F, v16;
	[tilespmem:s26+$0xFFFFFF20] =	vst v24;
	v24 =	vor.u32 v4, v9  }
0x2b8: {  	v30 =	vor.u32 v4, v10;
	v26 =	vmov s18;
	v16 =	vbroadcast v16, $0x0;
	v27 =	vld.idx.msk [tilespmem:v27+s13+$0x0], $0xffff;
	[tilespmem:s0+$0xFFFFFFE0] =	vst v18  }
0x2b9: {  	v18 =	vand.u32 $0x1E, v26;
	v26 =	vor.u32 v7, v12;
	v12 =	vmovc v8;
	v8 =	vmov v11;
	v25 =	vld.idx.msk [tilespmem:v25+s13+$0x0], $0xffff;
	[tilespmem:s0+$0x60] =	vst v21  }
0x2ba: {  	v31 =	vbroadcast v18, $0x0;
	v18 =	vor.u32 v0, v16;
	[tilespmem:s26+$0xB0] =	vst v22;
	v21 =	vld.idx.msk [tilespmem:v28+s13+$0x0], $0xffff  }
0x2bb: {  	v22 =	vor.u32 v4, v12;
	[tilespmem:s26+$0xFFFFFFB0] =	vst v23;
	v23 =	vld.idx.msk [tilespmem:v29+s13+$0x0], $0xffff  }
0x2bc: {  	v11 =	vmov s16;
	v28 =	vor.u32 v0, v31;
	v24 =	vld.idx.msk [tilespmem:v24+s13+$0x0], $0xffff;
	[tilespmem:s26+$0x30] =	vst v17  }
0x2bd: {  	v11 =	vand.u32 $0x1C, v11;
	v29 =	vor.u32 v5, v13;
	v17 =	vld.idx.msk [tilespmem:v30+s13+$0x0], $0xffff;
	[tilespmem:s0+$0xFFFFFF60] =	vst v19  }
0x2be: {  	v11 =	vbroadcast v11, $0x0;
	v19 =	vor.u32 v5, v9;
	[tilespmem:s26+$0xFFFFFF30] =	vst v27;
	v26 =	vld.idx.msk [tilespmem:v26+s13+$0x0], $0xffff  }
0x2bf: {  	v27 =	vor.u32 v5, v10;
	v18 =	vld.idx.msk [tilespmem:v18+s13+$0x0], $0xffff;
	[tilespmem:s0+$0xFFFFFFF0] =	vst v25  }
0x2c0: {  	v25 =	vor.u32 v0, v11;
	v22 =	vld.idx.msk [tilespmem:v22+s13+$0x0], $0xffff;
	[tilespmem:s0+$0x70] =	vst v21  }
0x2c1: {  	v21 =	vld.idx.msk [tilespmem:v28+s13+$0x0], $0xffff;
	v28 =	vor.u32 v1, v16;
	[tilespmem:s26+$0xC0] =	vst v23  }
0x2c2: {  	v23 =	vor.u32 v1, v14;
	[tilespmem:s26+$0xFFFFFFC0] =	vst v24;
	v24 =	vld.idx.msk [tilespmem:v29+s13+$0x0], $0xffff  }
0x2c3: {  	v29 =	vor.u32 v1, v31;
	v19 =	vld.idx.msk [tilespmem:v19+s13+$0x0], $0xffff;
	[tilespmem:s26+$0x40] =	vst v17  }
0x2c4: {  	v17 =	vld.idx.msk [tilespmem:v27+s13+$0x0], $0xffff;
	v27 =	vor.u32 v6, v13;
	[tilespmem:s0+$0xFFFFFF70] =	vst v26;
	s0 =	smov.u32 s26;
	s26 =	sadd.s32 $0x200, s26  }
0x2c5: {  	v26 =	vor.u32 v1, v8;
	v25 =	vld.idx.msk [tilespmem:v25+s13+$0x0], $0xffff;
	[tilespmem:s26+$0x80] =	vst v18  }
0x2c6: {  	[tilespmem:s26+$0xFFFFFF80] =	vst v20;
	v18 =	vld.idx.msk [tilespmem:v28+s13+$0x0], $0xffff;
	v20 =	vor.u32 v5, v12  }
0x2c7: {  	v23 =	vld.idx.msk [tilespmem:v23+s13+$0x0], $0xffff;
	[tilespmem:s26+$0x0] =	vst v21;
	v21 =	vor.u32 v6, v9  }
0x2c8: {  	v28 =	vld.idx.msk [tilespmem:v29+s13+$0x0], $0xffff;
	v29 =	vor.u32 v2, v16;
	[tilespmem:s0+$0xD0] =	vst v24  }
0x2c9: {  	v24 =	vor.u32 v2, v14;
	[tilespmem:s26+$0xFFFFFF00] =	vst v15;
	v27 =	vld.idx.msk [tilespmem:v27+s13+$0x0], $0xffff  }
0x2ca: {  	v30 =	vor.u32 v2, v31;
	v26 =	vld.idx.msk [tilespmem:v26+s13+$0x0], $0xffff;
	[tilespmem:s0+$0xFFFFFF40] =	vst v22  }
0x2cb: {  	v15 =	vmov v25;
	v22 =	vld.idx.msk [tilespmem:v20+s13+$0x0], $0xffff;
	[tilespmem:s0+$0xFFFFFFD0] =	vst v19;
	v19 =	vor.u32 v7, v13;
	v13 =	vmov v16  }
0x2cc: {  	v16 =	vor.u32 v2, v8;
	[tilespmem:s26+$0x90] =	vst v18;
	v18 =	vld.idx.msk [tilespmem:v21+s13+$0x0], $0xffff  }
0x2cd: {  	s18 =	sadd.s32 $0x1, s16;
	v21 =	vor.u32 v6, v10;
	[tilespmem:s26+$0xFFFFFF90] =	vst v23;
	v23 =	vld.idx.msk [tilespmem:v29+s13+$0x0], $0xffff  }
0x2ce: {  	v20 =	vmov s18;
	v25 =	vld.idx.msk [tilespmem:v24+s13+$0x0], $0xffff;
	[tilespmem:s26+$0x10] =	vst v28;
	v28 =	vor.u32 v6, v12  }
0x2cf: {  	v20 =	vand.u32 $0x1D, v20;
	v32 =	vor.u32 v3, v13;
	v30 =	vld.idx.msk [tilespmem:v30+s13+$0x0], $0xffff;
	[tilespmem:s0+$0xE0] =	vst v27  }
0x2d0: {  	v34 =	vor.u32 v3, v14;
	v33 =	vbroadcast v20, $0x0;
	[tilespmem:s26+$0xFFFFFF10] =	vst v26;
	v26 =	vld.idx.msk [tilespmem:v19+s13+$0x0], $0xffff  }
.Ltmp5:
0x2d1: {  	v29 =	vor.u32 v3, v31;
	v24 =	vld.idx.msk [tilespmem:v16+s13+$0x0], $0xffff;
	[tilespmem:s0+$0x50] =	vst v17;
	(pc) =	sbr.rel @p0 .LBB2_12-.Ltmp5, $4  }
0x2d2: {  	v20 =	vor.u32 v0, v33;
	[tilespmem:s0+$0xFFFFFF50] =	vst v22;
	v21 =	vld.idx.msk [tilespmem:v21+s13+$0x0], $0xffff  }
0x2d3: {  	v27 =	vor.u32 v3, v8;
	[tilespmem:s26+$0xA0] =	vst v23;
	v19 =	vld.idx.msk [tilespmem:v28+s13+$0x0], $0xffff  }
0x2d4: {  	[tilespmem:s26+$0xFFFFFFA0] =	vst v25;
	v22 =	vld.idx.msk [tilespmem:v32+s13+$0x0], $0xffff;
	v25 =	vor.u32 v7, v9;
	v9 =	vmov v14;
	v14 =	vmov v33  }
0x2d5: {  	s16 =	sadd.s32 $0x4, s16;
	s18 =	sadd.s32 $0x3, s1;
	v28 =	vor.u32 v7, v10;
	v10 =	vmov v31;
	v23 =	vld.idx.msk [tilespmem:v34+s13+$0x0], $0xffff;
	[tilespmem:s26+$0x20] =	vst v30  }
0x2d6: {  	_ =	sdelay $0x2  }
0x2d7: {  	v16 =	vmov s18;
	[tilespmem:s0+$0xF0] =	vst v26  }
0x2d8: {  	v26 =	vld.idx.msk [tilespmem:v29+s13+$0x0], $0xffff;
	v29 =	vor.u32 v4, v13;
	s1 =	sadd.s32 $0x2, s1;
	[tilespmem:s26+$0xFFFFFF20] =	vst v24;
	v16 =	vand.u32 $0x1F, v16  }
0x2d9: {  	v24 =	vor.u32 v4, v9;
	[tilespmem:s0+$0xFFFFFFE0] =	vst v18;
	v30 =	vmov s1;
	v17 =	vbroadcast v16, $0x0  }
0x2da: {  	v18 =	vld.idx.msk [tilespmem:v27+s13+$0x0], $0xffff;
	v27 =	vor.u32 v4, v10;
	[tilespmem:s0+$0x60] =	vst v21;
	v16 =	vand.u32 $0x1E, v30  }
0x2db: {  	v21 =	vld.idx.msk [tilespmem:v25+s13+$0x0], $0xffff;
	[tilespmem:s0+$0xFFFFFF60] =	vst v19;
	v16 =	vbroadcast v16, $0x0;
	v25 =	vor.u32 v0, v17  }
0x2dc: {  	[tilespmem:s26+$0xB0] =	vst v22;
	v22 =	vld.idx.msk [tilespmem:v28+s13+$0x0], $0xffff  }
0x2dd: {  	[tilespmem:s26+$0xFFFFFFB0] =	vst v23;
	v23 =	vld.idx.msk [tilespmem:v29+s13+$0x0], $0xffff;
	v28 =	vor.u32 v0, v16  }
0x2de: {  	[tilespmem:s26+$0x30] =	vst v26;
	v24 =	vld.idx.msk [tilespmem:v24+s13+$0x0], $0xffff  }
0x2df: {  	v12 =	vor.u32 v7, v12;
	v19 =	vld.idx.msk [tilespmem:v27+s13+$0x0], $0xffff;
	[tilespmem:s26+$0xFFFFFF30] =	vst v18  }
0x2e0: {  	v18 =	vor.u32 v5, v13;
	[tilespmem:s0+$0xFFFFFFF0] =	vst v21;
	v25 =	vld.idx.msk [tilespmem:v25+s13+$0x0], $0xffff  }
0x2e1: {  	v20 =	vld.idx.msk [tilespmem:v20+s13+$0x0], $0xffff;
	v21 =	vor.u32 v1, v17;
	[tilespmem:s0+$0x70] =	vst v22  }
0x2e2: {  	v22 =	vld.idx.msk [tilespmem:v28+s13+$0x0], $0xffff;
	[tilespmem:s26+$0xC0] =	vst v23;
	v23 =	vor.u32 v1, v14  }
0x2e3: {  	[tilespmem:s26+$0xFFFFFFC0] =	vst v24;
	v24 =	vor.u32 v1, v16  }
0x2e4: {  	s30 =	sadd.s32 $0x200, s26;
	v12 =	vld.idx.msk [tilespmem:v12+s13+$0x0], $0xffff;
	[tilespmem:s26+$0x40] =	vst v19;
	v19 =	vor.u32 v1, v11  }
0x2e5: {  	v26 =	vor.u32 v4, v8;
	v18 =	vld.idx.msk [tilespmem:v18+s13+$0x0], $0xffff;
	[tilespmem:s30+$0x80] =	vst v25  }
0x2e6: {  	[tilespmem:s30+$0xFFFFFF80] =	vst v20;
	v25 =	vor.u32 v5, v9;
	v20 =	vld.idx.msk [tilespmem:v21+s13+$0x0], $0xffff  }
0x2e7: {  	v21 =	vld.idx.msk [tilespmem:v23+s13+$0x0], $0xffff;
	[tilespmem:s30+$0x0] =	vst v22;
	v22 =	vor.u32 v2, v17  }
0x2e8: {  	[tilespmem:s30+$0xFFFFFF00] =	vst v15;
	v15 =	vor.u32 v2, v14;
	v23 =	vld.idx.msk [tilespmem:v24+s13+$0x0], $0xffff  }
0x2e9: {  	[tilespmem:s0+$0xFFFFFF70] =	vst v12;
	v12 =	vld.idx.msk [tilespmem:v19+s13+$0x0], $0xffff;
	v19 =	vor.u32 v2, v16  }
0x2ea: {  	v24 =	vld.idx.msk [tilespmem:v26+s13+$0x0], $0xffff;
	[tilespmem:s26+$0xD0] =	vst v18;
	v18 =	vor.u32 v2, v11  }
0x2eb: {  	v26 =	vor.u32 v6, v13;
	v25 =	vld.idx.msk [tilespmem:v25+s13+$0x0], $0xffff;
	[tilespmem:s30+$0x90] =	vst v20  }
0x2ec: {  	v20 =	vor.u32 v5, v10;
	[tilespmem:s30+$0xFFFFFF90] =	vst v21;
	v21 =	vld.idx.msk [tilespmem:v22+s13+$0x0], $0xffff  }
0x2ed: {  	v15 =	vld.idx.msk [tilespmem:v15+s13+$0x0], $0xffff;
	[tilespmem:s30+$0x10] =	vst v23;
	v22 =	vor.u32 v3, v17  }
0x2ee: {  	[tilespmem:s30+$0xFFFFFF10] =	vst v12;
	v12 =	vor.u32 v3, v14;
	v19 =	vld.idx.msk [tilespmem:v19+s13+$0x0], $0xffff  }
0x2ef: {  	[tilespmem:s26+$0xFFFFFF40] =	vst v24;
	v23 =	vor.u32 v3, v16;
	v18 =	vld.idx.msk [tilespmem:v18+s13+$0x0], $0xffff  }
0x2f0: {  	v24 =	vld.idx.msk [tilespmem:v26+s13+$0x0], $0xffff;
	[tilespmem:s26+$0xFFFFFFD0] =	vst v25;
	v25 =	vor.u32 v3, v11  }
0x2f1: {  	v26 =	vor.u32 v5, v8;
	v20 =	vld.idx.msk [tilespmem:v20+s13+$0x0], $0xffff;
	[tilespmem:s30+$0xA0] =	vst v21  }
0x2f2: {  	v13 =	vor.u32 v7, v13;
	[tilespmem:s30+$0xFFFFFFA0] =	vst v15;
	v15 =	vld.idx.msk [tilespmem:v22+s13+$0x0], $0xffff  }
0x2f3: {  	v12 =	vld.idx.msk [tilespmem:v12+s13+$0x0], $0xffff;
	[tilespmem:s30+$0x20] =	vst v19;
	v19 =	vor.u32 v4, v17  }
0x2f4: {  	[tilespmem:s30+$0xFFFFFF20] =	vst v18;
	v18 =	vor.u32 v4, v14;
	v21 =	vld.idx.msk [tilespmem:v23+s13+$0x0], $0xffff  }
0x2f5: {  	[tilespmem:s26+$0xE0] =	vst v24;
	v23 =	vor.u32 v4, v16;
	v22 =	vld.idx.msk [tilespmem:v25+s13+$0x0], $0xffff  }
0x2f6: {  	v24 =	vld.idx.msk [tilespmem:v26+s13+$0x0], $0xffff;
	[tilespmem:s26+$0x50] =	vst v20;
	v20 =	vor.u32 v4, v11  }
0x2f7: {  	v13 =	vld.idx.msk [tilespmem:v13+s13+$0x0], $0xffff;
	v25 =	vor.u32 v6, v9;
	[tilespmem:s30+$0xB0] =	vst v15  }
0x2f8: {  	v15 =	vor.u32 v6, v10;
	[tilespmem:s30+$0xFFFFFFB0] =	vst v12;
	v12 =	vld.idx.msk [tilespmem:v19+s13+$0x0], $0xffff  }
0x2f9: {  	v18 =	vld.idx.msk [tilespmem:v18+s13+$0x0], $0xffff;
	[tilespmem:s30+$0x30] =	vst v21;
	v19 =	vor.u32 v5, v17  }
0x2fa: {  	v21 =	vld.idx.msk [tilespmem:v23+s13+$0x0], $0xffff;
	[tilespmem:s30+$0xFFFFFF30] =	vst v22;
	v22 =	vor.u32 v5, v14  }
0x2fb: {  	[tilespmem:s26+$0xFFFFFF50] =	vst v24;
	v23 =	vor.u32 v5, v16;
	v20 =	vld.idx.msk [tilespmem:v20+s13+$0x0], $0xffff  }
0x2fc: {  	[tilespmem:s26+$0xF0] =	vst v13;
	v13 =	vor.u32 v5, v11;
	v24 =	vld.idx.msk [tilespmem:v25+s13+$0x0], $0xffff  }
0x2fd: {  	v25 =	vor.u32 v6, v8;
	v15 =	vld.idx.msk [tilespmem:v15+s13+$0x0], $0xffff;
	[tilespmem:s30+$0xC0] =	vst v12  }
0x2fe: {  	v9 =	vor.u32 v7, v9;
	[tilespmem:s30+$0xFFFFFFC0] =	vst v18;
	v12 =	vld.idx.msk [tilespmem:v19+s13+$0x0], $0xffff  }
0x2ff: {  	v18 =	vld.idx.msk [tilespmem:v22+s13+$0x0], $0xffff;
	[tilespmem:s30+$0x40] =	vst v21;
	v19 =	vor.u32 v6, v17  }
0x300: {  	v22 =	vor.u32 v6, v14;
	v21 =	vld.idx.msk [tilespmem:v23+s13+$0x0], $0xffff;
	[tilespmem:s30+$0xFFFFFF40] =	vst v20  }
0x301: {  	[tilespmem:s26+$0xFFFFFFE0] =	vst v24;
	v20 =	vor.u32 v6, v16;
	v13 =	vld.idx.msk [tilespmem:v13+s13+$0x0], $0xffff  }
0x302: {  	v23 =	vld.idx.msk [tilespmem:v25+s13+$0x0], $0xffff;
	[tilespmem:s26+$0x60] =	vst v15;
	v15 =	vor.u32 v6, v11  }
0x303: {  	v10 =	vor.u32 v7, v10;
	v9 =	vld.idx.msk [tilespmem:v9+s13+$0x0], $0xffff;
	[tilespmem:s30+$0xD0] =	vst v12  }
0x304: {  	v8 =	vor.u32 v7, v8;
	[tilespmem:s30+$0xFFFFFFD0] =	vst v18;
	v12 =	vld.idx.msk [tilespmem:v19+s13+$0x0], $0xffff  }
0x305: {  	v17 =	vor.u32 v7, v17;
	v18 =	vld.idx.msk [tilespmem:v22+s13+$0x0], $0xffff;
	[tilespmem:s30+$0x50] =	vst v21  }
0x306: {  	v14 =	vor.u32 v7, v14;
	[tilespmem:s30+$0xFFFFFF50] =	vst v13;
	v13 =	vld.idx.msk [tilespmem:v20+s13+$0x0], $0xffff  }
0x307: {  	v16 =	vor.u32 v7, v16;
	[tilespmem:s26+$0xFFFFFF60] =	vst v23;
	v15 =	vld.idx.msk [tilespmem:v15+s13+$0x0], $0xffff  }
0x308: {  	v10 =	vld.idx.msk [tilespmem:v10+s13+$0x0], $0xffff;
	[tilespmem:s26+$0xFFFFFFF0] =	vst v9;
	v9 =	vor.u32 v7, v11  }
0x309: {  	v8 =	vld.idx.msk [tilespmem:v8+s13+$0x0], $0xffff;
	[tilespmem:s30+$0xE0] =	vst v12  }
0x30a: {  	[tilespmem:s30+$0xFFFFFFE0] =	vst v18;
	v11 =	vld.idx.msk [tilespmem:v17+s13+$0x0], $0xffff  }
0x30b: {  	v12 =	vld.idx.msk [tilespmem:v14+s13+$0x0], $0xffff;
	[tilespmem:s30+$0x60] =	vst v13  }
0x30c: {  	v13 =	vld.idx.msk [tilespmem:v16+s13+$0x0], $0xffff;
	[tilespmem:s30+$0xFFFFFF60] =	vst v15  }
0x30d: {  	[tilespmem:s26+$0x70] =	vst v10;
	v9 =	vld.idx.msk [tilespmem:v9+s13+$0x0], $0xffff  }
0x30e: {  	[tilespmem:s26+$0xFFFFFF70] =	vst v8  }
0x30f: {  	[tilespmem:s30+$0xF0] =	vst v11  }
0x310: {  	s31 =	simm.s32 $0x3;
	[tilespmem:s30+$0xFFFFFFF0] =	vst v12  }
0x311: {  	s16 =	simm.s32 $0x1;
	v8 =	vmov s31;
	[tilespmem:s30+$0x70] =	vst v13  }
0x312: {  	v8 =	vand.u32 $0x1F, v8;
	[tilespmem:s30+$0xFFFFFF70] =	vst v9;
	v9 =	vmov s16;
	s16 =	simm.s32 $0x2  }
0x313: {  	v14 =	vbroadcast v8, $0x0;
	_ =	swait.ge [sflag:s21], $0x1000;
	v9 =	vand.u32 $0x1D, v9;
	v10 =	vmov s16  }
0x314: {  	s18 =	simm.s32 $0x0;
	[sflag:s21] =	ssyncset.done $0x0;
	v17 =	vbroadcast v9, $0x0;
	v8 =	vand.u32 $0x1E, v10  }
0x315: {  	v9 =	vmov s18;
	[sflag:s21] =	ssyncadd.s32 $0xFFFFF000;
	v16 =	vbroadcast v8, $0x0;
	v8 =	vor.u32 v0, v14  }
0x316: {  	v9 =	vand.u32 $0x1C, v9;
	[hbm4b:s23+s10] =	stream.strided.scatter [tilespmem:s17], [sflag:$0x2], $0x1000, s11, s10, $0x38;
	v10 =	vor.u32 v0, v17;
	[tilespmem:$0xA400] =	vst v63  }
0x317: {  	v12 =	vbroadcast v9, $0x0;
	_ =	swait.ge [sflag:s15], $0x1000;
	v9 =	vor.u32 v0, v16  }
0x318: {  	[sflag:s15] =	ssyncset.done $0x0  }
0x319: {  	v11 =	vor.u32 v0, v12;
	[sflag:s15] =	ssyncadd.s32 $0xFFFFF000  }
0x31a: {  	v8 =	vld.idx.msk [tilespmem:v8+s14+$0x0], $0xffff  }
0x31b: {  	v13 =	vor.u32 v1, v14;
	v10 =	vld.idx.msk [tilespmem:v10+s14+$0x0], $0xffff  }
0x31c: {  	v15 =	vor.u32 v1, v17;
	v9 =	vld.idx.msk [tilespmem:v9+s14+$0x0], $0xffff  }
0x31d: {  	v18 =	vor.u32 v1, v16  }
0x31e: {  	s0 =	simm.s32 $0x9500;
	v11 =	vld.idx.msk [tilespmem:v11+s14+$0x0], $0xffff  }
0x31f: {  	v19 =	vor.u32 v1, v12;
	[tilespmem:s0+$0x80] =	vst v8  }
0x320: {  	[tilespmem:s0+$0xFFFFFF80] =	vst v10;
	v8 =	vld.idx.msk [tilespmem:v13+s14+$0x0], $0xffff  }
0x321: {  	v10 =	vld.idx.msk [tilespmem:v15+s14+$0x0], $0xffff;
	[tilespmem:s0+$0x0] =	vst v9;
	v9 =	vor.u32 v2, v14  }
0x322: {  	v15 =	vor.u32 v2, v17;
	v13 =	vld.idx.msk [tilespmem:v18+s14+$0x0], $0xffff  }
0x323: {  	[tilespmem:s0+$0xFFFFFF00] =	vst v11;
	v11 =	vor.u32 v2, v16  }
0x324: {  	v18 =	vld.idx.msk [tilespmem:v19+s14+$0x0], $0xffff  }
0x325: {  	s26 =	simm.s32 $0x4;
	v19 =	vor.u32 v2, v12;
	[tilespmem:s0+$0x90] =	vst v8  }
0x326: {  	v8 =	vmov s26;
	[tilespmem:s0+$0xFFFFFF90] =	vst v10;
	v10 =	vld.idx.msk [tilespmem:v9+s14+$0x0], $0xffff  }
0x327: {  	s28 =	simm.s32 $0x5;
	v8 =	vand.u32 $0x1C, v8;
	v15 =	vld.idx.msk [tilespmem:v15+s14+$0x0], $0xffff;
	[tilespmem:s0+$0x10] =	vst v13;
	v13 =	vor.u32 v3, v14  }
0x328: {  	v20 =	vor.u32 v3, v17;
	v9 =	vmov s28;
	v8 =	vbroadcast v8, $0x0;
	v11 =	vld.idx.msk [tilespmem:v11+s14+$0x0], $0xffff  }
0x329: {  	v9 =	vand.u32 $0x1D, v9;
	[tilespmem:s0+$0xFFFFFF10] =	vst v18;
	v18 =	vor.u32 v3, v16  }
0x32a: {  	v9 =	vbroadcast v9, $0x0;
	v21 =	vor.u32 v0, v8;
	v19 =	vld.idx.msk [tilespmem:v19+s14+$0x0], $0xffff  }
0x32b: {  	s29 =	simm.s32 $0x7;
	v22 =	vor.u32 v3, v12;
	[tilespmem:s0+$0xA0] =	vst v10  }
0x32c: {  	s30 =	simm.s32 $0x6;
	v23 =	vor.u32 v0, v9;
	v10 =	vmov s29;
	[tilespmem:s0+$0xFFFFFFA0] =	vst v15;
	v15 =	vld.idx.msk [tilespmem:v13+s14+$0x0], $0xffff  }
0x32d: {  	v25 =	vmov s30;
	v10 =	vand.u32 $0x1F, v10;
	v20 =	vld.idx.msk [tilespmem:v20+s14+$0x0], $0xffff;
	[tilespmem:s0+$0x20] =	vst v11;
	v11 =	vor.u32 v4, v14  }
0x32e: {  	v24 =	vor.u32 v4, v17;
	v13 =	vbroadcast v10, $0x0;
	v10 =	vand.u32 $0x1E, v25;
	v18 =	vld.idx.msk [tilespmem:v18+s14+$0x0], $0xffff  }
0x32f: {  	v21 =	vld.idx.msk [tilespmem:v21+s14+$0x0], $0xffff;
	[tilespmem:s0+$0xFFFFFF20] =	vst v19;
	v19 =	vor.u32 v4, v16;
	v10 =	vbroadcast v10, $0x0  }
0x330: {  	v22 =	vld.idx.msk [tilespmem:v22+s14+$0x0], $0xffff;
	v25 =	vor.u32 v0, v13  }
0x331: {  	v23 =	vld.idx.msk [tilespmem:v23+s14+$0x0], $0xffff;
	v26 =	vor.u32 v0, v10;
	[tilespmem:s0+$0xB0] =	vst v15  }
0x332: {  	s1 =	simm.s32 $0x8;
	v15 =	vor.u32 v4, v12;
	[tilespmem:s0+$0xFFFFFFB0] =	vst v20;
	v20 =	vld.idx.msk [tilespmem:v11+s14+$0x0], $0xffff  }
0x333: {  	v11 =	vmov s1;
	v24 =	vld.idx.msk [tilespmem:v24+s14+$0x0], $0xffff;
	[tilespmem:s0+$0x30] =	vst v18;
	v18 =	vor.u32 v5, v14  }
0x334: {  	v27 =	vor.u32 v5, v17;
	v11 =	vand.u32 $0x1C, v11;
	v19 =	vld.idx.msk [tilespmem:v19+s14+$0x0], $0xffff  }
0x335: {  	s26 =	simm.s32 $0x9700;
	v11 =	vbroadcast v11, $0x0;
	[tilespmem:s0+$0xFFFFFF30] =	vst v22;
	v22 =	vld.idx.msk [tilespmem:v25+s14+$0x0], $0xffff;
	v25 =	vor.u32 v5, v16  }
0x336: {  	v30 =	vor.u32 v1, v13;
	[tilespmem:s26+$0xFFFFFF80] =	vst v23;
	v26 =	vld.idx.msk [tilespmem:v26+s14+$0x0], $0xffff  }
0x337: {  	v28 =	vor.u32 v0, v11;
	v29 =	vld.idx.msk [tilespmem:v15+s14+$0x0], $0xffff;
	[tilespmem:s0+$0xC0] =	vst v20  }
0x338: {  	v20 =	vor.u32 v1, v9;
	[tilespmem:s0+$0xFFFFFFC0] =	vst v24;
	v18 =	vld.idx.msk [tilespmem:v18+s14+$0x0], $0xffff  }
0x339: {  	v23 =	vor.u32 v5, v12;
	v27 =	vld.idx.msk [tilespmem:v27+s14+$0x0], $0xffff;
	[tilespmem:s0+$0x40] =	vst v19  }
0x33a: {  	[tilespmem:s26+$0x80] =	vst v22;
	v19 =	vld.idx.msk [tilespmem:v25+s14+$0x0], $0xffff;
	v25 =	vor.u32 v6, v14  }
0x33b: {  	v24 =	vor.u32 v1, v10;
	v22 =	vld.idx.msk [tilespmem:v30+s14+$0x0], $0xffff  }
0x33c: {  	[tilespmem:s26+$0x0] =	vst v26;
	v15 =	vld.idx.msk [tilespmem:v28+s14+$0x0], $0xffff;
	v28 =	vor.u32 v1, v8  }
0x33d: {  	v26 =	vor.u32 v6, v17;
	[tilespmem:s0+$0xFFFFFF40] =	vst v29;
	v20 =	vld.idx.msk [tilespmem:v20+s14+$0x0], $0xffff  }
0x33e: {  	v30 =	vor.u32 v2, v13;
	v23 =	vld.idx.msk [tilespmem:v23+s14+$0x0], $0xffff;
	[tilespmem:s0+$0xD0] =	vst v18  }
0x33f: {  	[tilespmem:s26+$0xFFFFFF00] =	vst v21;
	v21 =	vor.u32 v2, v9;
	v25 =	vld.idx.msk [tilespmem:v25+s14+$0x0], $0xffff  }
0x340: {  	v14 =	vor.u32 v7, v14;
	v24 =	vld.idx.msk [tilespmem:v24+s14+$0x0], $0xffff;
	[tilespmem:s0+$0xFFFFFFD0] =	vst v27  }
0x341: {  	v31 =	vor.u32 v2, v10;
	[tilespmem:s26+$0x90] =	vst v22;
	v28 =	vld.idx.msk [tilespmem:v28+s14+$0x0], $0xffff  }
0x342: {  	v32 =	vor.u32 v6, v12;
	v18 =	vld.idx.msk [tilespmem:v26+s14+$0x0], $0xffff;
	[tilespmem:s26+$0xFFFFFF90] =	vst v20  }
0x343: {  	s31 =	simm.s32 $0x9;
	v27 =	vor.u32 v2, v8;
	v20 =	vld.idx.msk [tilespmem:v30+s14+$0x0], $0xffff;
	[tilespmem:s0+$0xFFFFFF50] =	vst v23  }
0x344: {  	v22 =	vor.u32 v6, v16;
	v30 =	vld.idx.msk [tilespmem:v21+s14+$0x0], $0xffff;
	v21 =	vmov s31;
	[tilespmem:s0+$0xE0] =	vst v25  }
0x345: {  	v33 =	vor.u32 v3, v13;
	[tilespmem:s26+$0x10] =	vst v24;
	v26 =	vld.idx.msk [tilespmem:v14+s14+$0x0], $0xffff;
	v14 =	vand.u32 $0x1D, v21  }
0x346: {  	v31 =	vld.idx.msk [tilespmem:v31+s14+$0x0], $0xffff;
	[tilespmem:s26+$0xFFFFFF10] =	vst v28;
	v28 =	vor.u32 v3, v9;
	v14 =	vbroadcast v14, $0x0  }
0x347: {  	v29 =	vor.u32 v3, v10;
	[tilespmem:s0+$0x50] =	vst v19;
	v19 =	vld.idx.msk [tilespmem:v32+s14+$0x0], $0xffff  }
0x348: {  	v24 =	vld.idx.msk [tilespmem:v27+s14+$0x0], $0xffff;
	[tilespmem:s26+$0xA0] =	vst v20;
	v20 =	vor.u32 v0, v14  }
0x349: {  	v21 =	vld.idx.msk [tilespmem:v22+s14+$0x0], $0xffff;
	v27 =	vor.u32 v3, v8  }
0x34a: {  	v25 =	vor.u32 v7, v17;
	[tilespmem:s26+$0xFFFFFFA0] =	vst v30;
	v22 =	vld.idx.msk [tilespmem:v33+s14+$0x0], $0xffff  }
0x34b: {  	s16 =	simm.s32 $0xC;
	s18 =	simm.s32 $0xB;
	[tilespmem:s26+$0x20] =	vst v31;
	v23 =	vld.idx.msk [tilespmem:v28+s14+$0x0], $0xffff;
	v28 =	vor.u32 v7, v16  }
.LBB2_14:
0x34c: {  	p0 =	slt.u32 s16, $0x1C;
	v16 =	vmov s18;
	v17 =	vld.idx.msk [tilespmem:v29+s14+$0x0], $0xffff;
	v29 =	vor.u32 v4, v13;
	[tilespmem:s0+$0xF0] =	vst v26  }
0x34d: {  	s18 =	sadd.s32 $0x2, s1;
	s1 =	smov.u32 s16;
	v20 =	vld.idx.msk [tilespmem:v20+s14+$0x0], $0xffff;
	v16 =	vand.u32 $0x1F, v16;
	[tilespmem:s26+$0xFFFFFF20] =	vst v24;
	v24 =	vor.u32 v4, v9  }
0x34e: {  	v30 =	vor.u32 v4, v10;
	v26 =	vmov s18;
	v16 =	vbroadcast v16, $0x0;
	v27 =	vld.idx.msk [tilespmem:v27+s14+$0x0], $0xffff;
	[tilespmem:s0+$0xFFFFFFE0] =	vst v18  }
0x34f: {  	v18 =	vand.u32 $0x1E, v26;
	v26 =	vor.u32 v7, v12;
	v12 =	vmovc v8;
	v8 =	vmov v11;
	v25 =	vld.idx.msk [tilespmem:v25+s14+$0x0], $0xffff;
	[tilespmem:s0+$0x60] =	vst v21  }
0x350: {  	v31 =	vbroadcast v18, $0x0;
	v18 =	vor.u32 v0, v16;
	[tilespmem:s26+$0xB0] =	vst v22;
	v21 =	vld.idx.msk [tilespmem:v28+s14+$0x0], $0xffff  }
0x351: {  	v22 =	vor.u32 v4, v12;
	[tilespmem:s26+$0xFFFFFFB0] =	vst v23;
	v23 =	vld.idx.msk [tilespmem:v29+s14+$0x0], $0xffff  }
0x352: {  	v11 =	vmov s16;
	v28 =	vor.u32 v0, v31;
	v24 =	vld.idx.msk [tilespmem:v24+s14+$0x0], $0xffff;
	[tilespmem:s26+$0x30] =	vst v17  }
0x353: {  	v11 =	vand.u32 $0x1C, v11;
	v29 =	vor.u32 v5, v13;
	v17 =	vld.idx.msk [tilespmem:v30+s14+$0x0], $0xffff;
	[tilespmem:s0+$0xFFFFFF60] =	vst v19  }
0x354: {  	v11 =	vbroadcast v11, $0x0;
	v19 =	vor.u32 v5, v9;
	[tilespmem:s26+$0xFFFFFF30] =	vst v27;
	v26 =	vld.idx.msk [tilespmem:v26+s14+$0x0], $0xffff  }
0x355: {  	v27 =	vor.u32 v5, v10;
	v18 =	vld.idx.msk [tilespmem:v18+s14+$0x0], $0xffff;
	[tilespmem:s0+$0xFFFFFFF0] =	vst v25  }
0x356: {  	v25 =	vor.u32 v0, v11;
	v22 =	vld.idx.msk [tilespmem:v22+s14+$0x0], $0xffff;
	[tilespmem:s0+$0x70] =	vst v21  }
0x357: {  	v21 =	vld.idx.msk [tilespmem:v28+s14+$0x0], $0xffff;
	v28 =	vor.u32 v1, v16;
	[tilespmem:s26+$0xC0] =	vst v23  }
0x358: {  	v23 =	vor.u32 v1, v14;
	[tilespmem:s26+$0xFFFFFFC0] =	vst v24;
	v24 =	vld.idx.msk [tilespmem:v29+s14+$0x0], $0xffff  }
0x359: {  	v29 =	vor.u32 v1, v31;
	v19 =	vld.idx.msk [tilespmem:v19+s14+$0x0], $0xffff;
	[tilespmem:s26+$0x40] =	vst v17  }
0x35a: {  	v17 =	vld.idx.msk [tilespmem:v27+s14+$0x0], $0xffff;
	v27 =	vor.u32 v6, v13;
	[tilespmem:s0+$0xFFFFFF70] =	vst v26;
	s0 =	smov.u32 s26;
	s26 =	sadd.s32 $0x200, s26  }
0x35b: {  	v26 =	vor.u32 v1, v8;
	v25 =	vld.idx.msk [tilespmem:v25+s14+$0x0], $0xffff;
	[tilespmem:s26+$0x80] =	vst v18  }
0x35c: {  	[tilespmem:s26+$0xFFFFFF80] =	vst v20;
	v18 =	vld.idx.msk [tilespmem:v28+s14+$0x0], $0xffff;
	v20 =	vor.u32 v5, v12  }
0x35d: {  	v23 =	vld.idx.msk [tilespmem:v23+s14+$0x0], $0xffff;
	[tilespmem:s26+$0x0] =	vst v21;
	v21 =	vor.u32 v6, v9  }
0x35e: {  	v28 =	vld.idx.msk [tilespmem:v29+s14+$0x0], $0xffff;
	v29 =	vor.u32 v2, v16;
	[tilespmem:s0+$0xD0] =	vst v24  }
0x35f: {  	v24 =	vor.u32 v2, v14;
	[tilespmem:s26+$0xFFFFFF00] =	vst v15;
	v27 =	vld.idx.msk [tilespmem:v27+s14+$0x0], $0xffff  }
0x360: {  	v30 =	vor.u32 v2, v31;
	v26 =	vld.idx.msk [tilespmem:v26+s14+$0x0], $0xffff;
	[tilespmem:s0+$0xFFFFFF40] =	vst v22  }
0x361: {  	v15 =	vmov v25;
	v22 =	vld.idx.msk [tilespmem:v20+s14+$0x0], $0xffff;
	[tilespmem:s0+$0xFFFFFFD0] =	vst v19;
	v19 =	vor.u32 v7, v13;
	v13 =	vmov v16  }
0x362: {  	v16 =	vor.u32 v2, v8;
	[tilespmem:s26+$0x90] =	vst v18;
	v18 =	vld.idx.msk [tilespmem:v21+s14+$0x0], $0xffff  }
0x363: {  	s18 =	sadd.s32 $0x1, s16;
	v21 =	vor.u32 v6, v10;
	[tilespmem:s26+$0xFFFFFF90] =	vst v23;
	v23 =	vld.idx.msk [tilespmem:v29+s14+$0x0], $0xffff  }
0x364: {  	v20 =	vmov s18;
	v25 =	vld.idx.msk [tilespmem:v24+s14+$0x0], $0xffff;
	[tilespmem:s26+$0x10] =	vst v28;
	v28 =	vor.u32 v6, v12  }
0x365: {  	v20 =	vand.u32 $0x1D, v20;
	v32 =	vor.u32 v3, v13;
	v30 =	vld.idx.msk [tilespmem:v30+s14+$0x0], $0xffff;
	[tilespmem:s0+$0xE0] =	vst v27  }
0x366: {  	v34 =	vor.u32 v3, v14;
	v33 =	vbroadcast v20, $0x0;
	[tilespmem:s26+$0xFFFFFF10] =	vst v26;
	v26 =	vld.idx.msk [tilespmem:v19+s14+$0x0], $0xffff  }
.Ltmp6:
0x367: {  	v29 =	vor.u32 v3, v31;
	v24 =	vld.idx.msk [tilespmem:v16+s14+$0x0], $0xffff;
	[tilespmem:s0+$0x50] =	vst v17;
	(pc) =	sbr.rel @p0 .LBB2_14-.Ltmp6, $4  }
0x368: {  	v20 =	vor.u32 v0, v33;
	[tilespmem:s0+$0xFFFFFF50] =	vst v22;
	v21 =	vld.idx.msk [tilespmem:v21+s14+$0x0], $0xffff  }
0x369: {  	v27 =	vor.u32 v3, v8;
	[tilespmem:s26+$0xA0] =	vst v23;
	v19 =	vld.idx.msk [tilespmem:v28+s14+$0x0], $0xffff  }
0x36a: {  	[tilespmem:s26+$0xFFFFFFA0] =	vst v25;
	v22 =	vld.idx.msk [tilespmem:v32+s14+$0x0], $0xffff;
	v25 =	vor.u32 v7, v9;
	v9 =	vmov v14;
	v14 =	vmov v33  }
0x36b: {  	s16 =	sadd.s32 $0x4, s16;
	s18 =	sadd.s32 $0x3, s1;
	v28 =	vor.u32 v7, v10;
	v10 =	vmov v31;
	v23 =	vld.idx.msk [tilespmem:v34+s14+$0x0], $0xffff;
	[tilespmem:s26+$0x20] =	vst v30  }
0x36c: {  	_ = 	snop  }
0x36d: {  	[tilespmem:s0+$0xF0] =	vst v26  }
0x36e: {  	[tilespmem:s26+$0xFFFFFF20] =	vst v24  }
0x36f: {  	v16 =	vmov s18;
	s1 =	sadd.s32 $0x2, s1;
	[tilespmem:s0+$0xFFFFFFE0] =	vst v18  }
0x370: {  	v63 =	vld.idx.msk [tilespmem:v29+s14+$0x0], $0xffff;
	v33 =	vor.u32 v4, v13;
	s31 =	sadd.s32 $0x200, s26;
	v16 =	vand.u32 $0x1F, v16;
	v30 =	vmov s1;
	[tilespmem:s0+$0x60] =	vst v21  }
0x371: {  	v34 =	vor.u32 v4, v9;
	v20 =	vld.idx.msk [tilespmem:v20+s14+$0x0], $0xffff;
	[tilespmem:s31+$0xFFFFFF00] =	vst v15;
	v17 =	vbroadcast v16, $0x0;
	v37 =	vand.u32 $0x1E, v30  }
0x372: {  	v12 =	vor.u32 v7, v12;
	v35 =	vld.idx.msk [tilespmem:v27+s14+$0x0], $0xffff;
	[tilespmem:s0+$0xFFFFFF60] =	vst v19;
	v16 =	vbroadcast v37, $0x0  }
0x373: {  	v38 =	vld.idx.msk [tilespmem:v25+s14+$0x0], $0xffff;
	[tilespmem:s26+$0xB0] =	vst v22;
	v39 =	vor.u32 v0, v17  }
0x374: {  	v40 =	vld.idx.msk [tilespmem:v28+s14+$0x0], $0xffff;
	[tilespmem:s26+$0xFFFFFFB0] =	vst v23;
	v42 =	vor.u32 v0, v16  }
0x375: {  	v49 =	vor.u32 v1, v11;
	v41 =	vld.idx.msk [tilespmem:v33+s14+$0x0], $0xffff;
	[tilespmem:s26+$0x30] =	vst v63  }
0x376: {  	v47 =	vor.u32 v1, v14;
	v24 =	vld.idx.msk [tilespmem:v34+s14+$0x0], $0xffff;
	[tilespmem:s31+$0xFFFFFF80] =	vst v20  }
0x377: {  	v36 =	vor.u32 v4, v10;
	v12 =	vld.idx.msk [tilespmem:v12+s14+$0x0], $0xffff;
	[tilespmem:s26+$0xFFFFFF30] =	vst v35  }
0x378: {  	v44 =	vor.u32 v5, v13;
	[tilespmem:s0+$0xFFFFFFF0] =	vst v38;
	v25 =	vld.idx.msk [tilespmem:v39+s14+$0x0], $0xffff  }
0x379: {  	v45 =	vor.u32 v1, v17;
	[tilespmem:s0+$0x70] =	vst v40;
	v46 =	vld.idx.msk [tilespmem:v42+s14+$0x0], $0xffff  }
0x37a: {  	v48 =	vor.u32 v1, v16;
	v57 =	vld.idx.msk [tilespmem:v49+s14+$0x0], $0xffff;
	[tilespmem:s26+$0xC0] =	vst v41  }
0x37b: {  	v50 =	vor.u32 v4, v8;
	v53 =	vld.idx.msk [tilespmem:v47+s14+$0x0], $0xffff;
	[tilespmem:s26+$0xFFFFFFC0] =	vst v24  }
0x37c: {  	v56 =	vor.u32 v2, v14;
	v43 =	vld.idx.msk [tilespmem:v36+s14+$0x0], $0xffff;
	[tilespmem:s0+$0xFFFFFF70] =	vst v12  }
0x37d: {  	v62 =	vor.u32 v5, v10;
	v18 =	vld.idx.msk [tilespmem:v44+s14+$0x0], $0xffff;
	[tilespmem:s31+$0x80] =	vst v25  }
0x37e: {  	v60 =	vor.u32 v2, v11;
	v52 =	vld.idx.msk [tilespmem:v45+s14+$0x0], $0xffff;
	[tilespmem:s31+$0x0] =	vst v46  }
0x37f: {  	v54 =	vor.u32 v2, v17;
	[tilespmem:s31+$0xFFFFFF10] =	vst v57;
	v55 =	vld.idx.msk [tilespmem:v48+s14+$0x0], $0xffff  }
0x380: {  	v58 =	vor.u32 v2, v16;
	v59 =	vld.idx.msk [tilespmem:v50+s14+$0x0], $0xffff;
	[tilespmem:s31+$0xFFFFFF90] =	vst v53  }
0x381: {  	v33 =	vor.u32 v5, v8;
	[tilespmem:s26+$0x40] =	vst v43;
	v15 =	vld.idx.msk [tilespmem:v56+s14+$0x0], $0xffff  }
0x382: {  	v61 =	vor.u32 v6, v13;
	v20 =	vld.idx.msk [tilespmem:v62+s14+$0x0], $0xffff;
	[tilespmem:s26+$0xD0] =	vst v18  }
0x383: {  	v29 =	vor.u32 v3, v14;
	v18 =	vld.idx.msk [tilespmem:v60+s14+$0x0], $0xffff;
	[tilespmem:s31+$0x90] =	vst v52  }
0x384: {  	v32 =	vor.u32 v3, v11;
	v63 =	vld.idx.msk [tilespmem:v54+s14+$0x0], $0xffff;
	[tilespmem:s31+$0x10] =	vst v55  }
0x385: {  	v28 =	vor.u32 v3, v17;
	[tilespmem:s26+$0xFFFFFF40] =	vst v59;
	v19 =	vld.idx.msk [tilespmem:v58+s14+$0x0], $0xffff  }
0x386: {  	v30 =	vor.u32 v3, v16;
	v41 =	vld.idx.msk [tilespmem:v33+s14+$0x0], $0xffff;
	[tilespmem:s31+$0xFFFFFFA0] =	vst v15  }
0x387: {  	v51 =	vor.u32 v5, v9;
	v31 =	vld.idx.msk [tilespmem:v61+s14+$0x0], $0xffff;
	[tilespmem:s26+$0x50] =	vst v20  }
0x388: {  	v34 =	vor.u32 v7, v13;
	v12 =	vld.idx.msk [tilespmem:v29+s14+$0x0], $0xffff;
	[tilespmem:s31+$0xFFFFFF20] =	vst v18  }
0x389: {  	v38 =	vor.u32 v4, v14;
	v39 =	vld.idx.msk [tilespmem:v32+s14+$0x0], $0xffff;
	[tilespmem:s31+$0xA0] =	vst v63  }
0x38a: {  	v42 =	vor.u32 v4, v11;
	v35 =	vld.idx.msk [tilespmem:v28+s14+$0x0], $0xffff;
	[tilespmem:s31+$0x20] =	vst v19  }
0x38b: {  	v36 =	vor.u32 v4, v17;
	[tilespmem:s26+$0xFFFFFF50] =	vst v41;
	v37 =	vld.idx.msk [tilespmem:v30+s14+$0x0], $0xffff  }
0x38c: {  	v40 =	vor.u32 v4, v16;
	v25 =	vld.idx.msk [tilespmem:v51+s14+$0x0], $0xffff;
	[tilespmem:s26+$0xE0] =	vst v31  }
0x38d: {  	v44 =	vor.u32 v6, v10;
	v13 =	vld.idx.msk [tilespmem:v34+s14+$0x0], $0xffff;
	[tilespmem:s31+$0xFFFFFFB0] =	vst v12  }
0x38e: {  	v43 =	vor.u32 v6, v9;
	v18 =	vld.idx.msk [tilespmem:v38+s14+$0x0], $0xffff;
	[tilespmem:s31+$0xFFFFFF30] =	vst v39  }
0x38f: {  	v47 =	vor.u32 v5, v14;
	v20 =	vld.idx.msk [tilespmem:v42+s14+$0x0], $0xffff;
	[tilespmem:s31+$0xB0] =	vst v35  }
0x390: {  	v50 =	vor.u32 v5, v11;
	v45 =	vld.idx.msk [tilespmem:v36+s14+$0x0], $0xffff;
	[tilespmem:s31+$0x30] =	vst v37  }
0x391: {  	v46 =	vor.u32 v5, v17;
	[tilespmem:s26+$0xFFFFFFD0] =	vst v25;
	v21 =	vld.idx.msk [tilespmem:v40+s14+$0x0], $0xffff  }
0x392: {  	v48 =	vor.u32 v5, v16;
	v15 =	vld.idx.msk [tilespmem:v44+s14+$0x0], $0xffff;
	[tilespmem:s26+$0xF0] =	vst v13  }
0x393: {  	v51 =	vor.u32 v6, v8;
	v49 =	vld.idx.msk [tilespmem:v43+s14+$0x0], $0xffff;
	[tilespmem:s31+$0xFFFFFFC0] =	vst v18  }
0x394: {  	v52 =	vor.u32 v7, v9;
	v18 =	vld.idx.msk [tilespmem:v47+s14+$0x0], $0xffff;
	[tilespmem:s31+$0xFFFFFF40] =	vst v20  }
0x395: {  	v54 =	vor.u32 v6, v14;
	v13 =	vld.idx.msk [tilespmem:v50+s14+$0x0], $0xffff;
	[tilespmem:s31+$0xC0] =	vst v45  }
0x396: {  	v57 =	vor.u32 v6, v11;
	v12 =	vld.idx.msk [tilespmem:v46+s14+$0x0], $0xffff;
	[tilespmem:s31+$0x40] =	vst v21  }
0x397: {  	v53 =	vor.u32 v6, v17;
	[tilespmem:s26+$0x60] =	vst v15;
	v21 =	vld.idx.msk [tilespmem:v48+s14+$0x0], $0xffff  }
0x398: {  	v56 =	vld.idx.msk [tilespmem:v51+s14+$0x0], $0xffff;
	v55 =	vor.u32 v6, v16;
	[tilespmem:s26+$0xFFFFFFE0] =	vst v49  }
0x399: {  	v8 =	vor.u32 v7, v8;
	v9 =	vld.idx.msk [tilespmem:v52+s14+$0x0], $0xffff;
	[tilespmem:s31+$0xFFFFFFD0] =	vst v18  }
0x39a: {  	v58 =	vor.u32 v7, v10;
	v18 =	vld.idx.msk [tilespmem:v54+s14+$0x0], $0xffff;
	[tilespmem:s31+$0xFFFFFF50] =	vst v13  }
0x39b: {  	v60 =	vor.u32 v7, v14;
	v15 =	vld.idx.msk [tilespmem:v57+s14+$0x0], $0xffff;
	[tilespmem:s31+$0xD0] =	vst v12  }
0x39c: {  	v61 =	vor.u32 v7, v11;
	v12 =	vld.idx.msk [tilespmem:v53+s14+$0x0], $0xffff;
	[tilespmem:s31+$0x50] =	vst v21  }
0x39d: {  	v17 =	vor.u32 v7, v17;
	[tilespmem:s26+$0xFFFFFF60] =	vst v56;
	v59 =	vld.idx.msk [tilespmem:v55+s14+$0x0], $0xffff  }
0x39e: {  	v16 =	vor.u32 v7, v16;
	v8 =	vld.idx.msk [tilespmem:v8+s14+$0x0], $0xffff;
	[tilespmem:s26+$0xFFFFFFF0] =	vst v9  }
0x39f: {  	v10 =	vld.idx.msk [tilespmem:v58+s14+$0x0], $0xffff;
	[tilespmem:s31+$0xFFFFFFE0] =	vst v18  }
0x3a0: {  	v63 =	vld.idx.msk [tilespmem:v60+s14+$0x0], $0xffff;
	[tilespmem:s31+$0xFFFFFF60] =	vst v15  }
0x3a1: {  	v9 =	vld.idx.msk [tilespmem:v61+s14+$0x0], $0xffff;
	[tilespmem:s31+$0xE0] =	vst v12  }
0x3a2: {  	v62 =	vld.idx.msk [tilespmem:v17+s14+$0x0], $0xffff;
	[tilespmem:s31+$0x60] =	vst v59  }
0x3a3: {  	[tilespmem:s26+$0xFFFFFF70] =	vst v8;
	v13 =	vld.idx.msk [tilespmem:v16+s14+$0x0], $0xffff  }
0x3a4: {  	[tilespmem:s26+$0x70] =	vst v10  }
0x3a5: {  	[tilespmem:s31+$0xFFFFFFF0] =	vst v63  }
0x3a6: {  	[tilespmem:s31+$0xFFFFFF70] =	vst v9  }
0x3a7: {  	[tilespmem:s31+$0xF0] =	vst v62  }
0x3a8: {  	[tilespmem:s31+$0x70] =	vst v13  }
0x3a9: {  	_ =	swait.ge [sflag:s22], $0x1000  }
0x3aa: {  	[sflag:s22] =	ssyncset.done $0x0  }
0x3ab: {  	s25 =	sadd.s32 $0x1, s25;
	[sflag:s22] =	ssyncadd.s32 $0xFFFFF000  }
0x3ac: {  	[hbm4b:s24+s10] =	stream.strided.scatter [tilespmem:s20], [sflag:$0x3], $0x1000, s11, s10, $0x38;
	[tilespmem:$0xA400] =	vst v63  }
0x3ad: {  	p0 =	sne.s32 s25, s9;
	_ =	swait.ge [sflag:s21], $0x1000  }
.Ltmp7:
0x3ae: {  	[sflag:s21] =	ssyncset.done $0x0;
	(pc) =	sbr.rel @p0 .LBB2_1-.Ltmp7, $4  }
0x3af: {  	[sflag:s21] =	ssyncadd.s32 $0xFFFFF000  }
0x3b0: {  	_ =	swait.ge [sflag:s22], $0x1000  }
0x3b1: {  	[sflag:s22] =	ssyncset.done $0x0  }
0x3b2: {  	[sflag:s22] =	ssyncadd.s32 $0xFFFFF000  }
0x3b3: {  	_ =	sfence.sel $0x180000  }
0x3b4: {  	[bflag:$0x0] =	sbarrier.arrive $0xFFFF  }
0x3b5: {  	_ =	strace $0x90000047  }
0x3b6: {  	s0 =	stileid.u32;
	[bflag:$0x2] =	sbarrier.arrive $0xFFFF  }
0x3b7: {  	p0 =	sne.s32 s0, $0x0;
	s0 =	rddreg [dreg:$0x2]  }
0x3b8: {  	s0 =	sadd.s32 @!p0 $0x100000, s0  }
0x3b9: {  	[sflag:s0] =	ssyncadd.tile.s32 @!p0 $0x1;
	_ =	shalt  }
.Lfunc_end2:
_tile_overlayer_lowered:
.L_overlay_start_2:
0x3ba: {  	(tag) =	ssettag $0x2  }
0x3bb: {  	s0 =	rddreg [dreg:$0x0];
	s2 =	stileid.u32  }
0x3bc: {  	s1 =	rddreg [dreg:$0x1];
	p0 =	sne.s32 s2, $0x0  }
0x3bd: {  	s3 =	rddreg [dreg:$0x2];
	[bflag:$0x3] =	sbarrier.arrive $0xFFFF;
	s2 =	simm.s32 @!p0 $0x1C04  }
0x3be: {  	[timem:s3], [sflag:s2] =	dma.local @!p0 [hbm:s0], s1  }
0x3bf: {  	s0 =	simm.s32 @!p0 $0x4  }
0x3c0: {  	_ =	swait.ge @!p0 [sflag:s0], s1  }
0x3c1: {  	s1 =	ssub.s32 @!p0 $0x0, s1;
	[sflag:s0] =	ssyncset.done @!p0 $0x0  }
0x3c2: {  	[sflag:s0] =	ssyncadd.s32 @!p0 s1  }
0x3c3: {  	[bflag:$0x3] =	sbarrier.arrive $0xFFFF  }
0x3c4: {  	_ =	shalt  }

</sc_bundles>
